<compile_context>
chip_gen: v7x
topology: tpu7x:2x2x1
jax: 0.10.2.dev20260603
libtpu: 0.0.44.dev20260713+nightly
codegen_flags: <defaults>
</compile_context>

<pallas_src>
import functools
import math

import jax
import jax.numpy as jnp
from jax import lax
from jax.experimental import pallas as pl
from jax.experimental.pallas import tpu as pltpu
from jax.experimental.pallas import tpu_sc as plsc

N = 10000
E = 320000
D = 128
DE = 16
H = 16
DOUT = 128
COS = math.cos(math.pi / 8)
SIN = math.sin(math.pi / 8)
INV_SQRT_NN = 1.0 / math.sqrt(32.0)
INV_SQRT_H = 1.0 / math.sqrt(float(H))

NC, NS = 2, 16
NW = NC * NS
EPW = E // NW
CHUNK = 40
NCHUNK = EPW // CHUNK
ZROWS = 40
NZB = N // ZROWS


def _self_body(x_ref, w_ref, nf_ref, nso_ref):
    t = jnp.dot(x_ref[...], w_ref[...], preferred_element_type=jnp.float32)
    nf_ref[...] = t[:, :D]
    nso_ref[...] = t[:, D:]


def _self_interaction(node_input, W_self):
    B = 1000
    return pl.pallas_call(
        _self_body,
        grid=(N // B,),
        in_specs=[
            pl.BlockSpec((B, D), lambda i: (i, 0)),
            pl.BlockSpec((D, D + DOUT), lambda i: (0, 0)),
        ],
        out_specs=[
            pl.BlockSpec((B, D), lambda i: (i, 0)),
            pl.BlockSpec((B, DOUT), lambda i: (i, 0)),
        ],
        out_shape=[
            jax.ShapeDtypeStruct((N, D), jnp.float32),
            jax.ShapeDtypeStruct((N, DOUT), jnp.float32),
        ],
    )(node_input, W_self)


def _mix_body(esa_ref, ea_ref, w1_ref, w2_ref, rep_ref, til_ref, wtpa_ref,
              mix_ref):
    w = jax.nn.gelu(jnp.dot(esa_ref[...], w1_ref[...],
                            preferred_element_type=jnp.float32))
    w = jax.nn.gelu(jnp.dot(w, w2_ref[...],
                            preferred_element_type=jnp.float32))
    a = (jnp.dot(w.astype(jnp.bfloat16), rep_ref[...],
                 preferred_element_type=jnp.float32)
         * jnp.dot(ea_ref[...].astype(jnp.bfloat16), til_ref[...],
                   preferred_element_type=jnp.float32)).astype(jnp.bfloat16)
    mix_ref[...] = jnp.dot(a, wtpa_ref[...],
                           preferred_element_type=jnp.float32)


def _edge_mix(esa, ea, W_mlp1, W_mlp2, rep, til, W2s):
    B = 6400
    return pl.pallas_call(
        _mix_body,
        grid=(E // B,),
        in_specs=[
            pl.BlockSpec((B, DE), lambda i: (i, 0)),
            pl.BlockSpec((B, DE), lambda i: (i, 0)),
            pl.BlockSpec((DE, H), lambda i: (0, 0)),
            pl.BlockSpec((H, H), lambda i: (0, 0)),
            pl.BlockSpec((H, H * DE), lambda i: (0, 0)),
            pl.BlockSpec((DE, H * DE), lambda i: (0, 0)),
            pl.BlockSpec((H * DE, D), lambda i: (0, 0)),
        ],
        out_specs=pl.BlockSpec((B, D), lambda i: (i, 0)),
        out_shape=jax.ShapeDtypeStruct((E, D), jnp.float32),
    )(esa, ea, W_mlp1, W_mlp2, rep, til, W2s)


def _sc_body(nf_hbm, mix_hbm, src_hbm, dst_hbm, out_hbm,
             src_v0, src_v1, src_v2, src_v3, dst_v0, dst_v1, dst_v2, dst_v3,
             rows_v0, rows_v1, rows_v2, rows_v3, mix_v0, mix_v1,
             agg_sh, sem_s0, sem_s1, sem_s2, sem_s3,
             sem_d0, sem_d1, sem_d2, sem_d3,
             sem_g0, sem_g1, sem_g2, sem_g3, sem_m0, sem_m1):
    c = lax.axis_index("c")
    s = lax.axis_index("s")
    wid = c * NS + s

    src_b = [src_v0, src_v1, src_v2, src_v3]
    dst_b = [dst_v0, dst_v1, dst_v2, dst_v3]
    rows_b = [rows_v0, rows_v1, rows_v2, rows_v3]
    mix_b = [mix_v0, mix_v1]
    ss = [sem_s0, sem_s1, sem_s2, sem_s3]
    sd = [sem_d0, sem_d1, sem_d2, sem_d3]
    sg = [sem_g0, sem_g1, sem_g2, sem_g3]
    sm = [sem_m0, sem_m1]

    def zrow(r, carry):
        for g in range(D // 16):
            rows_v0[r, pl.ds(16 * g, 16)] = jnp.zeros((16,), jnp.float32)
        return carry

    lax.fori_loop(0, ZROWS, zrow, 0)
    for k in range((NZB + NS - 1) // NS):
        b = s + NS * k
        @pl.when(b < NZB)
        def _():
            pltpu.sync_copy(rows_v0, agg_sh.at[pl.ds(b * ZROWS, ZROWS)])
    plsc.subcore_barrier()

    def issue_idx(j, p):
        pltpu.async_copy(src_hbm.at[wid, j], src_b[p], ss[p])
        pltpu.async_copy(dst_hbm.at[wid, j], dst_b[p], sd[p])

    def issue_mix(j, m):
        pltpu.async_copy(mix_hbm.at[pl.ds(wid * EPW + j * CHUNK, CHUNK)],
                         mix_b[m], sm[m])

    def issue_gather(p):
        pltpu.make_async_copy(src_hbm.at[wid, 0], src_b[p], ss[p]).wait()
        pltpu.async_copy(nf_hbm.at[src_b[p].at[0]], rows_b[p], sg[p])

    for k in range(4):
        issue_idx(k, k)
    issue_mix(0, 0)
    issue_mix(1, 1)
    issue_gather(0)
    issue_gather(1)

    def sub(j, p, m):
        @pl.when(j + 2 < NCHUNK)
        def _():
            issue_gather(p ^ 2)
        pltpu.make_async_copy(nf_hbm.at[src_b[p].at[0]], rows_b[p],
                              sg[p]).wait()
        pltpu.make_async_copy(mix_hbm.at[pl.ds(0, CHUNK)], mix_b[m],
                              sm[m]).wait()

        def mrow(r, inner):
            for g in range(D // 16):
                sl = pl.ds(16 * g, 16)
                rows_b[p][r, sl] = rows_b[p][r, sl] * mix_b[m][r, sl]
            return inner

        lax.fori_loop(0, CHUNK, mrow, 0)
        pltpu.make_async_copy(dst_hbm.at[wid, 0], dst_b[p], sd[p]).wait()
        pltpu.sync_copy(rows_b[p], agg_sh.at[dst_b[p].at[0]], add=True)
        @pl.when(j + 4 < NCHUNK)
        def _():
            issue_idx(j + 4, p)
        @pl.when(j + 2 < NCHUNK)
        def _():
            issue_mix(j + 2, m)

    def quad(t, carry):
        j = 4 * t
        for u in range(4):
            @pl.when(j + u < NCHUNK)
            def _():
                sub(j + u, u, u % 2)
        return carry

    lax.fori_loop(0, (NCHUNK + 3) // 4, quad, 0)
    plsc.subcore_barrier()

    for k in range((NZB + NS - 1) // NS):
        b = s + NS * k
        @pl.when(b < NZB)
        def _():
            pltpu.sync_copy(agg_sh.at[pl.ds(b * ZROWS, ZROWS)], rows_v0)
            pltpu.sync_copy(rows_v0, out_hbm.at[c, pl.ds(b * ZROWS, ZROWS)])


_sc_scatter = functools.partial(
    pl.kernel,
    out_type=jax.ShapeDtypeStruct((NC, N, D), jnp.float32),
    mesh=plsc.VectorSubcoreMesh(core_axis_name="c", subcore_axis_name="s"),
    scratch_types=(
        [pltpu.VMEM((1, CHUNK), jnp.int32)] * 8
        + [pltpu.VMEM((CHUNK, D), jnp.float32)] * 6
        + [pltpu.VMEM_SHARED((N, D), jnp.float32)]
        + [pltpu.SemaphoreType.DMA] * 14
    ),
)(_sc_body)


def _post_body(nso_ref, a0_ref, a1_ref, w_ref, o_ref):
    agg = a0_ref[...] + a1_ref[...]
    o_ref[...] = (COS * nso_ref[...]
                  + jnp.dot(agg, w_ref[...],
                            preferred_element_type=jnp.float32))


def _post(nso, agg0, agg1, W_out_scaled):
    B = 1000
    return pl.pallas_call(
        _post_body,
        grid=(N // B,),
        in_specs=[
            pl.BlockSpec((B, DOUT), lambda i: (i, 0)),
            pl.BlockSpec((B, D), lambda i: (i, 0)),
            pl.BlockSpec((B, D), lambda i: (i, 0)),
            pl.BlockSpec((D, DOUT), lambda i: (0, 0)),
        ],
        out_specs=pl.BlockSpec((B, DOUT), lambda i: (i, 0)),
        out_shape=jax.ShapeDtypeStruct((N, DOUT), jnp.float32),
    )(nso, agg0, agg1, W_out_scaled)


def kernel(node_input, edge_src, edge_dst, edge_attr, edge_scalar_attr,
           W_self, W_mlp1, W_mlp2, W_tp, W_out):
    nf, nso = _self_interaction(node_input, W_self)

    eye = jnp.eye(H, dtype=jnp.bfloat16)
    rep = jnp.repeat(eye, DE, axis=1)
    til = jnp.tile(jnp.eye(DE, dtype=jnp.bfloat16), (1, H))
    W2s = (jnp.transpose(W_tp, (0, 2, 1)).reshape(H * DE, D)
           * INV_SQRT_H).astype(jnp.bfloat16)

    mix = _edge_mix(edge_scalar_attr, edge_attr, W_mlp1, W_mlp2, rep, til,
                    W2s)

    src4d = edge_src.reshape(NW, NCHUNK, 1, CHUNK)
    dst4d = edge_dst.reshape(NW, NCHUNK, 1, CHUNK)
    aggs = _sc_scatter(nf, mix, src4d, dst4d)

    return _post(nso, aggs[0], aggs[1], W_out * (SIN * INV_SQRT_NN))

# --- scband reference (transcript-rebuilt; emitter-appended) ---
"""Pipeline reference for scband-convolution-12171937317098 (READ-ONLY COPY).

The authoritative reference and input builder live on the scoring server;
editing this copy changes nothing except your own understanding.
"""

import jax, jax.numpy as jnp
import numpy as np

N = 10000
E = 320000
D = 128
DE = 16
H = 16
DOUT = 128
NUM_NEIGHBORS = 32.0
MIXING_ANGLE = 0.39269908169872414  # pi / 8


def setup_inputs(seed: int = 0) -> dict:
    key = jax.random.key(seed)
    ks = jax.random.split(key, 10)
    node_input = jax.random.normal(ks[0], (N, D), dtype=jnp.float32)
    edge_src = jax.random.randint(ks[1], (E,), 0, N, dtype=jnp.int32)
    edge_dst = jax.random.randint(ks[2], (E,), 0, N, dtype=jnp.int32)
    edge_attr = jax.random.normal(ks[3], (E, DE), dtype=jnp.float32)
    edge_scalar_attr = jax.random.normal(ks[4], (E, DE), dtype=jnp.float32)
    # learned parameters
    W_self = jax.random.normal(ks[5], (D, D + DOUT), dtype=jnp.float32) / np.sqrt(D)
    W_mlp1 = jax.random.normal(ks[6], (DE, H), dtype=jnp.float32) / np.sqrt(DE)
    W_mlp2 = jax.random.normal(ks[7], (H, H), dtype=jnp.float32) / np.sqrt(H)
    W_tp = jax.random.normal(ks[8], (H, D, DE), dtype=jnp.float32)
    W_out = jax.random.normal(ks[9], (D, DOUT), dtype=jnp.float32) / np.sqrt(D)
    return {
        'node_input': node_input,
        'edge_src': edge_src,
        'edge_dst': edge_dst,
        'edge_attr': edge_attr,
        'edge_scalar_attr': edge_scalar_attr,
        'W_self': W_self,
        'W_mlp1': W_mlp1,
        'W_mlp2': W_mlp2,
        'W_tp': W_tp,
        'W_out': W_out,
    }


def reference(node_input, edge_src, edge_dst, edge_attr, edge_scalar_attr,
              W_self, W_mlp1, W_mlp2, W_tp, W_out):
    # 1) self interaction: Linear(node_input.irreps + irreps_node_output), then split
    tmp = node_input @ W_self                       # [N, D + DOUT]
    node_features = tmp[:, :D]                      # residual / message source features
    node_self_out = tmp[:, D:]                      # self path output
    # 2) gather source-node features onto edges
    edge_features = node_features[edge_src]         # [E, D]
    # 3) MLP on edge scalar attributes -> per-edge tensor-product weights
    w = jax.nn.gelu(edge_scalar_attr @ W_mlp1)      # [E, H]
    w = jax.nn.gelu(w @ W_mlp2)                     # [E, H]
    # 4) 'uvu' tensor product: out[e,u] = in1[e,u] * sum_v W[e,u,v] * in2[e,v]
    t = jnp.einsum('eh,ev->ehv', w, edge_attr)      # [E, H, DE]
    mix = jnp.einsum('ehv,huv->eu', t, W_tp) / np.sqrt(H)  # [E, D]
    edge_out = edge_features * mix                  # [E, D]
    # 5) scatter-add messages onto destination nodes (index_add)
    agg = jnp.zeros((node_input.shape[0], D), dtype=edge_out.dtype).at[edge_dst].add(edge_out)
    agg = agg / np.sqrt(NUM_NEIGHBORS)
    # 6) output linear to irreps_node_output
    node_conv_out = agg @ W_out                     # [N, DOUT]
    # 7) mix self and convolution paths by the mixing angle
    c = jnp.cos(MIXING_ANGLE)
    s = jnp.sin(MIXING_ANGLE)
    return c * node_self_out + s * node_conv_out

if __name__ == "__main__":
    import jax
    _d = setup_inputs()
    print(jax.jit(kernel)(*tuple(_d.values())))

</pallas_src>

<mosaic_0001>
#map = affine_map<(d0, d1) -> (0, 0)>
#map1 = affine_map<(d0, d1) -> (0, 0, 0, 0)>
#map2 = affine_map<(d0, d1) -> (0, 0, 0)>
module attributes {stable_mosaic.version = 14 : i64} {
  func.func @_sc_body(%arg0: i32, %arg1: i32, %arg2: memref<10000x128xf32, #tpu.memory_space<hbm>>, %arg3: memref<320000x128xf32, #tpu.memory_space<hbm>>, %arg4: memref<32x250x1x40xi32, #tpu.memory_space<hbm>>, %arg5: memref<32x250x1x40xi32, #tpu.memory_space<hbm>>, %arg6: memref<2x10000x128xf32, #tpu.memory_space<hbm>>, %arg7: memref<1x40xi32, #tpu.memory_space<vmem>>, %arg8: memref<1x40xi32, #tpu.memory_space<vmem>>, %arg9: memref<1x40xi32, #tpu.memory_space<vmem>>, %arg10: memref<1x40xi32, #tpu.memory_space<vmem>>, %arg11: memref<1x40xi32, #tpu.memory_space<vmem>>, %arg12: memref<1x40xi32, #tpu.memory_space<vmem>>, %arg13: memref<1x40xi32, #tpu.memory_space<vmem>>, %arg14: memref<1x40xi32, #tpu.memory_space<vmem>>, %arg15: memref<40x128xf32, #tpu.memory_space<vmem>>, %arg16: memref<40x128xf32, #tpu.memory_space<vmem>>, %arg17: memref<40x128xf32, #tpu.memory_space<vmem>>, %arg18: memref<40x128xf32, #tpu.memory_space<vmem>>, %arg19: memref<40x128xf32, #tpu.memory_space<vmem>>, %arg20: memref<40x128xf32, #tpu.memory_space<vmem>>, %arg21: memref<10000x128xf32, #tpu.memory_space<vmem_shared>>, %arg22: memref<!tpu.dma_semaphore, #tpu.memory_space<semaphore_mem>>, %arg23: memref<!tpu.dma_semaphore, #tpu.memory_space<semaphore_mem>>, %arg24: memref<!tpu.dma_semaphore, #tpu.memory_space<semaphore_mem>>, %arg25: memref<!tpu.dma_semaphore, #tpu.memory_space<semaphore_mem>>, %arg26: memref<!tpu.dma_semaphore, #tpu.memory_space<semaphore_mem>>, %arg27: memref<!tpu.dma_semaphore, #tpu.memory_space<semaphore_mem>>, %arg28: memref<!tpu.dma_semaphore, #tpu.memory_space<semaphore_mem>>, %arg29: memref<!tpu.dma_semaphore, #tpu.memory_space<semaphore_mem>>, %arg30: memref<!tpu.dma_semaphore, #tpu.memory_space<semaphore_mem>>, %arg31: memref<!tpu.dma_semaphore, #tpu.memory_space<semaphore_mem>>, %arg32: memref<!tpu.dma_semaphore, #tpu.memory_space<semaphore_mem>>, %arg33: memref<!tpu.dma_semaphore, #tpu.memory_space<semaphore_mem>>, %arg34: memref<!tpu.dma_semaphore, #tpu.memory_space<semaphore_mem>>, %arg35: memref<!tpu.dma_semaphore, #tpu.memory_space<semaphore_mem>>) attributes {dimension_semantics = [#tpu.dimension_semantics<core_parallel>, #tpu.dimension_semantics<subcore_parallel>], iteration_bounds = array<i64: 2, 16>, scalar_prefetch = 0 : i64, scratch_operands = 29 : i64, tpu.core_type = #tpu.core_type<sc_vector_subcore>, window_params = [{transform_indices = #map}, {transform_indices = #map}, {transform_indices = #map1}, {transform_indices = #map1}, {transform_indices = #map2}]} {
    %mul3A = arith.constant 16 : i32
    %mul3A_0 = arith.muli %arg0, %mul3A : i32
    %add3A = arith.addi %mul3A_0, %arg1 : i32
    %scan3A = arith.constant 0 : i32
    %scan3A_1 = arith.constant 0 : i32
    %scan3A_2 = arith.constant 40 : i32
    %scan3A_3 = arith.addi %scan3A_1, %scan3A_2 : i32
    %scan3A_4 = arith.constant 1 : i32
    scf.for %scan3A_352 = %scan3A_1 to %scan3A_3 step %scan3A_4  : i32 {
      %broadcast_in_dim3A = arith.constant 0.000000e+00 : f32
      %broadcast_in_dim3A_353 = vector.broadcast %broadcast_in_dim3A : f32 to vector<16xf32>
      %swap3A = arith.index_cast %scan3A_352 : i32 to index
      %swap3A_354 = arith.constant 0 : index
      %swap3A_355 = tpu.vector_load %arg15[%swap3A, %swap3A_354] {strides = array<i32>} : memref<40x128xf32, #tpu.memory_space<vmem>>, vector<1x16xf32>,
      %swap3A_356 = vector.shape_cast %swap3A_355 : vector<1x16xf32> to vector<16xf32>
      %swap3A_357 = vector.shape_cast %broadcast_in_dim3A_353 : vector<16xf32> to vector<1x16xf32>
      tpu.vector_store %arg15[%swap3A, %swap3A_354], %swap3A_357 {strides = array<i32>} : memref<40x128xf32, #tpu.memory_space<vmem>>, vector<1x16xf32>,
      %broadcast_in_dim3A_358 = arith.constant 0.000000e+00 : f32
      %broadcast_in_dim3A_359 = vector.broadcast %broadcast_in_dim3A_358 : f32 to vector<16xf32>
      %swap3A_360 = arith.index_cast %scan3A_352 : i32 to index
      %swap3A_361 = arith.constant 16 : index
      %swap3A_362 = tpu.vector_load %arg15[%swap3A_360, %swap3A_361] {strides = array<i32>} : memref<40x128xf32, #tpu.memory_space<vmem>>, vector<1x16xf32>,
      %swap3A_363 = vector.shape_cast %swap3A_362 : vector<1x16xf32> to vector<16xf32>
      %swap3A_364 = vector.shape_cast %broadcast_in_dim3A_359 : vector<16xf32> to vector<1x16xf32>
      tpu.vector_store %arg15[%swap3A_360, %swap3A_361], %swap3A_364 {strides = array<i32>} : memref<40x128xf32, #tpu.memory_space<vmem>>, vector<1x16xf32>,
      %broadcast_in_dim3A_365 = arith.constant 0.000000e+00 : f32
      %broadcast_in_dim3A_366 = vector.broadcast %broadcast_in_dim3A_365 : f32 to vector<16xf32>
      %swap3A_367 = arith.index_cast %scan3A_352 : i32 to index
      %swap3A_368 = arith.constant 32 : index
      %swap3A_369 = tpu.vector_load %arg15[%swap3A_367, %swap3A_368] {strides = array<i32>} : memref<40x128xf32, #tpu.memory_space<vmem>>, vector<1x16xf32>,
      %swap3A_370 = vector.shape_cast %swap3A_369 : vector<1x16xf32> to vector<16xf32>
      %swap3A_371 = vector.shape_cast %broadcast_in_dim3A_366 : vector<16xf32> to vector<1x16xf32>
      tpu.vector_store %arg15[%swap3A_367, %swap3A_368], %swap3A_371 {strides = array<i32>} : memref<40x128xf32, #tpu.memory_space<vmem>>, vector<1x16xf32>,
      %broadcast_in_dim3A_372 = arith.constant 0.000000e+00 : f32
      %broadcast_in_dim3A_373 = vector.broadcast %broadcast_in_dim3A_372 : f32 to vector<16xf32>
      %swap3A_374 = arith.index_cast %scan3A_352 : i32 to index
      %swap3A_375 = arith.constant 48 : index
      %swap3A_376 = tpu.vector_load %arg15[%swap3A_374, %swap3A_375] {strides = array<i32>} : memref<40x128xf32, #tpu.memory_space<vmem>>, vector<1x16xf32>,
      %swap3A_377 = vector.shape_cast %swap3A_376 : vector<1x16xf32> to vector<16xf32>
      %swap3A_378 = vector.shape_cast %broadcast_in_dim3A_373 : vector<16xf32> to vector<1x16xf32>
      tpu.vector_store %arg15[%swap3A_374, %swap3A_375], %swap3A_378 {strides = array<i32>} : memref<40x128xf32, #tpu.memory_space<vmem>>, vector<1x16xf32>,
      %broadcast_in_dim3A_379 = arith.constant 0.000000e+00 : f32
      %broadcast_in_dim3A_380 = vector.broadcast %broadcast_in_dim3A_379 : f32 to vector<16xf32>
      %swap3A_381 = arith.index_cast %scan3A_352 : i32 to index
      %swap3A_382 = arith.constant 64 : index
      %swap3A_383 = tpu.vector_load %arg15[%swap3A_381, %swap3A_382] {strides = array<i32>} : memref<40x128xf32, #tpu.memory_space<vmem>>, vector<1x16xf32>,
      %swap3A_384 = vector.shape_cast %swap3A_383 : vector<1x16xf32> to vector<16xf32>
      %swap3A_385 = vector.shape_cast %broadcast_in_dim3A_380 : vector<16xf32> to vector<1x16xf32>
      tpu.vector_store %arg15[%swap3A_381, %swap3A_382], %swap3A_385 {strides = array<i32>} : memref<40x128xf32, #tpu.memory_space<vmem>>, vector<1x16xf32>,
      %broadcast_in_dim3A_386 = arith.constant 0.000000e+00 : f32
      %broadcast_in_dim3A_387 = vector.broadcast %broadcast_in_dim3A_386 : f32 to vector<16xf32>
      %swap3A_388 = arith.index_cast %scan3A_352 : i32 to index
      %swap3A_389 = arith.constant 80 : index
      %swap3A_390 = tpu.vector_load %arg15[%swap3A_388, %swap3A_389] {strides = array<i32>} : memref<40x128xf32, #tpu.memory_space<vmem>>, vector<1x16xf32>,
      %swap3A_391 = vector.shape_cast %swap3A_390 : vector<1x16xf32> to vector<16xf32>
      %swap3A_392 = vector.shape_cast %broadcast_in_dim3A_387 : vector<16xf32> to vector<1x16xf32>
      tpu.vector_store %arg15[%swap3A_388, %swap3A_389], %swap3A_392 {strides = array<i32>} : memref<40x128xf32, #tpu.memory_space<vmem>>, vector<1x16xf32>,
      %broadcast_in_dim3A_393 = arith.constant 0.000000e+00 : f32
      %broadcast_in_dim3A_394 = vector.broadcast %broadcast_in_dim3A_393 : f32 to vector<16xf32>
      %swap3A_395 = arith.index_cast %scan3A_352 : i32 to index
      %swap3A_396 = arith.constant 96 : index
      %swap3A_397 = tpu.vector_load %arg15[%swap3A_395, %swap3A_396] {strides = array<i32>} : memref<40x128xf32, #tpu.memory_space<vmem>>, vector<1x16xf32>,
      %swap3A_398 = vector.shape_cast %swap3A_397 : vector<1x16xf32> to vector<16xf32>
      %swap3A_399 = vector.shape_cast %broadcast_in_dim3A_394 : vector<16xf32> to vector<1x16xf32>
      tpu.vector_store %arg15[%swap3A_395, %swap3A_396], %swap3A_399 {strides = array<i32>} : memref<40x128xf32, #tpu.memory_space<vmem>>, vector<1x16xf32>,
      %broadcast_in_dim3A_400 = arith.constant 0.000000e+00 : f32
      %broadcast_in_dim3A_401 = vector.broadcast %broadcast_in_dim3A_400 : f32 to vector<16xf32>
      %swap3A_402 = arith.index_cast %scan3A_352 : i32 to index
      %swap3A_403 = arith.constant 112 : index
      %swap3A_404 = tpu.vector_load %arg15[%swap3A_402, %swap3A_403] {strides = array<i32>} : memref<40x128xf32, #tpu.memory_space<vmem>>, vector<1x16xf32>,
      %swap3A_405 = vector.shape_cast %swap3A_404 : vector<1x16xf32> to vector<16xf32>
      %swap3A_406 = vector.shape_cast %broadcast_in_dim3A_401 : vector<16xf32> to vector<1x16xf32>
      tpu.vector_store %arg15[%swap3A_402, %swap3A_403], %swap3A_406 {strides = array<i32>} : memref<40x128xf32, #tpu.memory_space<vmem>>, vector<1x16xf32>,
    }
    %scan3A_5 = arith.constant 40 : i32
    %add3A_6 = arith.constant 0 : i32
    %add3A_7 = arith.addi %arg1, %add3A_6 : i32
    %lt3A = arith.constant 250 : i32
    %lt3A_8 = arith.cmpi slt, %add3A_7, %lt3A : i32
    %convert_element_type3A = arith.extui %lt3A_8 : i1 to i32
    %cond3A = arith.constant 0 : i32
    %cond3A_9 = arith.cmpi ne, %convert_element_type3A, %cond3A : i32
    scf.if %cond3A_9 {
      %mul3A_352 = arith.constant 40 : i32
      %mul3A_353 = arith.muli %add3A_7, %mul3A_352 : i32
      "tpu.region"() ({
        %run_scoped3A = tpu.sem_alloc : memref<!tpu.dma_semaphore, #tpu.memory_space<semaphore_mem>>
        %dma_start3A_354 = arith.constant 0 : i32
        %dma_start3A_355 = tpu.memref_slice %arg21[%mul3A_353, %dma_start3A_354] : memref<10000x128xf32, #tpu.memory_space<vmem_shared>> -> memref<40x128xf32, #tpu.memory_space<vmem_shared>>
        %dma_start3A_356 = arith.constant 0 : i32
        %dma_start3A_357 = tpu.memref_slice %arg21[%mul3A_353, %dma_start3A_356] : memref<10000x128xf32, #tpu.memory_space<vmem_shared>> -> memref<40x128xf32, #tpu.memory_space<vmem_shared>>
        tpu.enqueue_dma source(%arg15 : memref<40x128xf32, #tpu.memory_space<vmem>>) target(%dma_start3A_357 : memref<40x128xf32, #tpu.memory_space<vmem_shared>>) target_semaphore(%run_scoped3A : memref<!tpu.dma_semaphore, #tpu.memory_space<semaphore_mem>>)
        %dma_wait3A_358 = arith.constant 0 : i32
        %dma_wait3A_359 = tpu.memref_slice %arg21[%mul3A_353, %dma_wait3A_358] : memref<10000x128xf32, #tpu.memory_space<vmem_shared>> -> memref<40x128xf32, #tpu.memory_space<vmem_shared>>
        %dma_wait3A_360 = arith.constant 0 : i32
        %dma_wait3A_361 = tpu.memref_slice %arg21[%mul3A_353, %dma_wait3A_360] : memref<10000x128xf32, #tpu.memory_space<vmem_shared>> -> memref<40x128xf32, #tpu.memory_space<vmem_shared>>
        tpu.wait_dma2 semaphore(%run_scoped3A : memref<!tpu.dma_semaphore, #tpu.memory_space<semaphore_mem>>) src(%arg15 : memref<40x128xf32, #tpu.memory_space<vmem>>) dst(%dma_wait3A_361 : memref<40x128xf32, #tpu.memory_space<vmem_shared>>)
        tpu.yield
      }) : () -> ()
    } else {
    }
    %add3A_10 = arith.constant 16 : i32
    %add3A_11 = arith.addi %arg1, %add3A_10 : i32
    %lt3A_12 = arith.constant 250 : i32
    %lt3A_13 = arith.cmpi slt, %add3A_11, %lt3A_12 : i32
    %convert_element_type3A_14 = arith.extui %lt3A_13 : i1 to i32
    %cond3A_15 = arith.constant 0 : i32
    %cond3A_16 = arith.cmpi ne, %convert_element_type3A_14, %cond3A_15 : i32
    scf.if %cond3A_16 {
      %mul3A_352 = arith.constant 40 : i32
      %mul3A_353 = arith.muli %add3A_11, %mul3A_352 : i32
      "tpu.region"() ({
        %run_scoped3A = tpu.sem_alloc : memref<!tpu.dma_semaphore, #tpu.memory_space<semaphore_mem>>
        %dma_start3A_354 = arith.constant 0 : i32
        %dma_start3A_355 = tpu.memref_slice %arg21[%mul3A_353, %dma_start3A_354] : memref<10000x128xf32, #tpu.memory_space<vmem_shared>> -> memref<40x128xf32, #tpu.memory_space<vmem_shared>>
        %dma_start3A_356 = arith.constant 0 : i32
        %dma_start3A_357 = tpu.memref_slice %arg21[%mul3A_353, %dma_start3A_356] : memref<10000x128xf32, #tpu.memory_space<vmem_shared>> -> memref<40x128xf32, #tpu.memory_space<vmem_shared>>
        tpu.enqueue_dma source(%arg15 : memref<40x128xf32, #tpu.memory_space<vmem>>) target(%dma_start3A_357 : memref<40x128xf32, #tpu.memory_space<vmem_shared>>) target_semaphore(%run_scoped3A : memref<!tpu.dma_semaphore, #tpu.memory_space<semaphore_mem>>)
        %dma_wait3A_358 = arith.constant 0 : i32
        %dma_wait3A_359 = tpu.memref_slice %arg21[%mul3A_353, %dma_wait3A_358] : memref<10000x128xf32, #tpu.memory_space<vmem_shared>> -> memref<40x128xf32, #tpu.memory_space<vmem_shared>>
        %dma_wait3A_360 = arith.constant 0 : i32
        %dma_wait3A_361 = tpu.memref_slice %arg21[%mul3A_353, %dma_wait3A_360] : memref<10000x128xf32, #tpu.memory_space<vmem_shared>> -> memref<40x128xf32, #tpu.memory_space<vmem_shared>>
        tpu.wait_dma2 semaphore(%run_scoped3A : memref<!tpu.dma_semaphore, #tpu.memory_space<semaphore_mem>>) src(%arg15 : memref<40x128xf32, #tpu.memory_space<vmem>>) dst(%dma_wait3A_361 : memref<40x128xf32, #tpu.memory_space<vmem_shared>>)
        tpu.yield
      }) : () -> ()
    } else {
    }
    %add3A_17 = arith.constant 32 : i32
    %add3A_18 = arith.addi %arg1, %add3A_17 : i32
    %lt3A_19 = arith.constant 250 : i32
    %lt3A_20 = arith.cmpi slt, %add3A_18, %lt3A_19 : i32
    %convert_element_type3A_21 = arith.extui %lt3A_20 : i1 to i32
    %cond3A_22 = arith.constant 0 : i32
    %cond3A_23 = arith.cmpi ne, %convert_element_type3A_21, %cond3A_22 : i32
    scf.if %cond3A_23 {
      %mul3A_352 = arith.constant 40 : i32
      %mul3A_353 = arith.muli %add3A_18, %mul3A_352 : i32
      "tpu.region"() ({
        %run_scoped3A = tpu.sem_alloc : memref<!tpu.dma_semaphore, #tpu.memory_space<semaphore_mem>>
        %dma_start3A_354 = arith.constant 0 : i32
        %dma_start3A_355 = tpu.memref_slice %arg21[%mul3A_353, %dma_start3A_354] : memref<10000x128xf32, #tpu.memory_space<vmem_shared>> -> memref<40x128xf32, #tpu.memory_space<vmem_shared>>
        %dma_start3A_356 = arith.constant 0 : i32
        %dma_start3A_357 = tpu.memref_slice %arg21[%mul3A_353, %dma_start3A_356] : memref<10000x128xf32, #tpu.memory_space<vmem_shared>> -> memref<40x128xf32, #tpu.memory_space<vmem_shared>>
        tpu.enqueue_dma source(%arg15 : memref<40x128xf32, #tpu.memory_space<vmem>>) target(%dma_start3A_357 : memref<40x128xf32, #tpu.memory_space<vmem_shared>>) target_semaphore(%run_scoped3A : memref<!tpu.dma_semaphore, #tpu.memory_space<semaphore_mem>>)
        %dma_wait3A_358 = arith.constant 0 : i32
        %dma_wait3A_359 = tpu.memref_slice %arg21[%mul3A_353, %dma_wait3A_358] : memref<10000x128xf32, #tpu.memory_space<vmem_shared>> -> memref<40x128xf32, #tpu.memory_space<vmem_shared>>
        %dma_wait3A_360 = arith.constant 0 : i32
        %dma_wait3A_361 = tpu.memref_slice %arg21[%mul3A_353, %dma_wait3A_360] : memref<10000x128xf32, #tpu.memory_space<vmem_shared>> -> memref<40x128xf32, #tpu.memory_space<vmem_shared>>
        tpu.wait_dma2 semaphore(%run_scoped3A : memref<!tpu.dma_semaphore, #tpu.memory_space<semaphore_mem>>) src(%arg15 : memref<40x128xf32, #tpu.memory_space<vmem>>) dst(%dma_wait3A_361 : memref<40x128xf32, #tpu.memory_space<vmem_shared>>)
        tpu.yield
      }) : () -> ()
    } else {
    }
    %add3A_24 = arith.constant 48 : i32
    %add3A_25 = arith.addi %arg1, %add3A_24 : i32
    %lt3A_26 = arith.constant 250 : i32
    %lt3A_27 = arith.cmpi slt, %add3A_25, %lt3A_26 : i32
    %convert_element_type3A_28 = arith.extui %lt3A_27 : i1 to i32
    %cond3A_29 = arith.constant 0 : i32
    %cond3A_30 = arith.cmpi ne, %convert_element_type3A_28, %cond3A_29 : i32
    scf.if %cond3A_30 {
      %mul3A_352 = arith.constant 40 : i32
      %mul3A_353 = arith.muli %add3A_25, %mul3A_352 : i32
      "tpu.region"() ({
        %run_scoped3A = tpu.sem_alloc : memref<!tpu.dma_semaphore, #tpu.memory_space<semaphore_mem>>
        %dma_start3A_354 = arith.constant 0 : i32
        %dma_start3A_355 = tpu.memref_slice %arg21[%mul3A_353, %dma_start3A_354] : memref<10000x128xf32, #tpu.memory_space<vmem_shared>> -> memref<40x128xf32, #tpu.memory_space<vmem_shared>>
        %dma_start3A_356 = arith.constant 0 : i32
        %dma_start3A_357 = tpu.memref_slice %arg21[%mul3A_353, %dma_start3A_356] : memref<10000x128xf32, #tpu.memory_space<vmem_shared>> -> memref<40x128xf32, #tpu.memory_space<vmem_shared>>
        tpu.enqueue_dma source(%arg15 : memref<40x128xf32, #tpu.memory_space<vmem>>) target(%dma_start3A_357 : memref<40x128xf32, #tpu.memory_space<vmem_shared>>) target_semaphore(%run_scoped3A : memref<!tpu.dma_semaphore, #tpu.memory_space<semaphore_mem>>)
        %dma_wait3A_358 = arith.constant 0 : i32
        %dma_wait3A_359 = tpu.memref_slice %arg21[%mul3A_353, %dma_wait3A_358] : memref<10000x128xf32, #tpu.memory_space<vmem_shared>> -> memref<40x128xf32, #tpu.memory_space<vmem_shared>>
        %dma_wait3A_360 = arith.constant 0 : i32
        %dma_wait3A_361 = tpu.memref_slice %arg21[%mul3A_353, %dma_wait3A_360] : memref<10000x128xf32, #tpu.memory_space<vmem_shared>> -> memref<40x128xf32, #tpu.memory_space<vmem_shared>>
        tpu.wait_dma2 semaphore(%run_scoped3A : memref<!tpu.dma_semaphore, #tpu.memory_space<semaphore_mem>>) src(%arg15 : memref<40x128xf32, #tpu.memory_space<vmem>>) dst(%dma_wait3A_361 : memref<40x128xf32, #tpu.memory_space<vmem_shared>>)
        tpu.yield
      }) : () -> ()
    } else {
    }
    %add3A_31 = arith.constant 64 : i32
    %add3A_32 = arith.addi %arg1, %add3A_31 : i32
    %lt3A_33 = arith.constant 250 : i32
    %lt3A_34 = arith.cmpi slt, %add3A_32, %lt3A_33 : i32
    %convert_element_type3A_35 = arith.extui %lt3A_34 : i1 to i32
    %cond3A_36 = arith.constant 0 : i32
    %cond3A_37 = arith.cmpi ne, %convert_element_type3A_35, %cond3A_36 : i32
    scf.if %cond3A_37 {
      %mul3A_352 = arith.constant 40 : i32
      %mul3A_353 = arith.muli %add3A_32, %mul3A_352 : i32
      "tpu.region"() ({
        %run_scoped3A = tpu.sem_alloc : memref<!tpu.dma_semaphore, #tpu.memory_space<semaphore_mem>>
        %dma_start3A_354 = arith.constant 0 : i32
        %dma_start3A_355 = tpu.memref_slice %arg21[%mul3A_353, %dma_start3A_354] : memref<10000x128xf32, #tpu.memory_space<vmem_shared>> -> memref<40x128xf32, #tpu.memory_space<vmem_shared>>
        %dma_start3A_356 = arith.constant 0 : i32
        %dma_start3A_357 = tpu.memref_slice %arg21[%mul3A_353, %dma_start3A_356] : memref<10000x128xf32, #tpu.memory_space<vmem_shared>> -> memref<40x128xf32, #tpu.memory_space<vmem_shared>>
        tpu.enqueue_dma source(%arg15 : memref<40x128xf32, #tpu.memory_space<vmem>>) target(%dma_start3A_357 : memref<40x128xf32, #tpu.memory_space<vmem_shared>>) target_semaphore(%run_scoped3A : memref<!tpu.dma_semaphore, #tpu.memory_space<semaphore_mem>>)
        %dma_wait3A_358 = arith.constant 0 : i32
        %dma_wait3A_359 = tpu.memref_slice %arg21[%mul3A_353, %dma_wait3A_358] : memref<10000x128xf32, #tpu.memory_space<vmem_shared>> -> memref<40x128xf32, #tpu.memory_space<vmem_shared>>
        %dma_wait3A_360 = arith.constant 0 : i32
        %dma_wait3A_361 = tpu.memref_slice %arg21[%mul3A_353, %dma_wait3A_360] : memref<10000x128xf32, #tpu.memory_space<vmem_shared>> -> memref<40x128xf32, #tpu.memory_space<vmem_shared>>
        tpu.wait_dma2 semaphore(%run_scoped3A : memref<!tpu.dma_semaphore, #tpu.memory_space<semaphore_mem>>) src(%arg15 : memref<40x128xf32, #tpu.memory_space<vmem>>) dst(%dma_wait3A_361 : memref<40x128xf32, #tpu.memory_space<vmem_shared>>)
        tpu.yield
      }) : () -> ()
    } else {
    }
    %add3A_38 = arith.constant 80 : i32
    %add3A_39 = arith.addi %arg1, %add3A_38 : i32
    %lt3A_40 = arith.constant 250 : i32
    %lt3A_41 = arith.cmpi slt, %add3A_39, %lt3A_40 : i32
    %convert_element_type3A_42 = arith.extui %lt3A_41 : i1 to i32
    %cond3A_43 = arith.constant 0 : i32
    %cond3A_44 = arith.cmpi ne, %convert_element_type3A_42, %cond3A_43 : i32
    scf.if %cond3A_44 {
      %mul3A_352 = arith.constant 40 : i32
      %mul3A_353 = arith.muli %add3A_39, %mul3A_352 : i32
      "tpu.region"() ({
        %run_scoped3A = tpu.sem_alloc : memref<!tpu.dma_semaphore, #tpu.memory_space<semaphore_mem>>
        %dma_start3A_354 = arith.constant 0 : i32
        %dma_start3A_355 = tpu.memref_slice %arg21[%mul3A_353, %dma_start3A_354] : memref<10000x128xf32, #tpu.memory_space<vmem_shared>> -> memref<40x128xf32, #tpu.memory_space<vmem_shared>>
        %dma_start3A_356 = arith.constant 0 : i32
        %dma_start3A_357 = tpu.memref_slice %arg21[%mul3A_353, %dma_start3A_356] : memref<10000x128xf32, #tpu.memory_space<vmem_shared>> -> memref<40x128xf32, #tpu.memory_space<vmem_shared>>
        tpu.enqueue_dma source(%arg15 : memref<40x128xf32, #tpu.memory_space<vmem>>) target(%dma_start3A_357 : memref<40x128xf32, #tpu.memory_space<vmem_shared>>) target_semaphore(%run_scoped3A : memref<!tpu.dma_semaphore, #tpu.memory_space<semaphore_mem>>)
        %dma_wait3A_358 = arith.constant 0 : i32
        %dma_wait3A_359 = tpu.memref_slice %arg21[%mul3A_353, %dma_wait3A_358] : memref<10000x128xf32, #tpu.memory_space<vmem_shared>> -> memref<40x128xf32, #tpu.memory_space<vmem_shared>>
        %dma_wait3A_360 = arith.constant 0 : i32
        %dma_wait3A_361 = tpu.memref_slice %arg21[%mul3A_353, %dma_wait3A_360] : memref<10000x128xf32, #tpu.memory_space<vmem_shared>> -> memref<40x128xf32, #tpu.memory_space<vmem_shared>>
        tpu.wait_dma2 semaphore(%run_scoped3A : memref<!tpu.dma_semaphore, #tpu.memory_space<semaphore_mem>>) src(%arg15 : memref<40x128xf32, #tpu.memory_space<vmem>>) dst(%dma_wait3A_361 : memref<40x128xf32, #tpu.memory_space<vmem_shared>>)
        tpu.yield
      }) : () -> ()
    } else {
    }
    %add3A_45 = arith.constant 96 : i32
    %add3A_46 = arith.addi %arg1, %add3A_45 : i32
    %lt3A_47 = arith.constant 250 : i32
    %lt3A_48 = arith.cmpi slt, %add3A_46, %lt3A_47 : i32
    %convert_element_type3A_49 = arith.extui %lt3A_48 : i1 to i32
    %cond3A_50 = arith.constant 0 : i32
    %cond3A_51 = arith.cmpi ne, %convert_element_type3A_49, %cond3A_50 : i32
    scf.if %cond3A_51 {
      %mul3A_352 = arith.constant 40 : i32
      %mul3A_353 = arith.muli %add3A_46, %mul3A_352 : i32
      "tpu.region"() ({
        %run_scoped3A = tpu.sem_alloc : memref<!tpu.dma_semaphore, #tpu.memory_space<semaphore_mem>>
        %dma_start3A_354 = arith.constant 0 : i32
        %dma_start3A_355 = tpu.memref_slice %arg21[%mul3A_353, %dma_start3A_354] : memref<10000x128xf32, #tpu.memory_space<vmem_shared>> -> memref<40x128xf32, #tpu.memory_space<vmem_shared>>
        %dma_start3A_356 = arith.constant 0 : i32
        %dma_start3A_357 = tpu.memref_slice %arg21[%mul3A_353, %dma_start3A_356] : memref<10000x128xf32, #tpu.memory_space<vmem_shared>> -> memref<40x128xf32, #tpu.memory_space<vmem_shared>>
        tpu.enqueue_dma source(%arg15 : memref<40x128xf32, #tpu.memory_space<vmem>>) target(%dma_start3A_357 : memref<40x128xf32, #tpu.memory_space<vmem_shared>>) target_semaphore(%run_scoped3A : memref<!tpu.dma_semaphore, #tpu.memory_space<semaphore_mem>>)
        %dma_wait3A_358 = arith.constant 0 : i32
        %dma_wait3A_359 = tpu.memref_slice %arg21[%mul3A_353, %dma_wait3A_358] : memref<10000x128xf32, #tpu.memory_space<vmem_shared>> -> memref<40x128xf32, #tpu.memory_space<vmem_shared>>
        %dma_wait3A_360 = arith.constant 0 : i32
        %dma_wait3A_361 = tpu.memref_slice %arg21[%mul3A_353, %dma_wait3A_360] : memref<10000x128xf32, #tpu.memory_space<vmem_shared>> -> memref<40x128xf32, #tpu.memory_space<vmem_shared>>
        tpu.wait_dma2 semaphore(%run_scoped3A : memref<!tpu.dma_semaphore, #tpu.memory_space<semaphore_mem>>) src(%arg15 : memref<40x128xf32, #tpu.memory_space<vmem>>) dst(%dma_wait3A_361 : memref<40x128xf32, #tpu.memory_space<vmem_shared>>)
        tpu.yield
      }) : () -> ()
    } else {
    }
    %add3A_52 = arith.constant 112 : i32
    %add3A_53 = arith.addi %arg1, %add3A_52 : i32
    %lt3A_54 = arith.constant 250 : i32
    %lt3A_55 = arith.cmpi slt, %add3A_53, %lt3A_54 : i32
    %convert_element_type3A_56 = arith.extui %lt3A_55 : i1 to i32
    %cond3A_57 = arith.constant 0 : i32
    %cond3A_58 = arith.cmpi ne, %convert_element_type3A_56, %cond3A_57 : i32
    scf.if %cond3A_58 {
      %mul3A_352 = arith.constant 40 : i32
      %mul3A_353 = arith.muli %add3A_53, %mul3A_352 : i32
      "tpu.region"() ({
        %run_scoped3A = tpu.sem_alloc : memref<!tpu.dma_semaphore, #tpu.memory_space<semaphore_mem>>
        %dma_start3A_354 = arith.constant 0 : i32
        %dma_start3A_355 = tpu.memref_slice %arg21[%mul3A_353, %dma_start3A_354] : memref<10000x128xf32, #tpu.memory_space<vmem_shared>> -> memref<40x128xf32, #tpu.memory_space<vmem_shared>>
        %dma_start3A_356 = arith.constant 0 : i32
        %dma_start3A_357 = tpu.memref_slice %arg21[%mul3A_353, %dma_start3A_356] : memref<10000x128xf32, #tpu.memory_space<vmem_shared>> -> memref<40x128xf32, #tpu.memory_space<vmem_shared>>
        tpu.enqueue_dma source(%arg15 : memref<40x128xf32, #tpu.memory_space<vmem>>) target(%dma_start3A_357 : memref<40x128xf32, #tpu.memory_space<vmem_shared>>) target_semaphore(%run_scoped3A : memref<!tpu.dma_semaphore, #tpu.memory_space<semaphore_mem>>)
        %dma_wait3A_358 = arith.constant 0 : i32
        %dma_wait3A_359 = tpu.memref_slice %arg21[%mul3A_353, %dma_wait3A_358] : memref<10000x128xf32, #tpu.memory_space<vmem_shared>> -> memref<40x128xf32, #tpu.memory_space<vmem_shared>>
        %dma_wait3A_360 = arith.constant 0 : i32
        %dma_wait3A_361 = tpu.memref_slice %arg21[%mul3A_353, %dma_wait3A_360] : memref<10000x128xf32, #tpu.memory_space<vmem_shared>> -> memref<40x128xf32, #tpu.memory_space<vmem_shared>>
        tpu.wait_dma2 semaphore(%run_scoped3A : memref<!tpu.dma_semaphore, #tpu.memory_space<semaphore_mem>>) src(%arg15 : memref<40x128xf32, #tpu.memory_space<vmem>>) dst(%dma_wait3A_361 : memref<40x128xf32, #tpu.memory_space<vmem_shared>>)
        tpu.yield
      }) : () -> ()
    } else {
    }
    %add3A_59 = arith.constant 128 : i32
    %add3A_60 = arith.addi %arg1, %add3A_59 : i32
    %lt3A_61 = arith.constant 250 : i32
    %lt3A_62 = arith.cmpi slt, %add3A_60, %lt3A_61 : i32
    %convert_element_type3A_63 = arith.extui %lt3A_62 : i1 to i32
    %cond3A_64 = arith.constant 0 : i32
    %cond3A_65 = arith.cmpi ne, %convert_element_type3A_63, %cond3A_64 : i32
    scf.if %cond3A_65 {
      %mul3A_352 = arith.constant 40 : i32
      %mul3A_353 = arith.muli %add3A_60, %mul3A_352 : i32
      "tpu.region"() ({
        %run_scoped3A = tpu.sem_alloc : memref<!tpu.dma_semaphore, #tpu.memory_space<semaphore_mem>>
        %dma_start3A_354 = arith.constant 0 : i32
        %dma_start3A_355 = tpu.memref_slice %arg21[%mul3A_353, %dma_start3A_354] : memref<10000x128xf32, #tpu.memory_space<vmem_shared>> -> memref<40x128xf32, #tpu.memory_space<vmem_shared>>
        %dma_start3A_356 = arith.constant 0 : i32
        %dma_start3A_357 = tpu.memref_slice %arg21[%mul3A_353, %dma_start3A_356] : memref<10000x128xf32, #tpu.memory_space<vmem_shared>> -> memref<40x128xf32, #tpu.memory_space<vmem_shared>>
        tpu.enqueue_dma source(%arg15 : memref<40x128xf32, #tpu.memory_space<vmem>>) target(%dma_start3A_357 : memref<40x128xf32, #tpu.memory_space<vmem_shared>>) target_semaphore(%run_scoped3A : memref<!tpu.dma_semaphore, #tpu.memory_space<semaphore_mem>>)
        %dma_wait3A_358 = arith.constant 0 : i32
        %dma_wait3A_359 = tpu.memref_slice %arg21[%mul3A_353, %dma_wait3A_358] : memref<10000x128xf32, #tpu.memory_space<vmem_shared>> -> memref<40x128xf32, #tpu.memory_space<vmem_shared>>
        %dma_wait3A_360 = arith.constant 0 : i32
        %dma_wait3A_361 = tpu.memref_slice %arg21[%mul3A_353, %dma_wait3A_360] : memref<10000x128xf32, #tpu.memory_space<vmem_shared>> -> memref<40x128xf32, #tpu.memory_space<vmem_shared>>
        tpu.wait_dma2 semaphore(%run_scoped3A : memref<!tpu.dma_semaphore, #tpu.memory_space<semaphore_mem>>) src(%arg15 : memref<40x128xf32, #tpu.memory_space<vmem>>) dst(%dma_wait3A_361 : memref<40x128xf32, #tpu.memory_space<vmem_shared>>)
        tpu.yield
      }) : () -> ()
    } else {
    }
    %add3A_66 = arith.constant 144 : i32
    %add3A_67 = arith.addi %arg1, %add3A_66 : i32
    %lt3A_68 = arith.constant 250 : i32
    %lt3A_69 = arith.cmpi slt, %add3A_67, %lt3A_68 : i32
    %convert_element_type3A_70 = arith.extui %lt3A_69 : i1 to i32
    %cond3A_71 = arith.constant 0 : i32
    %cond3A_72 = arith.cmpi ne, %convert_element_type3A_70, %cond3A_71 : i32
    scf.if %cond3A_72 {
      %mul3A_352 = arith.constant 40 : i32
      %mul3A_353 = arith.muli %add3A_67, %mul3A_352 : i32
      "tpu.region"() ({
        %run_scoped3A = tpu.sem_alloc : memref<!tpu.dma_semaphore, #tpu.memory_space<semaphore_mem>>
        %dma_start3A_354 = arith.constant 0 : i32
        %dma_start3A_355 = tpu.memref_slice %arg21[%mul3A_353, %dma_start3A_354] : memref<10000x128xf32, #tpu.memory_space<vmem_shared>> -> memref<40x128xf32, #tpu.memory_space<vmem_shared>>
        %dma_start3A_356 = arith.constant 0 : i32
        %dma_start3A_357 = tpu.memref_slice %arg21[%mul3A_353, %dma_start3A_356] : memref<10000x128xf32, #tpu.memory_space<vmem_shared>> -> memref<40x128xf32, #tpu.memory_space<vmem_shared>>
        tpu.enqueue_dma source(%arg15 : memref<40x128xf32, #tpu.memory_space<vmem>>) target(%dma_start3A_357 : memref<40x128xf32, #tpu.memory_space<vmem_shared>>) target_semaphore(%run_scoped3A : memref<!tpu.dma_semaphore, #tpu.memory_space<semaphore_mem>>)
        %dma_wait3A_358 = arith.constant 0 : i32
        %dma_wait3A_359 = tpu.memref_slice %arg21[%mul3A_353, %dma_wait3A_358] : memref<10000x128xf32, #tpu.memory_space<vmem_shared>> -> memref<40x128xf32, #tpu.memory_space<vmem_shared>>
        %dma_wait3A_360 = arith.constant 0 : i32
        %dma_wait3A_361 = tpu.memref_slice %arg21[%mul3A_353, %dma_wait3A_360] : memref<10000x128xf32, #tpu.memory_space<vmem_shared>> -> memref<40x128xf32, #tpu.memory_space<vmem_shared>>
        tpu.wait_dma2 semaphore(%run_scoped3A : memref<!tpu.dma_semaphore, #tpu.memory_space<semaphore_mem>>) src(%arg15 : memref<40x128xf32, #tpu.memory_space<vmem>>) dst(%dma_wait3A_361 : memref<40x128xf32, #tpu.memory_space<vmem_shared>>)
        tpu.yield
      }) : () -> ()
    } else {
    }
    %add3A_73 = arith.constant 160 : i32
    %add3A_74 = arith.addi %arg1, %add3A_73 : i32
    %lt3A_75 = arith.constant 250 : i32
    %lt3A_76 = arith.cmpi slt, %add3A_74, %lt3A_75 : i32
    %convert_element_type3A_77 = arith.extui %lt3A_76 : i1 to i32
    %cond3A_78 = arith.constant 0 : i32
    %cond3A_79 = arith.cmpi ne, %convert_element_type3A_77, %cond3A_78 : i32
    scf.if %cond3A_79 {
      %mul3A_352 = arith.constant 40 : i32
      %mul3A_353 = arith.muli %add3A_74, %mul3A_352 : i32
      "tpu.region"() ({
        %run_scoped3A = tpu.sem_alloc : memref<!tpu.dma_semaphore, #tpu.memory_space<semaphore_mem>>
        %dma_start3A_354 = arith.constant 0 : i32
        %dma_start3A_355 = tpu.memref_slice %arg21[%mul3A_353, %dma_start3A_354] : memref<10000x128xf32, #tpu.memory_space<vmem_shared>> -> memref<40x128xf32, #tpu.memory_space<vmem_shared>>
        %dma_start3A_356 = arith.constant 0 : i32
        %dma_start3A_357 = tpu.memref_slice %arg21[%mul3A_353, %dma_start3A_356] : memref<10000x128xf32, #tpu.memory_space<vmem_shared>> -> memref<40x128xf32, #tpu.memory_space<vmem_shared>>
        tpu.enqueue_dma source(%arg15 : memref<40x128xf32, #tpu.memory_space<vmem>>) target(%dma_start3A_357 : memref<40x128xf32, #tpu.memory_space<vmem_shared>>) target_semaphore(%run_scoped3A : memref<!tpu.dma_semaphore, #tpu.memory_space<semaphore_mem>>)
        %dma_wait3A_358 = arith.constant 0 : i32
        %dma_wait3A_359 = tpu.memref_slice %arg21[%mul3A_353, %dma_wait3A_358] : memref<10000x128xf32, #tpu.memory_space<vmem_shared>> -> memref<40x128xf32, #tpu.memory_space<vmem_shared>>
        %dma_wait3A_360 = arith.constant 0 : i32
        %dma_wait3A_361 = tpu.memref_slice %arg21[%mul3A_353, %dma_wait3A_360] : memref<10000x128xf32, #tpu.memory_space<vmem_shared>> -> memref<40x128xf32, #tpu.memory_space<vmem_shared>>
        tpu.wait_dma2 semaphore(%run_scoped3A : memref<!tpu.dma_semaphore, #tpu.memory_space<semaphore_mem>>) src(%arg15 : memref<40x128xf32, #tpu.memory_space<vmem>>) dst(%dma_wait3A_361 : memref<40x128xf32, #tpu.memory_space<vmem_shared>>)
        tpu.yield
      }) : () -> ()
    } else {
    }
    %add3A_80 = arith.constant 176 : i32
    %add3A_81 = arith.addi %arg1, %add3A_80 : i32
    %lt3A_82 = arith.constant 250 : i32
    %lt3A_83 = arith.cmpi slt, %add3A_81, %lt3A_82 : i32
    %convert_element_type3A_84 = arith.extui %lt3A_83 : i1 to i32
    %cond3A_85 = arith.constant 0 : i32
    %cond3A_86 = arith.cmpi ne, %convert_element_type3A_84, %cond3A_85 : i32
    scf.if %cond3A_86 {
      %mul3A_352 = arith.constant 40 : i32
      %mul3A_353 = arith.muli %add3A_81, %mul3A_352 : i32
      "tpu.region"() ({
        %run_scoped3A = tpu.sem_alloc : memref<!tpu.dma_semaphore, #tpu.memory_space<semaphore_mem>>
        %dma_start3A_354 = arith.constant 0 : i32
        %dma_start3A_355 = tpu.memref_slice %arg21[%mul3A_353, %dma_start3A_354] : memref<10000x128xf32, #tpu.memory_space<vmem_shared>> -> memref<40x128xf32, #tpu.memory_space<vmem_shared>>
        %dma_start3A_356 = arith.constant 0 : i32
        %dma_start3A_357 = tpu.memref_slice %arg21[%mul3A_353, %dma_start3A_356] : memref<10000x128xf32, #tpu.memory_space<vmem_shared>> -> memref<40x128xf32, #tpu.memory_space<vmem_shared>>
        tpu.enqueue_dma source(%arg15 : memref<40x128xf32, #tpu.memory_space<vmem>>) target(%dma_start3A_357 : memref<40x128xf32, #tpu.memory_space<vmem_shared>>) target_semaphore(%run_scoped3A : memref<!tpu.dma_semaphore, #tpu.memory_space<semaphore_mem>>)
        %dma_wait3A_358 = arith.constant 0 : i32
        %dma_wait3A_359 = tpu.memref_slice %arg21[%mul3A_353, %dma_wait3A_358] : memref<10000x128xf32, #tpu.memory_space<vmem_shared>> -> memref<40x128xf32, #tpu.memory_space<vmem_shared>>
        %dma_wait3A_360 = arith.constant 0 : i32
        %dma_wait3A_361 = tpu.memref_slice %arg21[%mul3A_353, %dma_wait3A_360] : memref<10000x128xf32, #tpu.memory_space<vmem_shared>> -> memref<40x128xf32, #tpu.memory_space<vmem_shared>>
        tpu.wait_dma2 semaphore(%run_scoped3A : memref<!tpu.dma_semaphore, #tpu.memory_space<semaphore_mem>>) src(%arg15 : memref<40x128xf32, #tpu.memory_space<vmem>>) dst(%dma_wait3A_361 : memref<40x128xf32, #tpu.memory_space<vmem_shared>>)
        tpu.yield
      }) : () -> ()
    } else {
    }
    %add3A_87 = arith.constant 192 : i32
    %add3A_88 = arith.addi %arg1, %add3A_87 : i32
    %lt3A_89 = arith.constant 250 : i32
    %lt3A_90 = arith.cmpi slt, %add3A_88, %lt3A_89 : i32
    %convert_element_type3A_91 = arith.extui %lt3A_90 : i1 to i32
    %cond3A_92 = arith.constant 0 : i32
    %cond3A_93 = arith.cmpi ne, %convert_element_type3A_91, %cond3A_92 : i32
    scf.if %cond3A_93 {
      %mul3A_352 = arith.constant 40 : i32
      %mul3A_353 = arith.muli %add3A_88, %mul3A_352 : i32
      "tpu.region"() ({
        %run_scoped3A = tpu.sem_alloc : memref<!tpu.dma_semaphore, #tpu.memory_space<semaphore_mem>>
        %dma_start3A_354 = arith.constant 0 : i32
        %dma_start3A_355 = tpu.memref_slice %arg21[%mul3A_353, %dma_start3A_354] : memref<10000x128xf32, #tpu.memory_space<vmem_shared>> -> memref<40x128xf32, #tpu.memory_space<vmem_shared>>
        %dma_start3A_356 = arith.constant 0 : i32
        %dma_start3A_357 = tpu.memref_slice %arg21[%mul3A_353, %dma_start3A_356] : memref<10000x128xf32, #tpu.memory_space<vmem_shared>> -> memref<40x128xf32, #tpu.memory_space<vmem_shared>>
        tpu.enqueue_dma source(%arg15 : memref<40x128xf32, #tpu.memory_space<vmem>>) target(%dma_start3A_357 : memref<40x128xf32, #tpu.memory_space<vmem_shared>>) target_semaphore(%run_scoped3A : memref<!tpu.dma_semaphore, #tpu.memory_space<semaphore_mem>>)
        %dma_wait3A_358 = arith.constant 0 : i32
        %dma_wait3A_359 = tpu.memref_slice %arg21[%mul3A_353, %dma_wait3A_358] : memref<10000x128xf32, #tpu.memory_space<vmem_shared>> -> memref<40x128xf32, #tpu.memory_space<vmem_shared>>
        %dma_wait3A_360 = arith.constant 0 : i32
        %dma_wait3A_361 = tpu.memref_slice %arg21[%mul3A_353, %dma_wait3A_360] : memref<10000x128xf32, #tpu.memory_space<vmem_shared>> -> memref<40x128xf32, #tpu.memory_space<vmem_shared>>
        tpu.wait_dma2 semaphore(%run_scoped3A : memref<!tpu.dma_semaphore, #tpu.memory_space<semaphore_mem>>) src(%arg15 : memref<40x128xf32, #tpu.memory_space<vmem>>) dst(%dma_wait3A_361 : memref<40x128xf32, #tpu.memory_space<vmem_shared>>)
        tpu.yield
      }) : () -> ()
    } else {
    }
    %add3A_94 = arith.constant 208 : i32
    %add3A_95 = arith.addi %arg1, %add3A_94 : i32
    %lt3A_96 = arith.constant 250 : i32
    %lt3A_97 = arith.cmpi slt, %add3A_95, %lt3A_96 : i32
    %convert_element_type3A_98 = arith.extui %lt3A_97 : i1 to i32
    %cond3A_99 = arith.constant 0 : i32
    %cond3A_100 = arith.cmpi ne, %convert_element_type3A_98, %cond3A_99 : i32
    scf.if %cond3A_100 {
      %mul3A_352 = arith.constant 40 : i32
      %mul3A_353 = arith.muli %add3A_95, %mul3A_352 : i32
      "tpu.region"() ({
        %run_scoped3A = tpu.sem_alloc : memref<!tpu.dma_semaphore, #tpu.memory_space<semaphore_mem>>
        %dma_start3A_354 = arith.constant 0 : i32
        %dma_start3A_355 = tpu.memref_slice %arg21[%mul3A_353, %dma_start3A_354] : memref<10000x128xf32, #tpu.memory_space<vmem_shared>> -> memref<40x128xf32, #tpu.memory_space<vmem_shared>>
        %dma_start3A_356 = arith.constant 0 : i32
        %dma_start3A_357 = tpu.memref_slice %arg21[%mul3A_353, %dma_start3A_356] : memref<10000x128xf32, #tpu.memory_space<vmem_shared>> -> memref<40x128xf32, #tpu.memory_space<vmem_shared>>
        tpu.enqueue_dma source(%arg15 : memref<40x128xf32, #tpu.memory_space<vmem>>) target(%dma_start3A_357 : memref<40x128xf32, #tpu.memory_space<vmem_shared>>) target_semaphore(%run_scoped3A : memref<!tpu.dma_semaphore, #tpu.memory_space<semaphore_mem>>)
        %dma_wait3A_358 = arith.constant 0 : i32
        %dma_wait3A_359 = tpu.memref_slice %arg21[%mul3A_353, %dma_wait3A_358] : memref<10000x128xf32, #tpu.memory_space<vmem_shared>> -> memref<40x128xf32, #tpu.memory_space<vmem_shared>>
        %dma_wait3A_360 = arith.constant 0 : i32
        %dma_wait3A_361 = tpu.memref_slice %arg21[%mul3A_353, %dma_wait3A_360] : memref<10000x128xf32, #tpu.memory_space<vmem_shared>> -> memref<40x128xf32, #tpu.memory_space<vmem_shared>>
        tpu.wait_dma2 semaphore(%run_scoped3A : memref<!tpu.dma_semaphore, #tpu.memory_space<semaphore_mem>>) src(%arg15 : memref<40x128xf32, #tpu.memory_space<vmem>>) dst(%dma_wait3A_361 : memref<40x128xf32, #tpu.memory_space<vmem_shared>>)
        tpu.yield
      }) : () -> ()
    } else {
    }
    %add3A_101 = arith.constant 224 : i32
    %add3A_102 = arith.addi %arg1, %add3A_101 : i32
    %lt3A_103 = arith.constant 250 : i32
    %lt3A_104 = arith.cmpi slt, %add3A_102, %lt3A_103 : i32
    %convert_element_type3A_105 = arith.extui %lt3A_104 : i1 to i32
    %cond3A_106 = arith.constant 0 : i32
    %cond3A_107 = arith.cmpi ne, %convert_element_type3A_105, %cond3A_106 : i32
    scf.if %cond3A_107 {
      %mul3A_352 = arith.constant 40 : i32
      %mul3A_353 = arith.muli %add3A_102, %mul3A_352 : i32
      "tpu.region"() ({
        %run_scoped3A = tpu.sem_alloc : memref<!tpu.dma_semaphore, #tpu.memory_space<semaphore_mem>>
        %dma_start3A_354 = arith.constant 0 : i32
        %dma_start3A_355 = tpu.memref_slice %arg21[%mul3A_353, %dma_start3A_354] : memref<10000x128xf32, #tpu.memory_space<vmem_shared>> -> memref<40x128xf32, #tpu.memory_space<vmem_shared>>
        %dma_start3A_356 = arith.constant 0 : i32
        %dma_start3A_357 = tpu.memref_slice %arg21[%mul3A_353, %dma_start3A_356] : memref<10000x128xf32, #tpu.memory_space<vmem_shared>> -> memref<40x128xf32, #tpu.memory_space<vmem_shared>>
        tpu.enqueue_dma source(%arg15 : memref<40x128xf32, #tpu.memory_space<vmem>>) target(%dma_start3A_357 : memref<40x128xf32, #tpu.memory_space<vmem_shared>>) target_semaphore(%run_scoped3A : memref<!tpu.dma_semaphore, #tpu.memory_space<semaphore_mem>>)
        %dma_wait3A_358 = arith.constant 0 : i32
        %dma_wait3A_359 = tpu.memref_slice %arg21[%mul3A_353, %dma_wait3A_358] : memref<10000x128xf32, #tpu.memory_space<vmem_shared>> -> memref<40x128xf32, #tpu.memory_space<vmem_shared>>
        %dma_wait3A_360 = arith.constant 0 : i32
        %dma_wait3A_361 = tpu.memref_slice %arg21[%mul3A_353, %dma_wait3A_360] : memref<10000x128xf32, #tpu.memory_space<vmem_shared>> -> memref<40x128xf32, #tpu.memory_space<vmem_shared>>
        tpu.wait_dma2 semaphore(%run_scoped3A : memref<!tpu.dma_semaphore, #tpu.memory_space<semaphore_mem>>) src(%arg15 : memref<40x128xf32, #tpu.memory_space<vmem>>) dst(%dma_wait3A_361 : memref<40x128xf32, #tpu.memory_space<vmem_shared>>)
        tpu.yield
      }) : () -> ()
    } else {
    }
    %add3A_108 = arith.constant 240 : i32
    %add3A_109 = arith.addi %arg1, %add3A_108 : i32
    %lt3A_110 = arith.constant 250 : i32
    %lt3A_111 = arith.cmpi slt, %add3A_109, %lt3A_110 : i32
    %convert_element_type3A_112 = arith.extui %lt3A_111 : i1 to i32
    %cond3A_113 = arith.constant 0 : i32
    %cond3A_114 = arith.cmpi ne, %convert_element_type3A_112, %cond3A_113 : i32
    scf.if %cond3A_114 {
      %mul3A_352 = arith.constant 40 : i32
      %mul3A_353 = arith.muli %add3A_109, %mul3A_352 : i32
      "tpu.region"() ({
        %run_scoped3A = tpu.sem_alloc : memref<!tpu.dma_semaphore, #tpu.memory_space<semaphore_mem>>
        %dma_start3A_354 = arith.constant 0 : i32
        %dma_start3A_355 = tpu.memref_slice %arg21[%mul3A_353, %dma_start3A_354] : memref<10000x128xf32, #tpu.memory_space<vmem_shared>> -> memref<40x128xf32, #tpu.memory_space<vmem_shared>>
        %dma_start3A_356 = arith.constant 0 : i32
        %dma_start3A_357 = tpu.memref_slice %arg21[%mul3A_353, %dma_start3A_356] : memref<10000x128xf32, #tpu.memory_space<vmem_shared>> -> memref<40x128xf32, #tpu.memory_space<vmem_shared>>
        tpu.enqueue_dma source(%arg15 : memref<40x128xf32, #tpu.memory_space<vmem>>) target(%dma_start3A_357 : memref<40x128xf32, #tpu.memory_space<vmem_shared>>) target_semaphore(%run_scoped3A : memref<!tpu.dma_semaphore, #tpu.memory_space<semaphore_mem>>)
        %dma_wait3A_358 = arith.constant 0 : i32
        %dma_wait3A_359 = tpu.memref_slice %arg21[%mul3A_353, %dma_wait3A_358] : memref<10000x128xf32, #tpu.memory_space<vmem_shared>> -> memref<40x128xf32, #tpu.memory_space<vmem_shared>>
        %dma_wait3A_360 = arith.constant 0 : i32
        %dma_wait3A_361 = tpu.memref_slice %arg21[%mul3A_353, %dma_wait3A_360] : memref<10000x128xf32, #tpu.memory_space<vmem_shared>> -> memref<40x128xf32, #tpu.memory_space<vmem_shared>>
        tpu.wait_dma2 semaphore(%run_scoped3A : memref<!tpu.dma_semaphore, #tpu.memory_space<semaphore_mem>>) src(%arg15 : memref<40x128xf32, #tpu.memory_space<vmem>>) dst(%dma_wait3A_361 : memref<40x128xf32, #tpu.memory_space<vmem_shared>>)
        tpu.yield
      }) : () -> ()
    } else {
    }
    %barrier3A = arith.constant 0 : index
    tpu.barrier barrier_id(%barrier3A)
    %dma_start3A = arith.constant 0 : i32
    %dma_start3A_115 = arith.constant 0 : i32
    %dma_start3A_116 = arith.constant 0 : i32
    %dma_start3A_117 = tpu.memref_slice %arg4[%add3A, %dma_start3A, %dma_start3A_115, %dma_start3A_116] : memref<32x250x1x40xi32, #tpu.memory_space<hbm>> -> memref<1x1x1x40xi32, #tpu.memory_space<hbm>>
    %dma_start3A_118 = tpu.memref_squeeze %dma_start3A_117 : memref<1x1x1x40xi32, #tpu.memory_space<hbm>> -> memref<1x40xi32, #tpu.memory_space<hbm>>
    %dma_start3A_119 = arith.constant 0 : i32
    %dma_start3A_120 = arith.constant 0 : i32
    %dma_start3A_121 = tpu.memref_slice %arg4[%add3A, %dma_start3A, %dma_start3A_119, %dma_start3A_120] : memref<32x250x1x40xi32, #tpu.memory_space<hbm>> -> memref<1x1x1x40xi32, #tpu.memory_space<hbm>>
    %dma_start3A_122 = tpu.memref_squeeze %dma_start3A_121 : memref<1x1x1x40xi32, #tpu.memory_space<hbm>> -> memref<1x40xi32, #tpu.memory_space<hbm>>
    tpu.enqueue_dma source(%dma_start3A_122 : memref<1x40xi32, #tpu.memory_space<hbm>>) target(%arg7 : memref<1x40xi32, #tpu.memory_space<vmem>>) target_semaphore(%arg22 : memref<!tpu.dma_semaphore, #tpu.memory_space<semaphore_mem>>)
    %dma_start3A_123 = arith.constant 0 : i32
    %dma_start3A_124 = arith.constant 0 : i32
    %dma_start3A_125 = arith.constant 0 : i32
    %dma_start3A_126 = tpu.memref_slice %arg5[%add3A, %dma_start3A_123, %dma_start3A_124, %dma_start3A_125] : memref<32x250x1x40xi32, #tpu.memory_space<hbm>> -> memref<1x1x1x40xi32, #tpu.memory_space<hbm>>
    %dma_start3A_127 = tpu.memref_squeeze %dma_start3A_126 : memref<1x1x1x40xi32, #tpu.memory_space<hbm>> -> memref<1x40xi32, #tpu.memory_space<hbm>>
    %dma_start3A_128 = arith.constant 0 : i32
    %dma_start3A_129 = arith.constant 0 : i32
    %dma_start3A_130 = tpu.memref_slice %arg5[%add3A, %dma_start3A_123, %dma_start3A_128, %dma_start3A_129] : memref<32x250x1x40xi32, #tpu.memory_space<hbm>> -> memref<1x1x1x40xi32, #tpu.memory_space<hbm>>
    %dma_start3A_131 = tpu.memref_squeeze %dma_start3A_130 : memref<1x1x1x40xi32, #tpu.memory_space<hbm>> -> memref<1x40xi32, #tpu.memory_space<hbm>>
    tpu.enqueue_dma source(%dma_start3A_131 : memref<1x40xi32, #tpu.memory_space<hbm>>) target(%arg11 : memref<1x40xi32, #tpu.memory_space<vmem>>) target_semaphore(%arg26 : memref<!tpu.dma_semaphore, #tpu.memory_space<semaphore_mem>>)
    %dma_start3A_132 = arith.constant 1 : i32
    %dma_start3A_133 = arith.constant 0 : i32
    %dma_start3A_134 = arith.constant 0 : i32
    %dma_start3A_135 = tpu.memref_slice %arg4[%add3A, %dma_start3A_132, %dma_start3A_133, %dma_start3A_134] : memref<32x250x1x40xi32, #tpu.memory_space<hbm>> -> memref<1x1x1x40xi32, #tpu.memory_space<hbm>>
    %dma_start3A_136 = tpu.memref_squeeze %dma_start3A_135 : memref<1x1x1x40xi32, #tpu.memory_space<hbm>> -> memref<1x40xi32, #tpu.memory_space<hbm>>
    %dma_start3A_137 = arith.constant 0 : i32
    %dma_start3A_138 = arith.constant 0 : i32
    %dma_start3A_139 = tpu.memref_slice %arg4[%add3A, %dma_start3A_132, %dma_start3A_137, %dma_start3A_138] : memref<32x250x1x40xi32, #tpu.memory_space<hbm>> -> memref<1x1x1x40xi32, #tpu.memory_space<hbm>>
    %dma_start3A_140 = tpu.memref_squeeze %dma_start3A_139 : memref<1x1x1x40xi32, #tpu.memory_space<hbm>> -> memref<1x40xi32, #tpu.memory_space<hbm>>
    tpu.enqueue_dma source(%dma_start3A_140 : memref<1x40xi32, #tpu.memory_space<hbm>>) target(%arg8 : memref<1x40xi32, #tpu.memory_space<vmem>>) target_semaphore(%arg23 : memref<!tpu.dma_semaphore, #tpu.memory_space<semaphore_mem>>)
    %dma_start3A_141 = arith.constant 1 : i32
    %dma_start3A_142 = arith.constant 0 : i32
    %dma_start3A_143 = arith.constant 0 : i32
    %dma_start3A_144 = tpu.memref_slice %arg5[%add3A, %dma_start3A_141, %dma_start3A_142, %dma_start3A_143] : memref<32x250x1x40xi32, #tpu.memory_space<hbm>> -> memref<1x1x1x40xi32, #tpu.memory_space<hbm>>
    %dma_start3A_145 = tpu.memref_squeeze %dma_start3A_144 : memref<1x1x1x40xi32, #tpu.memory_space<hbm>> -> memref<1x40xi32, #tpu.memory_space<hbm>>
    %dma_start3A_146 = arith.constant 0 : i32
    %dma_start3A_147 = arith.constant 0 : i32
    %dma_start3A_148 = tpu.memref_slice %arg5[%add3A, %dma_start3A_141, %dma_start3A_146, %dma_start3A_147] : memref<32x250x1x40xi32, #tpu.memory_space<hbm>> -> memref<1x1x1x40xi32, #tpu.memory_space<hbm>>
    %dma_start3A_149 = tpu.memref_squeeze %dma_start3A_148 : memref<1x1x1x40xi32, #tpu.memory_space<hbm>> -> memref<1x40xi32, #tpu.memory_space<hbm>>
    tpu.enqueue_dma source(%dma_start3A_149 : memref<1x40xi32, #tpu.memory_space<hbm>>) target(%arg12 : memref<1x40xi32, #tpu.memory_space<vmem>>) target_semaphore(%arg27 : memref<!tpu.dma_semaphore, #tpu.memory_space<semaphore_mem>>)
    %dma_start3A_150 = arith.constant 2 : i32
    %dma_start3A_151 = arith.constant 0 : i32
    %dma_start3A_152 = arith.constant 0 : i32
    %dma_start3A_153 = tpu.memref_slice %arg4[%add3A, %dma_start3A_150, %dma_start3A_151, %dma_start3A_152] : memref<32x250x1x40xi32, #tpu.memory_space<hbm>> -> memref<1x1x1x40xi32, #tpu.memory_space<hbm>>
    %dma_start3A_154 = tpu.memref_squeeze %dma_start3A_153 : memref<1x1x1x40xi32, #tpu.memory_space<hbm>> -> memref<1x40xi32, #tpu.memory_space<hbm>>
    %dma_start3A_155 = arith.constant 0 : i32
    %dma_start3A_156 = arith.constant 0 : i32
    %dma_start3A_157 = tpu.memref_slice %arg4[%add3A, %dma_start3A_150, %dma_start3A_155, %dma_start3A_156] : memref<32x250x1x40xi32, #tpu.memory_space<hbm>> -> memref<1x1x1x40xi32, #tpu.memory_space<hbm>>
    %dma_start3A_158 = tpu.memref_squeeze %dma_start3A_157 : memref<1x1x1x40xi32, #tpu.memory_space<hbm>> -> memref<1x40xi32, #tpu.memory_space<hbm>>
    tpu.enqueue_dma source(%dma_start3A_158 : memref<1x40xi32, #tpu.memory_space<hbm>>) target(%arg9 : memref<1x40xi32, #tpu.memory_space<vmem>>) target_semaphore(%arg24 : memref<!tpu.dma_semaphore, #tpu.memory_space<semaphore_mem>>)
    %dma_start3A_159 = arith.constant 2 : i32
    %dma_start3A_160 = arith.constant 0 : i32
    %dma_start3A_161 = arith.constant 0 : i32
    %dma_start3A_162 = tpu.memref_slice %arg5[%add3A, %dma_start3A_159, %dma_start3A_160, %dma_start3A_161] : memref<32x250x1x40xi32, #tpu.memory_space<hbm>> -> memref<1x1x1x40xi32, #tpu.memory_space<hbm>>
    %dma_start3A_163 = tpu.memref_squeeze %dma_start3A_162 : memref<1x1x1x40xi32, #tpu.memory_space<hbm>> -> memref<1x40xi32, #tpu.memory_space<hbm>>
    %dma_start3A_164 = arith.constant 0 : i32
    %dma_start3A_165 = arith.constant 0 : i32
    %dma_start3A_166 = tpu.memref_slice %arg5[%add3A, %dma_start3A_159, %dma_start3A_164, %dma_start3A_165] : memref<32x250x1x40xi32, #tpu.memory_space<hbm>> -> memref<1x1x1x40xi32, #tpu.memory_space<hbm>>
    %dma_start3A_167 = tpu.memref_squeeze %dma_start3A_166 : memref<1x1x1x40xi32, #tpu.memory_space<hbm>> -> memref<1x40xi32, #tpu.memory_space<hbm>>
    tpu.enqueue_dma source(%dma_start3A_167 : memref<1x40xi32, #tpu.memory_space<hbm>>) target(%arg13 : memref<1x40xi32, #tpu.memory_space<vmem>>) target_semaphore(%arg28 : memref<!tpu.dma_semaphore, #tpu.memory_space<semaphore_mem>>)
    %dma_start3A_168 = arith.constant 3 : i32
    %dma_start3A_169 = arith.constant 0 : i32
    %dma_start3A_170 = arith.constant 0 : i32
    %dma_start3A_171 = tpu.memref_slice %arg4[%add3A, %dma_start3A_168, %dma_start3A_169, %dma_start3A_170] : memref<32x250x1x40xi32, #tpu.memory_space<hbm>> -> memref<1x1x1x40xi32, #tpu.memory_space<hbm>>
    %dma_start3A_172 = tpu.memref_squeeze %dma_start3A_171 : memref<1x1x1x40xi32, #tpu.memory_space<hbm>> -> memref<1x40xi32, #tpu.memory_space<hbm>>
    %dma_start3A_173 = arith.constant 0 : i32
    %dma_start3A_174 = arith.constant 0 : i32
    %dma_start3A_175 = tpu.memref_slice %arg4[%add3A, %dma_start3A_168, %dma_start3A_173, %dma_start3A_174] : memref<32x250x1x40xi32, #tpu.memory_space<hbm>> -> memref<1x1x1x40xi32, #tpu.memory_space<hbm>>
    %dma_start3A_176 = tpu.memref_squeeze %dma_start3A_175 : memref<1x1x1x40xi32, #tpu.memory_space<hbm>> -> memref<1x40xi32, #tpu.memory_space<hbm>>
    tpu.enqueue_dma source(%dma_start3A_176 : memref<1x40xi32, #tpu.memory_space<hbm>>) target(%arg10 : memref<1x40xi32, #tpu.memory_space<vmem>>) target_semaphore(%arg25 : memref<!tpu.dma_semaphore, #tpu.memory_space<semaphore_mem>>)
    %dma_start3A_177 = arith.constant 3 : i32
    %dma_start3A_178 = arith.constant 0 : i32
    %dma_start3A_179 = arith.constant 0 : i32
    %dma_start3A_180 = tpu.memref_slice %arg5[%add3A, %dma_start3A_177, %dma_start3A_178, %dma_start3A_179] : memref<32x250x1x40xi32, #tpu.memory_space<hbm>> -> memref<1x1x1x40xi32, #tpu.memory_space<hbm>>
    %dma_start3A_181 = tpu.memref_squeeze %dma_start3A_180 : memref<1x1x1x40xi32, #tpu.memory_space<hbm>> -> memref<1x40xi32, #tpu.memory_space<hbm>>
    %dma_start3A_182 = arith.constant 0 : i32
    %dma_start3A_183 = arith.constant 0 : i32
    %dma_start3A_184 = tpu.memref_slice %arg5[%add3A, %dma_start3A_177, %dma_start3A_182, %dma_start3A_183] : memref<32x250x1x40xi32, #tpu.memory_space<hbm>> -> memref<1x1x1x40xi32, #tpu.memory_space<hbm>>
    %dma_start3A_185 = tpu.memref_squeeze %dma_start3A_184 : memref<1x1x1x40xi32, #tpu.memory_space<hbm>> -> memref<1x40xi32, #tpu.memory_space<hbm>>
    tpu.enqueue_dma source(%dma_start3A_185 : memref<1x40xi32, #tpu.memory_space<hbm>>) target(%arg14 : memref<1x40xi32, #tpu.memory_space<vmem>>) target_semaphore(%arg29 : memref<!tpu.dma_semaphore, #tpu.memory_space<semaphore_mem>>)
    %mul3A_186 = arith.constant 10000 : i32
    %mul3A_187 = arith.muli %add3A, %mul3A_186 : i32
    %add3A_188 = arith.constant 0 : i32
    %add3A_189 = arith.addi %mul3A_187, %add3A_188 : i32
    %dma_start3A_190 = arith.constant 0 : i32
    %dma_start3A_191 = tpu.memref_slice %arg3[%add3A_189, %dma_start3A_190] : memref<320000x128xf32, #tpu.memory_space<hbm>> -> memref<40x128xf32, #tpu.memory_space<hbm>>
    %dma_start3A_192 = arith.constant 0 : i32
    %dma_start3A_193 = tpu.memref_slice %arg3[%add3A_189, %dma_start3A_192] : memref<320000x128xf32, #tpu.memory_space<hbm>> -> memref<40x128xf32, #tpu.memory_space<hbm>>
    tpu.enqueue_dma source(%dma_start3A_193 : memref<40x128xf32, #tpu.memory_space<hbm>>) target(%arg19 : memref<40x128xf32, #tpu.memory_space<vmem>>) target_semaphore(%arg34 : memref<!tpu.dma_semaphore, #tpu.memory_space<semaphore_mem>>)
    %mul3A_194 = arith.constant 10000 : i32
    %mul3A_195 = arith.muli %add3A, %mul3A_194 : i32
    %add3A_196 = arith.constant 40 : i32
    %add3A_197 = arith.addi %mul3A_195, %add3A_196 : i32
    %dma_start3A_198 = arith.constant 0 : i32
    %dma_start3A_199 = tpu.memref_slice %arg3[%add3A_197, %dma_start3A_198] : memref<320000x128xf32, #tpu.memory_space<hbm>> -> memref<40x128xf32, #tpu.memory_space<hbm>>
    %dma_start3A_200 = arith.constant 0 : i32
    %dma_start3A_201 = tpu.memref_slice %arg3[%add3A_197, %dma_start3A_200] : memref<320000x128xf32, #tpu.memory_space<hbm>> -> memref<40x128xf32, #tpu.memory_space<hbm>>
    tpu.enqueue_dma source(%dma_start3A_201 : memref<40x128xf32, #tpu.memory_space<hbm>>) target(%arg20 : memref<40x128xf32, #tpu.memory_space<vmem>>) target_semaphore(%arg35 : memref<!tpu.dma_semaphore, #tpu.memory_space<semaphore_mem>>)
    %dma_wait3A = arith.constant 0 : i32
    %dma_wait3A_202 = arith.constant 0 : i32
    %dma_wait3A_203 = arith.constant 0 : i32
    %dma_wait3A_204 = tpu.memref_slice %arg4[%add3A, %dma_wait3A, %dma_wait3A_202, %dma_wait3A_203] : memref<32x250x1x40xi32, #tpu.memory_space<hbm>> -> memref<1x1x1x40xi32, #tpu.memory_space<hbm>>
    %dma_wait3A_205 = tpu.memref_squeeze %dma_wait3A_204 : memref<1x1x1x40xi32, #tpu.memory_space<hbm>> -> memref<1x40xi32, #tpu.memory_space<hbm>>
    %dma_wait3A_206 = arith.constant 0 : i32
    %dma_wait3A_207 = arith.constant 0 : i32
    %dma_wait3A_208 = tpu.memref_slice %arg4[%add3A, %dma_wait3A, %dma_wait3A_206, %dma_wait3A_207] : memref<32x250x1x40xi32, #tpu.memory_space<hbm>> -> memref<1x1x1x40xi32, #tpu.memory_space<hbm>>
    %dma_wait3A_209 = tpu.memref_squeeze %dma_wait3A_208 : memref<1x1x1x40xi32, #tpu.memory_space<hbm>> -> memref<1x40xi32, #tpu.memory_space<hbm>>
    tpu.wait_dma2 semaphore(%arg22 : memref<!tpu.dma_semaphore, #tpu.memory_space<semaphore_mem>>) src(%dma_wait3A_209 : memref<1x40xi32, #tpu.memory_space<hbm>>) dst(%arg7 : memref<1x40xi32, #tpu.memory_space<vmem>>)
    %dma_start3A_210 = arith.constant 0 : i32
    %dma_start3A_211 = arith.constant 0 : i32
    %dma_start3A_212 = tpu.memref_slice %arg7[%dma_start3A_210, %dma_start3A_211] : memref<1x40xi32, #tpu.memory_space<vmem>> -> memref<1x40xi32, #tpu.memory_space<vmem>>
    %dma_start3A_213 = tpu.memref_squeeze %dma_start3A_212 : memref<1x40xi32, #tpu.memory_space<vmem>> -> memref<40xi32, #tpu.memory_space<vmem>>
    %dma_start3A_214 = arith.constant 0 : i32
    %dma_start3A_215 = arith.constant 0 : i32
    %dma_start3A_216 = tpu.memref_slice %arg2[%dma_start3A_214, %dma_start3A_215] : memref<10000x128xf32, #tpu.memory_space<hbm>> -> memref<10000x128xf32, #tpu.memory_space<hbm>>
    tpu.enqueue_indirect_dma source(%dma_start3A_216 : memref<10000x128xf32, #tpu.memory_space<hbm>>) target(%arg15 : memref<40x128xf32, #tpu.memory_space<vmem>>) offsets(%dma_start3A_213 : memref<40xi32, #tpu.memory_space<vmem>>) semaphore(%arg30 : memref<!tpu.dma_semaphore, #tpu.memory_space<semaphore_mem>>)
    %dma_wait3A_217 = arith.constant 0 : i32
    %dma_wait3A_218 = arith.constant 0 : i32
    %dma_wait3A_219 = arith.constant 0 : i32
    %dma_wait3A_220 = tpu.memref_slice %arg4[%add3A, %dma_wait3A_217, %dma_wait3A_218, %dma_wait3A_219] : memref<32x250x1x40xi32, #tpu.memory_space<hbm>> -> memref<1x1x1x40xi32, #tpu.memory_space<hbm>>
    %dma_wait3A_221 = tpu.memref_squeeze %dma_wait3A_220 : memref<1x1x1x40xi32, #tpu.memory_space<hbm>> -> memref<1x40xi32, #tpu.memory_space<hbm>>
    %dma_wait3A_222 = arith.constant 0 : i32
    %dma_wait3A_223 = arith.constant 0 : i32
    %dma_wait3A_224 = tpu.memref_slice %arg4[%add3A, %dma_wait3A_217, %dma_wait3A_222, %dma_wait3A_223] : memref<32x250x1x40xi32, #tpu.memory_space<hbm>> -> memref<1x1x1x40xi32, #tpu.memory_space<hbm>>
    %dma_wait3A_225 = tpu.memref_squeeze %dma_wait3A_224 : memref<1x1x1x40xi32, #tpu.memory_space<hbm>> -> memref<1x40xi32, #tpu.memory_space<hbm>>
    tpu.wait_dma2 semaphore(%arg23 : memref<!tpu.dma_semaphore, #tpu.memory_space<semaphore_mem>>) src(%dma_wait3A_225 : memref<1x40xi32, #tpu.memory_space<hbm>>) dst(%arg8 : memref<1x40xi32, #tpu.memory_space<vmem>>)
    %dma_start3A_226 = arith.constant 0 : i32
    %dma_start3A_227 = arith.constant 0 : i32
    %dma_start3A_228 = tpu.memref_slice %arg8[%dma_start3A_226, %dma_start3A_227] : memref<1x40xi32, #tpu.memory_space<vmem>> -> memref<1x40xi32, #tpu.memory_space<vmem>>
    %dma_start3A_229 = tpu.memref_squeeze %dma_start3A_228 : memref<1x40xi32, #tpu.memory_space<vmem>> -> memref<40xi32, #tpu.memory_space<vmem>>
    %dma_start3A_230 = arith.constant 0 : i32
    %dma_start3A_231 = arith.constant 0 : i32
    %dma_start3A_232 = tpu.memref_slice %arg2[%dma_start3A_230, %dma_start3A_231] : memref<10000x128xf32, #tpu.memory_space<hbm>> -> memref<10000x128xf32, #tpu.memory_space<hbm>>
    tpu.enqueue_indirect_dma source(%dma_start3A_232 : memref<10000x128xf32, #tpu.memory_space<hbm>>) target(%arg16 : memref<40x128xf32, #tpu.memory_space<vmem>>) offsets(%dma_start3A_229 : memref<40xi32, #tpu.memory_space<vmem>>) semaphore(%arg31 : memref<!tpu.dma_semaphore, #tpu.memory_space<semaphore_mem>>)
    %scan3A_233 = arith.constant 0 : i32
    %scan3A_234 = arith.constant 0 : i32
    %scan3A_235 = arith.constant 63 : i32
    %scan3A_236 = arith.addi %scan3A_234, %scan3A_235 : i32
    %scan3A_237 = arith.constant 1 : i32
    scf.for %scan3A_352 = %scan3A_234 to %scan3A_236 step %scan3A_237  : i32 {
      %mul3A_353 = arith.constant 4 : i32
      %mul3A_354 = arith.muli %mul3A_353, %scan3A_352 : i32
      %add3A_355 = arith.constant 0 : i32
      %add3A_356 = arith.addi %mul3A_354, %add3A_355 : i32
      %lt3A_357 = arith.constant 250 : i32
      %lt3A_358 = arith.cmpi slt, %add3A_356, %lt3A_357 : i32
      %convert_element_type3A_359 = arith.extui %lt3A_358 : i1 to i32
      %cond3A_360 = arith.constant 0 : i32
      %cond3A_361 = arith.cmpi ne, %convert_element_type3A_359, %cond3A_360 : i32
      scf.if %cond3A_361 {
        %add3A_383 = arith.constant 0 : i32
        %add3A_384 = arith.addi %mul3A_354, %add3A_383 : i32
        %add3A_385 = arith.constant 2 : i32
        %add3A_386 = arith.addi %add3A_384, %add3A_385 : i32
        %lt3A_387 = arith.constant 250 : i32
        %lt3A_388 = arith.cmpi slt, %add3A_386, %lt3A_387 : i32
        %convert_element_type3A_389 = arith.extui %lt3A_388 : i1 to i32
        %cond3A_390 = arith.constant 0 : i32
        %cond3A_391 = arith.cmpi ne, %convert_element_type3A_389, %cond3A_390 : i32
        scf.if %cond3A_391 {
          %dma_wait3A_434 = arith.constant 0 : i32
          %dma_wait3A_435 = arith.constant 0 : i32
          %dma_wait3A_436 = arith.constant 0 : i32
          %dma_wait3A_437 = tpu.memref_slice %arg4[%add3A, %dma_wait3A_434, %dma_wait3A_435, %dma_wait3A_436] : memref<32x250x1x40xi32, #tpu.memory_space<hbm>> -> memref<1x1x1x40xi32, #tpu.memory_space<hbm>>
          %dma_wait3A_438 = tpu.memref_squeeze %dma_wait3A_437 : memref<1x1x1x40xi32, #tpu.memory_space<hbm>> -> memref<1x40xi32, #tpu.memory_space<hbm>>
          %dma_wait3A_439 = arith.constant 0 : i32
          %dma_wait3A_440 = arith.constant 0 : i32
          %dma_wait3A_441 = tpu.memref_slice %arg4[%add3A, %dma_wait3A_434, %dma_wait3A_439, %dma_wait3A_440] : memref<32x250x1x40xi32, #tpu.memory_space<hbm>> -> memref<1x1x1x40xi32, #tpu.memory_space<hbm>>
          %dma_wait3A_442 = tpu.memref_squeeze %dma_wait3A_441 : memref<1x1x1x40xi32, #tpu.memory_space<hbm>> -> memref<1x40xi32, #tpu.memory_space<hbm>>
          tpu.wait_dma2 semaphore(%arg24 : memref<!tpu.dma_semaphore, #tpu.memory_space<semaphore_mem>>) src(%dma_wait3A_442 : memref<1x40xi32, #tpu.memory_space<hbm>>) dst(%arg9 : memref<1x40xi32, #tpu.memory_space<vmem>>)
          %dma_start3A_443 = arith.constant 0 : i32
          %dma_start3A_444 = arith.constant 0 : i32
          %dma_start3A_445 = tpu.memref_slice %arg9[%dma_start3A_443, %dma_start3A_444] : memref<1x40xi32, #tpu.memory_space<vmem>> -> memref<1x40xi32, #tpu.memory_space<vmem>>
          %dma_start3A_446 = tpu.memref_squeeze %dma_start3A_445 : memref<1x40xi32, #tpu.memory_space<vmem>> -> memref<40xi32, #tpu.memory_space<vmem>>
          %dma_start3A_447 = arith.constant 0 : i32
          %dma_start3A_448 = arith.constant 0 : i32
          %dma_start3A_449 = tpu.memref_slice %arg2[%dma_start3A_447, %dma_start3A_448] : memref<10000x128xf32, #tpu.memory_space<hbm>> -> memref<10000x128xf32, #tpu.memory_space<hbm>>
          tpu.enqueue_indirect_dma source(%dma_start3A_449 : memref<10000x128xf32, #tpu.memory_space<hbm>>) target(%arg17 : memref<40x128xf32, #tpu.memory_space<vmem>>) offsets(%dma_start3A_446 : memref<40xi32, #tpu.memory_space<vmem>>) semaphore(%arg32 : memref<!tpu.dma_semaphore, #tpu.memory_space<semaphore_mem>>)
        } else {
        }
        %dma_wait3A_392 = arith.constant 0 : i32
        %dma_wait3A_393 = arith.constant 0 : i32
        %dma_wait3A_394 = tpu.memref_slice %arg7[%dma_wait3A_392, %dma_wait3A_393] : memref<1x40xi32, #tpu.memory_space<vmem>> -> memref<1x40xi32, #tpu.memory_space<vmem>>
        %dma_wait3A_395 = tpu.memref_squeeze %dma_wait3A_394 : memref<1x40xi32, #tpu.memory_space<vmem>> -> memref<40xi32, #tpu.memory_space<vmem>>
        %dma_wait3A_396 = arith.constant 0 : i32
        %dma_wait3A_397 = arith.constant 0 : i32
        %dma_wait3A_398 = tpu.memref_slice %arg2[%dma_wait3A_396, %dma_wait3A_397] : memref<10000x128xf32, #tpu.memory_space<hbm>> -> memref<10000x128xf32, #tpu.memory_space<hbm>>
        tpu.wait_indirect_dma semaphore(%arg30 : memref<!tpu.dma_semaphore, #tpu.memory_space<semaphore_mem>>) src(%dma_wait3A_398 : memref<10000x128xf32, #tpu.memory_space<hbm>>) dst(%arg15 : memref<40x128xf32, #tpu.memory_space<vmem>>)
        %dma_wait3A_399 = arith.constant 0 : i32
        %dma_wait3A_400 = arith.constant 0 : i32
        %dma_wait3A_401 = tpu.memref_slice %arg3[%dma_wait3A_399, %dma_wait3A_400] : memref<320000x128xf32, #tpu.memory_space<hbm>> -> memref<40x128xf32, #tpu.memory_space<hbm>>
        %dma_wait3A_402 = arith.constant 0 : i32
        %dma_wait3A_403 = arith.constant 0 : i32
        %dma_wait3A_404 = tpu.memref_slice %arg3[%dma_wait3A_402, %dma_wait3A_403] : memref<320000x128xf32, #tpu.memory_space<hbm>> -> memref<40x128xf32, #tpu.memory_space<hbm>>
        tpu.wait_dma2 semaphore(%arg34 : memref<!tpu.dma_semaphore, #tpu.memory_space<semaphore_mem>>) src(%dma_wait3A_404 : memref<40x128xf32, #tpu.memory_space<hbm>>) dst(%arg19 : memref<40x128xf32, #tpu.memory_space<vmem>>)
        %scan3A_405 = arith.constant 0 : i32
        %scan3A_406 = arith.constant 0 : i32
        %scan3A_407 = arith.constant 40 : i32
        %scan3A_408 = arith.addi %scan3A_406, %scan3A_407 : i32
        %scan3A_409 = arith.constant 1 : i32
        scf.for %scan3A_434 = %scan3A_406 to %scan3A_408 step %scan3A_409  : i32 {
          %get3A = arith.index_cast %scan3A_434 : i32 to index
          %get3A_435 = arith.constant 0 : index
          %get3A_436 = tpu.vector_load %arg15[%get3A, %get3A_435] {strides = array<i32>} : memref<40x128xf32, #tpu.memory_space<vmem>>, vector<1x16xf32>,
          %get3A_437 = vector.shape_cast %get3A_436 : vector<1x16xf32> to vector<16xf32>
          %get3A_438 = arith.index_cast %scan3A_434 : i32 to index
          %get3A_439 = arith.constant 0 : index
          %get3A_440 = tpu.vector_load %arg19[%get3A_438, %get3A_439] {strides = array<i32>} : memref<40x128xf32, #tpu.memory_space<vmem>>, vector<1x16xf32>,
          %get3A_441 = vector.shape_cast %get3A_440 : vector<1x16xf32> to vector<16xf32>
          %mul3A_442 = arith.mulf %get3A_437, %get3A_441 : vector<16xf32>
          %swap3A = arith.index_cast %scan3A_434 : i32 to index
          %swap3A_443 = arith.constant 0 : index
          %swap3A_444 = tpu.vector_load %arg15[%swap3A, %swap3A_443] {strides = array<i32>} : memref<40x128xf32, #tpu.memory_space<vmem>>, vector<1x16xf32>,
          %swap3A_445 = vector.shape_cast %swap3A_444 : vector<1x16xf32> to vector<16xf32>
          %swap3A_446 = vector.shape_cast %mul3A_442 : vector<16xf32> to vector<1x16xf32>
          tpu.vector_store %arg15[%swap3A, %swap3A_443], %swap3A_446 {strides = array<i32>} : memref<40x128xf32, #tpu.memory_space<vmem>>, vector<1x16xf32>,
          %get3A_447 = arith.index_cast %scan3A_434 : i32 to index
          %get3A_448 = arith.constant 16 : index
          %get3A_449 = tpu.vector_load %arg15[%get3A_447, %get3A_448] {strides = array<i32>} : memref<40x128xf32, #tpu.memory_space<vmem>>, vector<1x16xf32>,
          %get3A_450 = vector.shape_cast %get3A_449 : vector<1x16xf32> to vector<16xf32>
          %get3A_451 = arith.index_cast %scan3A_434 : i32 to index
          %get3A_452 = arith.constant 16 : index
          %get3A_453 = tpu.vector_load %arg19[%get3A_451, %get3A_452] {strides = array<i32>} : memref<40x128xf32, #tpu.memory_space<vmem>>, vector<1x16xf32>,
          %get3A_454 = vector.shape_cast %get3A_453 : vector<1x16xf32> to vector<16xf32>
          %mul3A_455 = arith.mulf %get3A_450, %get3A_454 : vector<16xf32>
          %swap3A_456 = arith.index_cast %scan3A_434 : i32 to index
          %swap3A_457 = arith.constant 16 : index
          %swap3A_458 = tpu.vector_load %arg15[%swap3A_456, %swap3A_457] {strides = array<i32>} : memref<40x128xf32, #tpu.memory_space<vmem>>, vector<1x16xf32>,
          %swap3A_459 = vector.shape_cast %swap3A_458 : vector<1x16xf32> to vector<16xf32>
          %swap3A_460 = vector.shape_cast %mul3A_455 : vector<16xf32> to vector<1x16xf32>
          tpu.vector_store %arg15[%swap3A_456, %swap3A_457], %swap3A_460 {strides = array<i32>} : memref<40x128xf32, #tpu.memory_space<vmem>>, vector<1x16xf32>,
          %get3A_461 = arith.index_cast %scan3A_434 : i32 to index
          %get3A_462 = arith.constant 32 : index
          %get3A_463 = tpu.vector_load %arg15[%get3A_461, %get3A_462] {strides = array<i32>} : memref<40x128xf32, #tpu.memory_space<vmem>>, vector<1x16xf32>,
          %get3A_464 = vector.shape_cast %get3A_463 : vector<1x16xf32> to vector<16xf32>
          %get3A_465 = arith.index_cast %scan3A_434 : i32 to index
          %get3A_466 = arith.constant 32 : index
          %get3A_467 = tpu.vector_load %arg19[%get3A_465, %get3A_466] {strides = array<i32>} : memref<40x128xf32, #tpu.memory_space<vmem>>, vector<1x16xf32>,
          %get3A_468 = vector.shape_cast %get3A_467 : vector<1x16xf32> to vector<16xf32>
          %mul3A_469 = arith.mulf %get3A_464, %get3A_468 : vector<16xf32>
          %swap3A_470 = arith.index_cast %scan3A_434 : i32 to index
          %swap3A_471 = arith.constant 32 : index
          %swap3A_472 = tpu.vector_load %arg15[%swap3A_470, %swap3A_471] {strides = array<i32>} : memref<40x128xf32, #tpu.memory_space<vmem>>, vector<1x16xf32>,
          %swap3A_473 = vector.shape_cast %swap3A_472 : vector<1x16xf32> to vector<16xf32>
          %swap3A_474 = vector.shape_cast %mul3A_469 : vector<16xf32> to vector<1x16xf32>
          tpu.vector_store %arg15[%swap3A_470, %swap3A_471], %swap3A_474 {strides = array<i32>} : memref<40x128xf32, #tpu.memory_space<vmem>>, vector<1x16xf32>,
          %get3A_475 = arith.index_cast %scan3A_434 : i32 to index
          %get3A_476 = arith.constant 48 : index
          %get3A_477 = tpu.vector_load %arg15[%get3A_475, %get3A_476] {strides = array<i32>} : memref<40x128xf32, #tpu.memory_space<vmem>>, vector<1x16xf32>,
          %get3A_478 = vector.shape_cast %get3A_477 : vector<1x16xf32> to vector<16xf32>
          %get3A_479 = arith.index_cast %scan3A_434 : i32 to index
          %get3A_480 = arith.constant 48 : index
          %get3A_481 = tpu.vector_load %arg19[%get3A_479, %get3A_480] {strides = array<i32>} : memref<40x128xf32, #tpu.memory_space<vmem>>, vector<1x16xf32>,
          %get3A_482 = vector.shape_cast %get3A_481 : vector<1x16xf32> to vector<16xf32>
          %mul3A_483 = arith.mulf %get3A_478, %get3A_482 : vector<16xf32>
          %swap3A_484 = arith.index_cast %scan3A_434 : i32 to index
          %swap3A_485 = arith.constant 48 : index
          %swap3A_486 = tpu.vector_load %arg15[%swap3A_484, %swap3A_485] {strides = array<i32>} : memref<40x128xf32, #tpu.memory_space<vmem>>, vector<1x16xf32>,
          %swap3A_487 = vector.shape_cast %swap3A_486 : vector<1x16xf32> to vector<16xf32>
          %swap3A_488 = vector.shape_cast %mul3A_483 : vector<16xf32> to vector<1x16xf32>
          tpu.vector_store %arg15[%swap3A_484, %swap3A_485], %swap3A_488 {strides = array<i32>} : memref<40x128xf32, #tpu.memory_space<vmem>>, vector<1x16xf32>,
          %get3A_489 = arith.index_cast %scan3A_434 : i32 to index
          %get3A_490 = arith.constant 64 : index
          %get3A_491 = tpu.vector_load %arg15[%get3A_489, %get3A_490] {strides = array<i32>} : memref<40x128xf32, #tpu.memory_space<vmem>>, vector<1x16xf32>,
          %get3A_492 = vector.shape_cast %get3A_491 : vector<1x16xf32> to vector<16xf32>
          %get3A_493 = arith.index_cast %scan3A_434 : i32 to index
          %get3A_494 = arith.constant 64 : index
          %get3A_495 = tpu.vector_load %arg19[%get3A_493, %get3A_494] {strides = array<i32>} : memref<40x128xf32, #tpu.memory_space<vmem>>, vector<1x16xf32>,
          %get3A_496 = vector.shape_cast %get3A_495 : vector<1x16xf32> to vector<16xf32>
          %mul3A_497 = arith.mulf %get3A_492, %get3A_496 : vector<16xf32>
          %swap3A_498 = arith.index_cast %scan3A_434 : i32 to index
          %swap3A_499 = arith.constant 64 : index
          %swap3A_500 = tpu.vector_load %arg15[%swap3A_498, %swap3A_499] {strides = array<i32>} : memref<40x128xf32, #tpu.memory_space<vmem>>, vector<1x16xf32>,
          %swap3A_501 = vector.shape_cast %swap3A_500 : vector<1x16xf32> to vector<16xf32>
          %swap3A_502 = vector.shape_cast %mul3A_497 : vector<16xf32> to vector<1x16xf32>
          tpu.vector_store %arg15[%swap3A_498, %swap3A_499], %swap3A_502 {strides = array<i32>} : memref<40x128xf32, #tpu.memory_space<vmem>>, vector<1x16xf32>,
          %get3A_503 = arith.index_cast %scan3A_434 : i32 to index
          %get3A_504 = arith.constant 80 : index
          %get3A_505 = tpu.vector_load %arg15[%get3A_503, %get3A_504] {strides = array<i32>} : memref<40x128xf32, #tpu.memory_space<vmem>>, vector<1x16xf32>,
          %get3A_506 = vector.shape_cast %get3A_505 : vector<1x16xf32> to vector<16xf32>
          %get3A_507 = arith.index_cast %scan3A_434 : i32 to index
          %get3A_508 = arith.constant 80 : index
          %get3A_509 = tpu.vector_load %arg19[%get3A_507, %get3A_508] {strides = array<i32>} : memref<40x128xf32, #tpu.memory_space<vmem>>, vector<1x16xf32>,
          %get3A_510 = vector.shape_cast %get3A_509 : vector<1x16xf32> to vector<16xf32>
          %mul3A_511 = arith.mulf %get3A_506, %get3A_510 : vector<16xf32>
          %swap3A_512 = arith.index_cast %scan3A_434 : i32 to index
          %swap3A_513 = arith.constant 80 : index
          %swap3A_514 = tpu.vector_load %arg15[%swap3A_512, %swap3A_513] {strides = array<i32>} : memref<40x128xf32, #tpu.memory_space<vmem>>, vector<1x16xf32>,
          %swap3A_515 = vector.shape_cast %swap3A_514 : vector<1x16xf32> to vector<16xf32>
          %swap3A_516 = vector.shape_cast %mul3A_511 : vector<16xf32> to vector<1x16xf32>
          tpu.vector_store %arg15[%swap3A_512, %swap3A_513], %swap3A_516 {strides = array<i32>} : memref<40x128xf32, #tpu.memory_space<vmem>>, vector<1x16xf32>,
          %get3A_517 = arith.index_cast %scan3A_434 : i32 to index
          %get3A_518 = arith.constant 96 : index
          %get3A_519 = tpu.vector_load %arg15[%get3A_517, %get3A_518] {strides = array<i32>} : memref<40x128xf32, #tpu.memory_space<vmem>>, vector<1x16xf32>,
          %get3A_520 = vector.shape_cast %get3A_519 : vector<1x16xf32> to vector<16xf32>
          %get3A_521 = arith.index_cast %scan3A_434 : i32 to index
          %get3A_522 = arith.constant 96 : index
          %get3A_523 = tpu.vector_load %arg19[%get3A_521, %get3A_522] {strides = array<i32>} : memref<40x128xf32, #tpu.memory_space<vmem>>, vector<1x16xf32>,
          %get3A_524 = vector.shape_cast %get3A_523 : vector<1x16xf32> to vector<16xf32>
          %mul3A_525 = arith.mulf %get3A_520, %get3A_524 : vector<16xf32>
          %swap3A_526 = arith.index_cast %scan3A_434 : i32 to index
          %swap3A_527 = arith.constant 96 : index
          %swap3A_528 = tpu.vector_load %arg15[%swap3A_526, %swap3A_527] {strides = array<i32>} : memref<40x128xf32, #tpu.memory_space<vmem>>, vector<1x16xf32>,
          %swap3A_529 = vector.shape_cast %swap3A_528 : vector<1x16xf32> to vector<16xf32>
          %swap3A_530 = vector.shape_cast %mul3A_525 : vector<16xf32> to vector<1x16xf32>
          tpu.vector_store %arg15[%swap3A_526, %swap3A_527], %swap3A_530 {strides = array<i32>} : memref<40x128xf32, #tpu.memory_space<vmem>>, vector<1x16xf32>,
          %get3A_531 = arith.index_cast %scan3A_434 : i32 to index
          %get3A_532 = arith.constant 112 : index
          %get3A_533 = tpu.vector_load %arg15[%get3A_531, %get3A_532] {strides = array<i32>} : memref<40x128xf32, #tpu.memory_space<vmem>>, vector<1x16xf32>,
          %get3A_534 = vector.shape_cast %get3A_533 : vector<1x16xf32> to vector<16xf32>
          %get3A_535 = arith.index_cast %scan3A_434 : i32 to index
          %get3A_536 = arith.constant 112 : index
          %get3A_537 = tpu.vector_load %arg19[%get3A_535, %get3A_536] {strides = array<i32>} : memref<40x128xf32, #tpu.memory_space<vmem>>, vector<1x16xf32>,
          %get3A_538 = vector.shape_cast %get3A_537 : vector<1x16xf32> to vector<16xf32>
          %mul3A_539 = arith.mulf %get3A_534, %get3A_538 : vector<16xf32>
          %swap3A_540 = arith.index_cast %scan3A_434 : i32 to index
          %swap3A_541 = arith.constant 112 : index
          %swap3A_542 = tpu.vector_load %arg15[%swap3A_540, %swap3A_541] {strides = array<i32>} : memref<40x128xf32, #tpu.memory_space<vmem>>, vector<1x16xf32>,
          %swap3A_543 = vector.shape_cast %swap3A_542 : vector<1x16xf32> to vector<16xf32>
          %swap3A_544 = vector.shape_cast %mul3A_539 : vector<16xf32> to vector<1x16xf32>
          tpu.vector_store %arg15[%swap3A_540, %swap3A_541], %swap3A_544 {strides = array<i32>} : memref<40x128xf32, #tpu.memory_space<vmem>>, vector<1x16xf32>,
        }
        %scan3A_410 = arith.constant 40 : i32
        %dma_wait3A_411 = arith.constant 0 : i32
        %dma_wait3A_412 = arith.constant 0 : i32
        %dma_wait3A_413 = arith.constant 0 : i32
        %dma_wait3A_414 = tpu.memref_slice %arg5[%add3A, %dma_wait3A_411, %dma_wait3A_412, %dma_wait3A_413] : memref<32x250x1x40xi32, #tpu.memory_space<hbm>> -> memref<1x1x1x40xi32, #tpu.memory_space<hbm>>
        %dma_wait3A_415 = tpu.memref_squeeze %dma_wait3A_414 : memref<1x1x1x40xi32, #tpu.memory_space<hbm>> -> memref<1x40xi32, #tpu.memory_space<hbm>>
        %dma_wait3A_416 = arith.constant 0 : i32
        %dma_wait3A_417 = arith.constant 0 : i32
        %dma_wait3A_418 = tpu.memref_slice %arg5[%add3A, %dma_wait3A_411, %dma_wait3A_416, %dma_wait3A_417] : memref<32x250x1x40xi32, #tpu.memory_space<hbm>> -> memref<1x1x1x40xi32, #tpu.memory_space<hbm>>
        %dma_wait3A_419 = tpu.memref_squeeze %dma_wait3A_418 : memref<1x1x1x40xi32, #tpu.memory_space<hbm>> -> memref<1x40xi32, #tpu.memory_space<hbm>>
        tpu.wait_dma2 semaphore(%arg26 : memref<!tpu.dma_semaphore, #tpu.memory_space<semaphore_mem>>) src(%dma_wait3A_419 : memref<1x40xi32, #tpu.memory_space<hbm>>) dst(%arg11 : memref<1x40xi32, #tpu.memory_space<vmem>>)
        %run_scoped3A = arith.constant 0 : i32
        "tpu.region"() ({
          %run_scoped3A_434 = tpu.sem_alloc : memref<!tpu.dma_semaphore, #tpu.memory_space<semaphore_mem>>
          %dma_start3A_435 = arith.constant 0 : i32
          %dma_start3A_436 = tpu.memref_slice %arg11[%run_scoped3A, %dma_start3A_435] : memref<1x40xi32, #tpu.memory_space<vmem>> -> memref<1x40xi32, #tpu.memory_space<vmem>>
          %dma_start3A_437 = tpu.memref_squeeze %dma_start3A_436 : memref<1x40xi32, #tpu.memory_space<vmem>> -> memref<40xi32, #tpu.memory_space<vmem>>
          %dma_start3A_438 = arith.constant 0 : i32
          %dma_start3A_439 = arith.constant 0 : i32
          %dma_start3A_440 = tpu.memref_slice %arg21[%dma_start3A_438, %dma_start3A_439] : memref<10000x128xf32, #tpu.memory_space<vmem_shared>> -> memref<10000x128xf32, #tpu.memory_space<vmem_shared>>
          tpu.enqueue_indirect_dma source(%arg15 : memref<40x128xf32, #tpu.memory_space<vmem>>) target(%dma_start3A_440 : memref<10000x128xf32, #tpu.memory_space<vmem_shared>>) offsets(%dma_start3A_437 : memref<40xi32, #tpu.memory_space<vmem>>) semaphore(%run_scoped3A_434 : memref<!tpu.dma_semaphore, #tpu.memory_space<semaphore_mem>>) {add = true}
          %dma_wait3A_441 = arith.constant 0 : i32
          %dma_wait3A_442 = tpu.memref_slice %arg11[%run_scoped3A, %dma_wait3A_441] : memref<1x40xi32, #tpu.memory_space<vmem>> -> memref<1x40xi32, #tpu.memory_space<vmem>>
          %dma_wait3A_443 = tpu.memref_squeeze %dma_wait3A_442 : memref<1x40xi32, #tpu.memory_space<vmem>> -> memref<40xi32, #tpu.memory_space<vmem>>
          %dma_wait3A_444 = arith.constant 0 : i32
          %dma_wait3A_445 = arith.constant 0 : i32
          %dma_wait3A_446 = tpu.memref_slice %arg21[%dma_wait3A_444, %dma_wait3A_445] : memref<10000x128xf32, #tpu.memory_space<vmem_shared>> -> memref<10000x128xf32, #tpu.memory_space<vmem_shared>>
          tpu.wait_indirect_dma semaphore(%run_scoped3A_434 : memref<!tpu.dma_semaphore, #tpu.memory_space<semaphore_mem>>) src(%arg15 : memref<40x128xf32, #tpu.memory_space<vmem>>) dst(%dma_wait3A_446 : memref<10000x128xf32, #tpu.memory_space<vmem_shared>>)
          tpu.yield
        }) : () -> ()
        %add3A_420 = arith.constant 4 : i32
        %add3A_421 = arith.addi %add3A_384, %add3A_420 : i32
        %lt3A_422 = arith.constant 250 : i32
        %lt3A_423 = arith.cmpi slt, %add3A_421, %lt3A_422 : i32
        %convert_element_type3A_424 = arith.extui %lt3A_423 : i1 to i32
        %cond3A_425 = arith.constant 0 : i32
        %cond3A_426 = arith.cmpi ne, %convert_element_type3A_424, %cond3A_425 : i32
        scf.if %cond3A_426 {
          %add3A_434 = arith.constant 4 : i32
          %add3A_435 = arith.addi %add3A_384, %add3A_434 : i32
          %dma_start3A_436 = arith.constant 0 : i32
          %dma_start3A_437 = arith.constant 0 : i32
          %dma_start3A_438 = tpu.memref_slice %arg4[%add3A, %add3A_435, %dma_start3A_436, %dma_start3A_437] : memref<32x250x1x40xi32, #tpu.memory_space<hbm>> -> memref<1x1x1x40xi32, #tpu.memory_space<hbm>>
          %dma_start3A_439 = tpu.memref_squeeze %dma_start3A_438 : memref<1x1x1x40xi32, #tpu.memory_space<hbm>> -> memref<1x40xi32, #tpu.memory_space<hbm>>
          %dma_start3A_440 = arith.constant 0 : i32
          %dma_start3A_441 = arith.constant 0 : i32
          %dma_start3A_442 = tpu.memref_slice %arg4[%add3A, %add3A_435, %dma_start3A_440, %dma_start3A_441] : memref<32x250x1x40xi32, #tpu.memory_space<hbm>> -> memref<1x1x1x40xi32, #tpu.memory_space<hbm>>
          %dma_start3A_443 = tpu.memref_squeeze %dma_start3A_442 : memref<1x1x1x40xi32, #tpu.memory_space<hbm>> -> memref<1x40xi32, #tpu.memory_space<hbm>>
          tpu.enqueue_dma source(%dma_start3A_443 : memref<1x40xi32, #tpu.memory_space<hbm>>) target(%arg7 : memref<1x40xi32, #tpu.memory_space<vmem>>) target_semaphore(%arg22 : memref<!tpu.dma_semaphore, #tpu.memory_space<semaphore_mem>>)
          %dma_start3A_444 = arith.constant 0 : i32
          %dma_start3A_445 = arith.constant 0 : i32
          %dma_start3A_446 = tpu.memref_slice %arg5[%add3A, %add3A_435, %dma_start3A_444, %dma_start3A_445] : memref<32x250x1x40xi32, #tpu.memory_space<hbm>> -> memref<1x1x1x40xi32, #tpu.memory_space<hbm>>
          %dma_start3A_447 = tpu.memref_squeeze %dma_start3A_446 : memref<1x1x1x40xi32, #tpu.memory_space<hbm>> -> memref<1x40xi32, #tpu.memory_space<hbm>>
          %dma_start3A_448 = arith.constant 0 : i32
          %dma_start3A_449 = arith.constant 0 : i32
          %dma_start3A_450 = tpu.memref_slice %arg5[%add3A, %add3A_435, %dma_start3A_448, %dma_start3A_449] : memref<32x250x1x40xi32, #tpu.memory_space<hbm>> -> memref<1x1x1x40xi32, #tpu.memory_space<hbm>>
          %dma_start3A_451 = tpu.memref_squeeze %dma_start3A_450 : memref<1x1x1x40xi32, #tpu.memory_space<hbm>> -> memref<1x40xi32, #tpu.memory_space<hbm>>
          tpu.enqueue_dma source(%dma_start3A_451 : memref<1x40xi32, #tpu.memory_space<hbm>>) target(%arg11 : memref<1x40xi32, #tpu.memory_space<vmem>>) target_semaphore(%arg26 : memref<!tpu.dma_semaphore, #tpu.memory_space<semaphore_mem>>)
        } else {
        }
        %add3A_427 = arith.constant 2 : i32
        %add3A_428 = arith.addi %add3A_384, %add3A_427 : i32
        %lt3A_429 = arith.constant 250 : i32
        %lt3A_430 = arith.cmpi slt, %add3A_428, %lt3A_429 : i32
        %convert_element_type3A_431 = arith.extui %lt3A_430 : i1 to i32
        %cond3A_432 = arith.constant 0 : i32
        %cond3A_433 = arith.cmpi ne, %convert_element_type3A_431, %cond3A_432 : i32
        scf.if %cond3A_433 {
          %add3A_434 = arith.constant 2 : i32
          %add3A_435 = arith.addi %add3A_384, %add3A_434 : i32
          %mul3A_436 = arith.constant 10000 : i32
          %mul3A_437 = arith.muli %add3A, %mul3A_436 : i32
          %mul3A_438 = arith.constant 40 : i32
          %mul3A_439 = arith.muli %add3A_435, %mul3A_438 : i32
          %add3A_440 = arith.addi %mul3A_437, %mul3A_439 : i32
          %dma_start3A_441 = arith.constant 0 : i32
          %dma_start3A_442 = tpu.memref_slice %arg3[%add3A_440, %dma_start3A_441] : memref<320000x128xf32, #tpu.memory_space<hbm>> -> memref<40x128xf32, #tpu.memory_space<hbm>>
          %dma_start3A_443 = arith.constant 0 : i32
          %dma_start3A_444 = tpu.memref_slice %arg3[%add3A_440, %dma_start3A_443] : memref<320000x128xf32, #tpu.memory_space<hbm>> -> memref<40x128xf32, #tpu.memory_space<hbm>>
          tpu.enqueue_dma source(%dma_start3A_444 : memref<40x128xf32, #tpu.memory_space<hbm>>) target(%arg19 : memref<40x128xf32, #tpu.memory_space<vmem>>) target_semaphore(%arg34 : memref<!tpu.dma_semaphore, #tpu.memory_space<semaphore_mem>>)
        } else {
        }
      } else {
      }
      %add3A_362 = arith.constant 1 : i32
      %add3A_363 = arith.addi %mul3A_354, %add3A_362 : i32
      %lt3A_364 = arith.constant 250 : i32
      %lt3A_365 = arith.cmpi slt, %add3A_363, %lt3A_364 : i32
      %convert_element_type3A_366 = arith.extui %lt3A_365 : i1 to i32
      %cond3A_367 = arith.constant 0 : i32
      %cond3A_368 = arith.cmpi ne, %convert_element_type3A_366, %cond3A_367 : i32
      scf.if %cond3A_368 {
        %add3A_383 = arith.constant 1 : i32
        %add3A_384 = arith.addi %mul3A_354, %add3A_383 : i32
        %add3A_385 = arith.constant 2 : i32
        %add3A_386 = arith.addi %add3A_384, %add3A_385 : i32
        %lt3A_387 = arith.constant 250 : i32
        %lt3A_388 = arith.cmpi slt, %add3A_386, %lt3A_387 : i32
        %convert_element_type3A_389 = arith.extui %lt3A_388 : i1 to i32
        %cond3A_390 = arith.constant 0 : i32
        %cond3A_391 = arith.cmpi ne, %convert_element_type3A_389, %cond3A_390 : i32
        scf.if %cond3A_391 {
          %dma_wait3A_434 = arith.constant 0 : i32
          %dma_wait3A_435 = arith.constant 0 : i32
          %dma_wait3A_436 = arith.constant 0 : i32
          %dma_wait3A_437 = tpu.memref_slice %arg4[%add3A, %dma_wait3A_434, %dma_wait3A_435, %dma_wait3A_436] : memref<32x250x1x40xi32, #tpu.memory_space<hbm>> -> memref<1x1x1x40xi32, #tpu.memory_space<hbm>>
          %dma_wait3A_438 = tpu.memref_squeeze %dma_wait3A_437 : memref<1x1x1x40xi32, #tpu.memory_space<hbm>> -> memref<1x40xi32, #tpu.memory_space<hbm>>
          %dma_wait3A_439 = arith.constant 0 : i32
          %dma_wait3A_440 = arith.constant 0 : i32
          %dma_wait3A_441 = tpu.memref_slice %arg4[%add3A, %dma_wait3A_434, %dma_wait3A_439, %dma_wait3A_440] : memref<32x250x1x40xi32, #tpu.memory_space<hbm>> -> memref<1x1x1x40xi32, #tpu.memory_space<hbm>>
          %dma_wait3A_442 = tpu.memref_squeeze %dma_wait3A_441 : memref<1x1x1x40xi32, #tpu.memory_space<hbm>> -> memref<1x40xi32, #tpu.memory_space<hbm>>
          tpu.wait_dma2 semaphore(%arg25 : memref<!tpu.dma_semaphore, #tpu.memory_space<semaphore_mem>>) src(%dma_wait3A_442 : memref<1x40xi32, #tpu.memory_space<hbm>>) dst(%arg10 : memref<1x40xi32, #tpu.memory_space<vmem>>)
          %dma_start3A_443 = arith.constant 0 : i32
          %dma_start3A_444 = arith.constant 0 : i32
          %dma_start3A_445 = tpu.memref_slice %arg10[%dma_start3A_443, %dma_start3A_444] : memref<1x40xi32, #tpu.memory_space<vmem>> -> memref<1x40xi32, #tpu.memory_space<vmem>>
          %dma_start3A_446 = tpu.memref_squeeze %dma_start3A_445 : memref<1x40xi32, #tpu.memory_space<vmem>> -> memref<40xi32, #tpu.memory_space<vmem>>
          %dma_start3A_447 = arith.constant 0 : i32
          %dma_start3A_448 = arith.constant 0 : i32
          %dma_start3A_449 = tpu.memref_slice %arg2[%dma_start3A_447, %dma_start3A_448] : memref<10000x128xf32, #tpu.memory_space<hbm>> -> memref<10000x128xf32, #tpu.memory_space<hbm>>
          tpu.enqueue_indirect_dma source(%dma_start3A_449 : memref<10000x128xf32, #tpu.memory_space<hbm>>) target(%arg18 : memref<40x128xf32, #tpu.memory_space<vmem>>) offsets(%dma_start3A_446 : memref<40xi32, #tpu.memory_space<vmem>>) semaphore(%arg33 : memref<!tpu.dma_semaphore, #tpu.memory_space<semaphore_mem>>)
        } else {
        }
        %dma_wait3A_392 = arith.constant 0 : i32
        %dma_wait3A_393 = arith.constant 0 : i32
        %dma_wait3A_394 = tpu.memref_slice %arg8[%dma_wait3A_392, %dma_wait3A_393] : memref<1x40xi32, #tpu.memory_space<vmem>> -> memref<1x40xi32, #tpu.memory_space<vmem>>
        %dma_wait3A_395 = tpu.memref_squeeze %dma_wait3A_394 : memref<1x40xi32, #tpu.memory_space<vmem>> -> memref<40xi32, #tpu.memory_space<vmem>>
        %dma_wait3A_396 = arith.constant 0 : i32
        %dma_wait3A_397 = arith.constant 0 : i32
        %dma_wait3A_398 = tpu.memref_slice %arg2[%dma_wait3A_396, %dma_wait3A_397] : memref<10000x128xf32, #tpu.memory_space<hbm>> -> memref<10000x128xf32, #tpu.memory_space<hbm>>
        tpu.wait_indirect_dma semaphore(%arg31 : memref<!tpu.dma_semaphore, #tpu.memory_space<semaphore_mem>>) src(%dma_wait3A_398 : memref<10000x128xf32, #tpu.memory_space<hbm>>) dst(%arg16 : memref<40x128xf32, #tpu.memory_space<vmem>>)
        %dma_wait3A_399 = arith.constant 0 : i32
        %dma_wait3A_400 = arith.constant 0 : i32
        %dma_wait3A_401 = tpu.memref_slice %arg3[%dma_wait3A_399, %dma_wait3A_400] : memref<320000x128xf32, #tpu.memory_space<hbm>> -> memref<40x128xf32, #tpu.memory_space<hbm>>
        %dma_wait3A_402 = arith.constant 0 : i32
        %dma_wait3A_403 = arith.constant 0 : i32
        %dma_wait3A_404 = tpu.memref_slice %arg3[%dma_wait3A_402, %dma_wait3A_403] : memref<320000x128xf32, #tpu.memory_space<hbm>> -> memref<40x128xf32, #tpu.memory_space<hbm>>
        tpu.wait_dma2 semaphore(%arg35 : memref<!tpu.dma_semaphore, #tpu.memory_space<semaphore_mem>>) src(%dma_wait3A_404 : memref<40x128xf32, #tpu.memory_space<hbm>>) dst(%arg20 : memref<40x128xf32, #tpu.memory_space<vmem>>)
        %scan3A_405 = arith.constant 0 : i32
        %scan3A_406 = arith.constant 0 : i32
        %scan3A_407 = arith.constant 40 : i32
        %scan3A_408 = arith.addi %scan3A_406, %scan3A_407 : i32
        %scan3A_409 = arith.constant 1 : i32
        scf.for %scan3A_434 = %scan3A_406 to %scan3A_408 step %scan3A_409  : i32 {
          %get3A = arith.index_cast %scan3A_434 : i32 to index
          %get3A_435 = arith.constant 0 : index
          %get3A_436 = tpu.vector_load %arg16[%get3A, %get3A_435] {strides = array<i32>} : memref<40x128xf32, #tpu.memory_space<vmem>>, vector<1x16xf32>,
          %get3A_437 = vector.shape_cast %get3A_436 : vector<1x16xf32> to vector<16xf32>
          %get3A_438 = arith.index_cast %scan3A_434 : i32 to index
          %get3A_439 = arith.constant 0 : index
          %get3A_440 = tpu.vector_load %arg20[%get3A_438, %get3A_439] {strides = array<i32>} : memref<40x128xf32, #tpu.memory_space<vmem>>, vector<1x16xf32>,
          %get3A_441 = vector.shape_cast %get3A_440 : vector<1x16xf32> to vector<16xf32>
          %mul3A_442 = arith.mulf %get3A_437, %get3A_441 : vector<16xf32>
          %swap3A = arith.index_cast %scan3A_434 : i32 to index
          %swap3A_443 = arith.constant 0 : index
          %swap3A_444 = tpu.vector_load %arg16[%swap3A, %swap3A_443] {strides = array<i32>} : memref<40x128xf32, #tpu.memory_space<vmem>>, vector<1x16xf32>,
          %swap3A_445 = vector.shape_cast %swap3A_444 : vector<1x16xf32> to vector<16xf32>
          %swap3A_446 = vector.shape_cast %mul3A_442 : vector<16xf32> to vector<1x16xf32>
          tpu.vector_store %arg16[%swap3A, %swap3A_443], %swap3A_446 {strides = array<i32>} : memref<40x128xf32, #tpu.memory_space<vmem>>, vector<1x16xf32>,
          %get3A_447 = arith.index_cast %scan3A_434 : i32 to index
          %get3A_448 = arith.constant 16 : index
          %get3A_449 = tpu.vector_load %arg16[%get3A_447, %get3A_448] {strides = array<i32>} : memref<40x128xf32, #tpu.memory_space<vmem>>, vector<1x16xf32>,
          %get3A_450 = vector.shape_cast %get3A_449 : vector<1x16xf32> to vector<16xf32>
          %get3A_451 = arith.index_cast %scan3A_434 : i32 to index
          %get3A_452 = arith.constant 16 : index
          %get3A_453 = tpu.vector_load %arg20[%get3A_451, %get3A_452] {strides = array<i32>} : memref<40x128xf32, #tpu.memory_space<vmem>>, vector<1x16xf32>,
          %get3A_454 = vector.shape_cast %get3A_453 : vector<1x16xf32> to vector<16xf32>
          %mul3A_455 = arith.mulf %get3A_450, %get3A_454 : vector<16xf32>
          %swap3A_456 = arith.index_cast %scan3A_434 : i32 to index
          %swap3A_457 = arith.constant 16 : index
          %swap3A_458 = tpu.vector_load %arg16[%swap3A_456, %swap3A_457] {strides = array<i32>} : memref<40x128xf32, #tpu.memory_space<vmem>>, vector<1x16xf32>,
          %swap3A_459 = vector.shape_cast %swap3A_458 : vector<1x16xf32> to vector<16xf32>
          %swap3A_460 = vector.shape_cast %mul3A_455 : vector<16xf32> to vector<1x16xf32>
          tpu.vector_store %arg16[%swap3A_456, %swap3A_457], %swap3A_460 {strides = array<i32>} : memref<40x128xf32, #tpu.memory_space<vmem>>, vector<1x16xf32>,
          %get3A_461 = arith.index_cast %scan3A_434 : i32 to index
          %get3A_462 = arith.constant 32 : index
          %get3A_463 = tpu.vector_load %arg16[%get3A_461, %get3A_462] {strides = array<i32>} : memref<40x128xf32, #tpu.memory_space<vmem>>, vector<1x16xf32>,
          %get3A_464 = vector.shape_cast %get3A_463 : vector<1x16xf32> to vector<16xf32>
          %get3A_465 = arith.index_cast %scan3A_434 : i32 to index
          %get3A_466 = arith.constant 32 : index
          %get3A_467 = tpu.vector_load %arg20[%get3A_465, %get3A_466] {strides = array<i32>} : memref<40x128xf32, #tpu.memory_space<vmem>>, vector<1x16xf32>,
          %get3A_468 = vector.shape_cast %get3A_467 : vector<1x16xf32> to vector<16xf32>
          %mul3A_469 = arith.mulf %get3A_464, %get3A_468 : vector<16xf32>
          %swap3A_470 = arith.index_cast %scan3A_434 : i32 to index
          %swap3A_471 = arith.constant 32 : index
          %swap3A_472 = tpu.vector_load %arg16[%swap3A_470, %swap3A_471] {strides = array<i32>} : memref<40x128xf32, #tpu.memory_space<vmem>>, vector<1x16xf32>,
          %swap3A_473 = vector.shape_cast %swap3A_472 : vector<1x16xf32> to vector<16xf32>
          %swap3A_474 = vector.shape_cast %mul3A_469 : vector<16xf32> to vector<1x16xf32>
          tpu.vector_store %arg16[%swap3A_470, %swap3A_471], %swap3A_474 {strides = array<i32>} : memref<40x128xf32, #tpu.memory_space<vmem>>, vector<1x16xf32>,
          %get3A_475 = arith.index_cast %scan3A_434 : i32 to index
          %get3A_476 = arith.constant 48 : index
          %get3A_477 = tpu.vector_load %arg16[%get3A_475, %get3A_476] {strides = array<i32>} : memref<40x128xf32, #tpu.memory_space<vmem>>, vector<1x16xf32>,
          %get3A_478 = vector.shape_cast %get3A_477 : vector<1x16xf32> to vector<16xf32>
          %get3A_479 = arith.index_cast %scan3A_434 : i32 to index
          %get3A_480 = arith.constant 48 : index
          %get3A_481 = tpu.vector_load %arg20[%get3A_479, %get3A_480] {strides = array<i32>} : memref<40x128xf32, #tpu.memory_space<vmem>>, vector<1x16xf32>,
          %get3A_482 = vector.shape_cast %get3A_481 : vector<1x16xf32> to vector<16xf32>
          %mul3A_483 = arith.mulf %get3A_478, %get3A_482 : vector<16xf32>
          %swap3A_484 = arith.index_cast %scan3A_434 : i32 to index
          %swap3A_485 = arith.constant 48 : index
          %swap3A_486 = tpu.vector_load %arg16[%swap3A_484, %swap3A_485] {strides = array<i32>} : memref<40x128xf32, #tpu.memory_space<vmem>>, vector<1x16xf32>,
          %swap3A_487 = vector.shape_cast %swap3A_486 : vector<1x16xf32> to vector<16xf32>
          %swap3A_488 = vector.shape_cast %mul3A_483 : vector<16xf32> to vector<1x16xf32>
          tpu.vector_store %arg16[%swap3A_484, %swap3A_485], %swap3A_488 {strides = array<i32>} : memref<40x128xf32, #tpu.memory_space<vmem>>, vector<1x16xf32>,
          %get3A_489 = arith.index_cast %scan3A_434 : i32 to index
          %get3A_490 = arith.constant 64 : index
          %get3A_491 = tpu.vector_load %arg16[%get3A_489, %get3A_490] {strides = array<i32>} : memref<40x128xf32, #tpu.memory_space<vmem>>, vector<1x16xf32>,
          %get3A_492 = vector.shape_cast %get3A_491 : vector<1x16xf32> to vector<16xf32>
          %get3A_493 = arith.index_cast %scan3A_434 : i32 to index
          %get3A_494 = arith.constant 64 : index
          %get3A_495 = tpu.vector_load %arg20[%get3A_493, %get3A_494] {strides = array<i32>} : memref<40x128xf32, #tpu.memory_space<vmem>>, vector<1x16xf32>,
          %get3A_496 = vector.shape_cast %get3A_495 : vector<1x16xf32> to vector<16xf32>
          %mul3A_497 = arith.mulf %get3A_492, %get3A_496 : vector<16xf32>
          %swap3A_498 = arith.index_cast %scan3A_434 : i32 to index
          %swap3A_499 = arith.constant 64 : index
          %swap3A_500 = tpu.vector_load %arg16[%swap3A_498, %swap3A_499] {strides = array<i32>} : memref<40x128xf32, #tpu.memory_space<vmem>>, vector<1x16xf32>,
          %swap3A_501 = vector.shape_cast %swap3A_500 : vector<1x16xf32> to vector<16xf32>
          %swap3A_502 = vector.shape_cast %mul3A_497 : vector<16xf32> to vector<1x16xf32>
          tpu.vector_store %arg16[%swap3A_498, %swap3A_499], %swap3A_502 {strides = array<i32>} : memref<40x128xf32, #tpu.memory_space<vmem>>, vector<1x16xf32>,
          %get3A_503 = arith.index_cast %scan3A_434 : i32 to index
          %get3A_504 = arith.constant 80 : index
          %get3A_505 = tpu.vector_load %arg16[%get3A_503, %get3A_504] {strides = array<i32>} : memref<40x128xf32, #tpu.memory_space<vmem>>, vector<1x16xf32>,
          %get3A_506 = vector.shape_cast %get3A_505 : vector<1x16xf32> to vector<16xf32>
          %get3A_507 = arith.index_cast %scan3A_434 : i32 to index
          %get3A_508 = arith.constant 80 : index
          %get3A_509 = tpu.vector_load %arg20[%get3A_507, %get3A_508] {strides = array<i32>} : memref<40x128xf32, #tpu.memory_space<vmem>>, vector<1x16xf32>,
          %get3A_510 = vector.shape_cast %get3A_509 : vector<1x16xf32> to vector<16xf32>
          %mul3A_511 = arith.mulf %get3A_506, %get3A_510 : vector<16xf32>
          %swap3A_512 = arith.index_cast %scan3A_434 : i32 to index
          %swap3A_513 = arith.constant 80 : index
          %swap3A_514 = tpu.vector_load %arg16[%swap3A_512, %swap3A_513] {strides = array<i32>} : memref<40x128xf32, #tpu.memory_space<vmem>>, vector<1x16xf32>,
          %swap3A_515 = vector.shape_cast %swap3A_514 : vector<1x16xf32> to vector<16xf32>
          %swap3A_516 = vector.shape_cast %mul3A_511 : vector<16xf32> to vector<1x16xf32>
          tpu.vector_store %arg16[%swap3A_512, %swap3A_513], %swap3A_516 {strides = array<i32>} : memref<40x128xf32, #tpu.memory_space<vmem>>, vector<1x16xf32>,
          %get3A_517 = arith.index_cast %scan3A_434 : i32 to index
          %get3A_518 = arith.constant 96 : index
          %get3A_519 = tpu.vector_load %arg16[%get3A_517, %get3A_518] {strides = array<i32>} : memref<40x128xf32, #tpu.memory_space<vmem>>, vector<1x16xf32>,
          %get3A_520 = vector.shape_cast %get3A_519 : vector<1x16xf32> to vector<16xf32>
          %get3A_521 = arith.index_cast %scan3A_434 : i32 to index
          %get3A_522 = arith.constant 96 : index
          %get3A_523 = tpu.vector_load %arg20[%get3A_521, %get3A_522] {strides = array<i32>} : memref<40x128xf32, #tpu.memory_space<vmem>>, vector<1x16xf32>,
          %get3A_524 = vector.shape_cast %get3A_523 : vector<1x16xf32> to vector<16xf32>
          %mul3A_525 = arith.mulf %get3A_520, %get3A_524 : vector<16xf32>
          %swap3A_526 = arith.index_cast %scan3A_434 : i32 to index
          %swap3A_527 = arith.constant 96 : index
          %swap3A_528 = tpu.vector_load %arg16[%swap3A_526, %swap3A_527] {strides = array<i32>} : memref<40x128xf32, #tpu.memory_space<vmem>>, vector<1x16xf32>,
          %swap3A_529 = vector.shape_cast %swap3A_528 : vector<1x16xf32> to vector<16xf32>
          %swap3A_530 = vector.shape_cast %mul3A_525 : vector<16xf32> to vector<1x16xf32>
          tpu.vector_store %arg16[%swap3A_526, %swap3A_527], %swap3A_530 {strides = array<i32>} : memref<40x128xf32, #tpu.memory_space<vmem>>, vector<1x16xf32>,
          %get3A_531 = arith.index_cast %scan3A_434 : i32 to index
          %get3A_532 = arith.constant 112 : index
          %get3A_533 = tpu.vector_load %arg16[%get3A_531, %get3A_532] {strides = array<i32>} : memref<40x128xf32, #tpu.memory_space<vmem>>, vector<1x16xf32>,
          %get3A_534 = vector.shape_cast %get3A_533 : vector<1x16xf32> to vector<16xf32>
          %get3A_535 = arith.index_cast %scan3A_434 : i32 to index
          %get3A_536 = arith.constant 112 : index
          %get3A_537 = tpu.vector_load %arg20[%get3A_535, %get3A_536] {strides = array<i32>} : memref<40x128xf32, #tpu.memory_space<vmem>>, vector<1x16xf32>,
          %get3A_538 = vector.shape_cast %get3A_537 : vector<1x16xf32> to vector<16xf32>
          %mul3A_539 = arith.mulf %get3A_534, %get3A_538 : vector<16xf32>
          %swap3A_540 = arith.index_cast %scan3A_434 : i32 to index
          %swap3A_541 = arith.constant 112 : index
          %swap3A_542 = tpu.vector_load %arg16[%swap3A_540, %swap3A_541] {strides = array<i32>} : memref<40x128xf32, #tpu.memory_space<vmem>>, vector<1x16xf32>,
          %swap3A_543 = vector.shape_cast %swap3A_542 : vector<1x16xf32> to vector<16xf32>
          %swap3A_544 = vector.shape_cast %mul3A_539 : vector<16xf32> to vector<1x16xf32>
          tpu.vector_store %arg16[%swap3A_540, %swap3A_541], %swap3A_544 {strides = array<i32>} : memref<40x128xf32, #tpu.memory_space<vmem>>, vector<1x16xf32>,
        }
        %scan3A_410 = arith.constant 40 : i32
        %dma_wait3A_411 = arith.constant 0 : i32
        %dma_wait3A_412 = arith.constant 0 : i32
        %dma_wait3A_413 = arith.constant 0 : i32
        %dma_wait3A_414 = tpu.memref_slice %arg5[%add3A, %dma_wait3A_411, %dma_wait3A_412, %dma_wait3A_413] : memref<32x250x1x40xi32, #tpu.memory_space<hbm>> -> memref<1x1x1x40xi32, #tpu.memory_space<hbm>>
        %dma_wait3A_415 = tpu.memref_squeeze %dma_wait3A_414 : memref<1x1x1x40xi32, #tpu.memory_space<hbm>> -> memref<1x40xi32, #tpu.memory_space<hbm>>
        %dma_wait3A_416 = arith.constant 0 : i32
        %dma_wait3A_417 = arith.constant 0 : i32
        %dma_wait3A_418 = tpu.memref_slice %arg5[%add3A, %dma_wait3A_411, %dma_wait3A_416, %dma_wait3A_417] : memref<32x250x1x40xi32, #tpu.memory_space<hbm>> -> memref<1x1x1x40xi32, #tpu.memory_space<hbm>>
        %dma_wait3A_419 = tpu.memref_squeeze %dma_wait3A_418 : memref<1x1x1x40xi32, #tpu.memory_space<hbm>> -> memref<1x40xi32, #tpu.memory_space<hbm>>
        tpu.wait_dma2 semaphore(%arg27 : memref<!tpu.dma_semaphore, #tpu.memory_space<semaphore_mem>>) src(%dma_wait3A_419 : memref<1x40xi32, #tpu.memory_space<hbm>>) dst(%arg12 : memref<1x40xi32, #tpu.memory_space<vmem>>)
        %run_scoped3A = arith.constant 0 : i32
        "tpu.region"() ({
          %run_scoped3A_434 = tpu.sem_alloc : memref<!tpu.dma_semaphore, #tpu.memory_space<semaphore_mem>>
          %dma_start3A_435 = arith.constant 0 : i32
          %dma_start3A_436 = tpu.memref_slice %arg12[%run_scoped3A, %dma_start3A_435] : memref<1x40xi32, #tpu.memory_space<vmem>> -> memref<1x40xi32, #tpu.memory_space<vmem>>
          %dma_start3A_437 = tpu.memref_squeeze %dma_start3A_436 : memref<1x40xi32, #tpu.memory_space<vmem>> -> memref<40xi32, #tpu.memory_space<vmem>>
          %dma_start3A_438 = arith.constant 0 : i32
          %dma_start3A_439 = arith.constant 0 : i32
          %dma_start3A_440 = tpu.memref_slice %arg21[%dma_start3A_438, %dma_start3A_439] : memref<10000x128xf32, #tpu.memory_space<vmem_shared>> -> memref<10000x128xf32, #tpu.memory_space<vmem_shared>>
          tpu.enqueue_indirect_dma source(%arg16 : memref<40x128xf32, #tpu.memory_space<vmem>>) target(%dma_start3A_440 : memref<10000x128xf32, #tpu.memory_space<vmem_shared>>) offsets(%dma_start3A_437 : memref<40xi32, #tpu.memory_space<vmem>>) semaphore(%run_scoped3A_434 : memref<!tpu.dma_semaphore, #tpu.memory_space<semaphore_mem>>) {add = true}
          %dma_wait3A_441 = arith.constant 0 : i32
          %dma_wait3A_442 = tpu.memref_slice %arg12[%run_scoped3A, %dma_wait3A_441] : memref<1x40xi32, #tpu.memory_space<vmem>> -> memref<1x40xi32, #tpu.memory_space<vmem>>
          %dma_wait3A_443 = tpu.memref_squeeze %dma_wait3A_442 : memref<1x40xi32, #tpu.memory_space<vmem>> -> memref<40xi32, #tpu.memory_space<vmem>>
          %dma_wait3A_444 = arith.constant 0 : i32
          %dma_wait3A_445 = arith.constant 0 : i32
          %dma_wait3A_446 = tpu.memref_slice %arg21[%dma_wait3A_444, %dma_wait3A_445] : memref<10000x128xf32, #tpu.memory_space<vmem_shared>> -> memref<10000x128xf32, #tpu.memory_space<vmem_shared>>
          tpu.wait_indirect_dma semaphore(%run_scoped3A_434 : memref<!tpu.dma_semaphore, #tpu.memory_space<semaphore_mem>>) src(%arg16 : memref<40x128xf32, #tpu.memory_space<vmem>>) dst(%dma_wait3A_446 : memref<10000x128xf32, #tpu.memory_space<vmem_shared>>)
          tpu.yield
        }) : () -> ()
        %add3A_420 = arith.constant 4 : i32
        %add3A_421 = arith.addi %add3A_384, %add3A_420 : i32
        %lt3A_422 = arith.constant 250 : i32
        %lt3A_423 = arith.cmpi slt, %add3A_421, %lt3A_422 : i32
        %convert_element_type3A_424 = arith.extui %lt3A_423 : i1 to i32
        %cond3A_425 = arith.constant 0 : i32
        %cond3A_426 = arith.cmpi ne, %convert_element_type3A_424, %cond3A_425 : i32
        scf.if %cond3A_426 {
          %add3A_434 = arith.constant 4 : i32
          %add3A_435 = arith.addi %add3A_384, %add3A_434 : i32
          %dma_start3A_436 = arith.constant 0 : i32
          %dma_start3A_437 = arith.constant 0 : i32
          %dma_start3A_438 = tpu.memref_slice %arg4[%add3A, %add3A_435, %dma_start3A_436, %dma_start3A_437] : memref<32x250x1x40xi32, #tpu.memory_space<hbm>> -> memref<1x1x1x40xi32, #tpu.memory_space<hbm>>
          %dma_start3A_439 = tpu.memref_squeeze %dma_start3A_438 : memref<1x1x1x40xi32, #tpu.memory_space<hbm>> -> memref<1x40xi32, #tpu.memory_space<hbm>>
          %dma_start3A_440 = arith.constant 0 : i32
          %dma_start3A_441 = arith.constant 0 : i32
          %dma_start3A_442 = tpu.memref_slice %arg4[%add3A, %add3A_435, %dma_start3A_440, %dma_start3A_441] : memref<32x250x1x40xi32, #tpu.memory_space<hbm>> -> memref<1x1x1x40xi32, #tpu.memory_space<hbm>>
          %dma_start3A_443 = tpu.memref_squeeze %dma_start3A_442 : memref<1x1x1x40xi32, #tpu.memory_space<hbm>> -> memref<1x40xi32, #tpu.memory_space<hbm>>
          tpu.enqueue_dma source(%dma_start3A_443 : memref<1x40xi32, #tpu.memory_space<hbm>>) target(%arg8 : memref<1x40xi32, #tpu.memory_space<vmem>>) target_semaphore(%arg23 : memref<!tpu.dma_semaphore, #tpu.memory_space<semaphore_mem>>)
          %dma_start3A_444 = arith.constant 0 : i32
          %dma_start3A_445 = arith.constant 0 : i32
          %dma_start3A_446 = tpu.memref_slice %arg5[%add3A, %add3A_435, %dma_start3A_444, %dma_start3A_445] : memref<32x250x1x40xi32, #tpu.memory_space<hbm>> -> memref<1x1x1x40xi32, #tpu.memory_space<hbm>>
          %dma_start3A_447 = tpu.memref_squeeze %dma_start3A_446 : memref<1x1x1x40xi32, #tpu.memory_space<hbm>> -> memref<1x40xi32, #tpu.memory_space<hbm>>
          %dma_start3A_448 = arith.constant 0 : i32
          %dma_start3A_449 = arith.constant 0 : i32
          %dma_start3A_450 = tpu.memref_slice %arg5[%add3A, %add3A_435, %dma_start3A_448, %dma_start3A_449] : memref<32x250x1x40xi32, #tpu.memory_space<hbm>> -> memref<1x1x1x40xi32, #tpu.memory_space<hbm>>
          %dma_start3A_451 = tpu.memref_squeeze %dma_start3A_450 : memref<1x1x1x40xi32, #tpu.memory_space<hbm>> -> memref<1x40xi32, #tpu.memory_space<hbm>>
          tpu.enqueue_dma source(%dma_start3A_451 : memref<1x40xi32, #tpu.memory_space<hbm>>) target(%arg12 : memref<1x40xi32, #tpu.memory_space<vmem>>) target_semaphore(%arg27 : memref<!tpu.dma_semaphore, #tpu.memory_space<semaphore_mem>>)
        } else {
        }
        %add3A_427 = arith.constant 2 : i32
        %add3A_428 = arith.addi %add3A_384, %add3A_427 : i32
        %lt3A_429 = arith.constant 250 : i32
        %lt3A_430 = arith.cmpi slt, %add3A_428, %lt3A_429 : i32
        %convert_element_type3A_431 = arith.extui %lt3A_430 : i1 to i32
        %cond3A_432 = arith.constant 0 : i32
        %cond3A_433 = arith.cmpi ne, %convert_element_type3A_431, %cond3A_432 : i32
        scf.if %cond3A_433 {
          %add3A_434 = arith.constant 2 : i32
          %add3A_435 = arith.addi %add3A_384, %add3A_434 : i32
          %mul3A_436 = arith.constant 10000 : i32
          %mul3A_437 = arith.muli %add3A, %mul3A_436 : i32
          %mul3A_438 = arith.constant 40 : i32
          %mul3A_439 = arith.muli %add3A_435, %mul3A_438 : i32
          %add3A_440 = arith.addi %mul3A_437, %mul3A_439 : i32
          %dma_start3A_441 = arith.constant 0 : i32
          %dma_start3A_442 = tpu.memref_slice %arg3[%add3A_440, %dma_start3A_441] : memref<320000x128xf32, #tpu.memory_space<hbm>> -> memref<40x128xf32, #tpu.memory_space<hbm>>
          %dma_start3A_443 = arith.constant 0 : i32
          %dma_start3A_444 = tpu.memref_slice %arg3[%add3A_440, %dma_start3A_443] : memref<320000x128xf32, #tpu.memory_space<hbm>> -> memref<40x128xf32, #tpu.memory_space<hbm>>
          tpu.enqueue_dma source(%dma_start3A_444 : memref<40x128xf32, #tpu.memory_space<hbm>>) target(%arg20 : memref<40x128xf32, #tpu.memory_space<vmem>>) target_semaphore(%arg35 : memref<!tpu.dma_semaphore, #tpu.memory_space<semaphore_mem>>)
        } else {
        }
      } else {
      }
      %add3A_369 = arith.constant 2 : i32
      %add3A_370 = arith.addi %mul3A_354, %add3A_369 : i32
      %lt3A_371 = arith.constant 250 : i32
      %lt3A_372 = arith.cmpi slt, %add3A_370, %lt3A_371 : i32
      %convert_element_type3A_373 = arith.extui %lt3A_372 : i1 to i32
      %cond3A_374 = arith.constant 0 : i32
      %cond3A_375 = arith.cmpi ne, %convert_element_type3A_373, %cond3A_374 : i32
      scf.if %cond3A_375 {
        %add3A_383 = arith.constant 2 : i32
        %add3A_384 = arith.addi %mul3A_354, %add3A_383 : i32
        %add3A_385 = arith.constant 2 : i32
        %add3A_386 = arith.addi %add3A_384, %add3A_385 : i32
        %lt3A_387 = arith.constant 250 : i32
        %lt3A_388 = arith.cmpi slt, %add3A_386, %lt3A_387 : i32
        %convert_element_type3A_389 = arith.extui %lt3A_388 : i1 to i32
        %cond3A_390 = arith.constant 0 : i32
        %cond3A_391 = arith.cmpi ne, %convert_element_type3A_389, %cond3A_390 : i32
        scf.if %cond3A_391 {
          %dma_wait3A_434 = arith.constant 0 : i32
          %dma_wait3A_435 = arith.constant 0 : i32
          %dma_wait3A_436 = arith.constant 0 : i32
          %dma_wait3A_437 = tpu.memref_slice %arg4[%add3A, %dma_wait3A_434, %dma_wait3A_435, %dma_wait3A_436] : memref<32x250x1x40xi32, #tpu.memory_space<hbm>> -> memref<1x1x1x40xi32, #tpu.memory_space<hbm>>
          %dma_wait3A_438 = tpu.memref_squeeze %dma_wait3A_437 : memref<1x1x1x40xi32, #tpu.memory_space<hbm>> -> memref<1x40xi32, #tpu.memory_space<hbm>>
          %dma_wait3A_439 = arith.constant 0 : i32
          %dma_wait3A_440 = arith.constant 0 : i32
          %dma_wait3A_441 = tpu.memref_slice %arg4[%add3A, %dma_wait3A_434, %dma_wait3A_439, %dma_wait3A_440] : memref<32x250x1x40xi32, #tpu.memory_space<hbm>> -> memref<1x1x1x40xi32, #tpu.memory_space<hbm>>
          %dma_wait3A_442 = tpu.memref_squeeze %dma_wait3A_441 : memref<1x1x1x40xi32, #tpu.memory_space<hbm>> -> memref<1x40xi32, #tpu.memory_space<hbm>>
          tpu.wait_dma2 semaphore(%arg22 : memref<!tpu.dma_semaphore, #tpu.memory_space<semaphore_mem>>) src(%dma_wait3A_442 : memref<1x40xi32, #tpu.memory_space<hbm>>) dst(%arg7 : memref<1x40xi32, #tpu.memory_space<vmem>>)
          %dma_start3A_443 = arith.constant 0 : i32
          %dma_start3A_444 = arith.constant 0 : i32
          %dma_start3A_445 = tpu.memref_slice %arg7[%dma_start3A_443, %dma_start3A_444] : memref<1x40xi32, #tpu.memory_space<vmem>> -> memref<1x40xi32, #tpu.memory_space<vmem>>
          %dma_start3A_446 = tpu.memref_squeeze %dma_start3A_445 : memref<1x40xi32, #tpu.memory_space<vmem>> -> memref<40xi32, #tpu.memory_space<vmem>>
          %dma_start3A_447 = arith.constant 0 : i32
          %dma_start3A_448 = arith.constant 0 : i32
          %dma_start3A_449 = tpu.memref_slice %arg2[%dma_start3A_447, %dma_start3A_448] : memref<10000x128xf32, #tpu.memory_space<hbm>> -> memref<10000x128xf32, #tpu.memory_space<hbm>>
          tpu.enqueue_indirect_dma source(%dma_start3A_449 : memref<10000x128xf32, #tpu.memory_space<hbm>>) target(%arg15 : memref<40x128xf32, #tpu.memory_space<vmem>>) offsets(%dma_start3A_446 : memref<40xi32, #tpu.memory_space<vmem>>) semaphore(%arg30 : memref<!tpu.dma_semaphore, #tpu.memory_space<semaphore_mem>>)
        } else {
        }
        %dma_wait3A_392 = arith.constant 0 : i32
        %dma_wait3A_393 = arith.constant 0 : i32
        %dma_wait3A_394 = tpu.memref_slice %arg9[%dma_wait3A_392, %dma_wait3A_393] : memref<1x40xi32, #tpu.memory_space<vmem>> -> memref<1x40xi32, #tpu.memory_space<vmem>>
        %dma_wait3A_395 = tpu.memref_squeeze %dma_wait3A_394 : memref<1x40xi32, #tpu.memory_space<vmem>> -> memref<40xi32, #tpu.memory_space<vmem>>
        %dma_wait3A_396 = arith.constant 0 : i32
        %dma_wait3A_397 = arith.constant 0 : i32
        %dma_wait3A_398 = tpu.memref_slice %arg2[%dma_wait3A_396, %dma_wait3A_397] : memref<10000x128xf32, #tpu.memory_space<hbm>> -> memref<10000x128xf32, #tpu.memory_space<hbm>>
        tpu.wait_indirect_dma semaphore(%arg32 : memref<!tpu.dma_semaphore, #tpu.memory_space<semaphore_mem>>) src(%dma_wait3A_398 : memref<10000x128xf32, #tpu.memory_space<hbm>>) dst(%arg17 : memref<40x128xf32, #tpu.memory_space<vmem>>)
        %dma_wait3A_399 = arith.constant 0 : i32
        %dma_wait3A_400 = arith.constant 0 : i32
        %dma_wait3A_401 = tpu.memref_slice %arg3[%dma_wait3A_399, %dma_wait3A_400] : memref<320000x128xf32, #tpu.memory_space<hbm>> -> memref<40x128xf32, #tpu.memory_space<hbm>>
        %dma_wait3A_402 = arith.constant 0 : i32
        %dma_wait3A_403 = arith.constant 0 : i32
        %dma_wait3A_404 = tpu.memref_slice %arg3[%dma_wait3A_402, %dma_wait3A_403] : memref<320000x128xf32, #tpu.memory_space<hbm>> -> memref<40x128xf32, #tpu.memory_space<hbm>>
        tpu.wait_dma2 semaphore(%arg34 : memref<!tpu.dma_semaphore, #tpu.memory_space<semaphore_mem>>) src(%dma_wait3A_404 : memref<40x128xf32, #tpu.memory_space<hbm>>) dst(%arg19 : memref<40x128xf32, #tpu.memory_space<vmem>>)
        %scan3A_405 = arith.constant 0 : i32
        %scan3A_406 = arith.constant 0 : i32
        %scan3A_407 = arith.constant 40 : i32
        %scan3A_408 = arith.addi %scan3A_406, %scan3A_407 : i32
        %scan3A_409 = arith.constant 1 : i32
        scf.for %scan3A_434 = %scan3A_406 to %scan3A_408 step %scan3A_409  : i32 {
          %get3A = arith.index_cast %scan3A_434 : i32 to index
          %get3A_435 = arith.constant 0 : index
          %get3A_436 = tpu.vector_load %arg17[%get3A, %get3A_435] {strides = array<i32>} : memref<40x128xf32, #tpu.memory_space<vmem>>, vector<1x16xf32>,
          %get3A_437 = vector.shape_cast %get3A_436 : vector<1x16xf32> to vector<16xf32>
          %get3A_438 = arith.index_cast %scan3A_434 : i32 to index
          %get3A_439 = arith.constant 0 : index
          %get3A_440 = tpu.vector_load %arg19[%get3A_438, %get3A_439] {strides = array<i32>} : memref<40x128xf32, #tpu.memory_space<vmem>>, vector<1x16xf32>,
          %get3A_441 = vector.shape_cast %get3A_440 : vector<1x16xf32> to vector<16xf32>
          %mul3A_442 = arith.mulf %get3A_437, %get3A_441 : vector<16xf32>
          %swap3A = arith.index_cast %scan3A_434 : i32 to index
          %swap3A_443 = arith.constant 0 : index
          %swap3A_444 = tpu.vector_load %arg17[%swap3A, %swap3A_443] {strides = array<i32>} : memref<40x128xf32, #tpu.memory_space<vmem>>, vector<1x16xf32>,
          %swap3A_445 = vector.shape_cast %swap3A_444 : vector<1x16xf32> to vector<16xf32>
          %swap3A_446 = vector.shape_cast %mul3A_442 : vector<16xf32> to vector<1x16xf32>
          tpu.vector_store %arg17[%swap3A, %swap3A_443], %swap3A_446 {strides = array<i32>} : memref<40x128xf32, #tpu.memory_space<vmem>>, vector<1x16xf32>,
          %get3A_447 = arith.index_cast %scan3A_434 : i32 to index
          %get3A_448 = arith.constant 16 : index
          %get3A_449 = tpu.vector_load %arg17[%get3A_447, %get3A_448] {strides = array<i32>} : memref<40x128xf32, #tpu.memory_space<vmem>>, vector<1x16xf32>,
          %get3A_450 = vector.shape_cast %get3A_449 : vector<1x16xf32> to vector<16xf32>
          %get3A_451 = arith.index_cast %scan3A_434 : i32 to index
          %get3A_452 = arith.constant 16 : index
          %get3A_453 = tpu.vector_load %arg19[%get3A_451, %get3A_452] {strides = array<i32>} : memref<40x128xf32, #tpu.memory_space<vmem>>, vector<1x16xf32>,
          %get3A_454 = vector.shape_cast %get3A_453 : vector<1x16xf32> to vector<16xf32>
          %mul3A_455 = arith.mulf %get3A_450, %get3A_454 : vector<16xf32>
          %swap3A_456 = arith.index_cast %scan3A_434 : i32 to index
          %swap3A_457 = arith.constant 16 : index
          %swap3A_458 = tpu.vector_load %arg17[%swap3A_456, %swap3A_457] {strides = array<i32>} : memref<40x128xf32, #tpu.memory_space<vmem>>, vector<1x16xf32>,
          %swap3A_459 = vector.shape_cast %swap3A_458 : vector<1x16xf32> to vector<16xf32>
          %swap3A_460 = vector.shape_cast %mul3A_455 : vector<16xf32> to vector<1x16xf32>
          tpu.vector_store %arg17[%swap3A_456, %swap3A_457], %swap3A_460 {strides = array<i32>} : memref<40x128xf32, #tpu.memory_space<vmem>>, vector<1x16xf32>,
          %get3A_461 = arith.index_cast %scan3A_434 : i32 to index
          %get3A_462 = arith.constant 32 : index
          %get3A_463 = tpu.vector_load %arg17[%get3A_461, %get3A_462] {strides = array<i32>} : memref<40x128xf32, #tpu.memory_space<vmem>>, vector<1x16xf32>,
          %get3A_464 = vector.shape_cast %get3A_463 : vector<1x16xf32> to vector<16xf32>
          %get3A_465 = arith.index_cast %scan3A_434 : i32 to index
          %get3A_466 = arith.constant 32 : index
          %get3A_467 = tpu.vector_load %arg19[%get3A_465, %get3A_466] {strides = array<i32>} : memref<40x128xf32, #tpu.memory_space<vmem>>, vector<1x16xf32>,
          %get3A_468 = vector.shape_cast %get3A_467 : vector<1x16xf32> to vector<16xf32>
          %mul3A_469 = arith.mulf %get3A_464, %get3A_468 : vector<16xf32>
          %swap3A_470 = arith.index_cast %scan3A_434 : i32 to index
          %swap3A_471 = arith.constant 32 : index
          %swap3A_472 = tpu.vector_load %arg17[%swap3A_470, %swap3A_471] {strides = array<i32>} : memref<40x128xf32, #tpu.memory_space<vmem>>, vector<1x16xf32>,
          %swap3A_473 = vector.shape_cast %swap3A_472 : vector<1x16xf32> to vector<16xf32>
          %swap3A_474 = vector.shape_cast %mul3A_469 : vector<16xf32> to vector<1x16xf32>
          tpu.vector_store %arg17[%swap3A_470, %swap3A_471], %swap3A_474 {strides = array<i32>} : memref<40x128xf32, #tpu.memory_space<vmem>>, vector<1x16xf32>,
          %get3A_475 = arith.index_cast %scan3A_434 : i32 to index
          %get3A_476 = arith.constant 48 : index
          %get3A_477 = tpu.vector_load %arg17[%get3A_475, %get3A_476] {strides = array<i32>} : memref<40x128xf32, #tpu.memory_space<vmem>>, vector<1x16xf32>,
          %get3A_478 = vector.shape_cast %get3A_477 : vector<1x16xf32> to vector<16xf32>
          %get3A_479 = arith.index_cast %scan3A_434 : i32 to index
          %get3A_480 = arith.constant 48 : index
          %get3A_481 = tpu.vector_load %arg19[%get3A_479, %get3A_480] {strides = array<i32>} : memref<40x128xf32, #tpu.memory_space<vmem>>, vector<1x16xf32>,
          %get3A_482 = vector.shape_cast %get3A_481 : vector<1x16xf32> to vector<16xf32>
          %mul3A_483 = arith.mulf %get3A_478, %get3A_482 : vector<16xf32>
          %swap3A_484 = arith.index_cast %scan3A_434 : i32 to index
          %swap3A_485 = arith.constant 48 : index
          %swap3A_486 = tpu.vector_load %arg17[%swap3A_484, %swap3A_485] {strides = array<i32>} : memref<40x128xf32, #tpu.memory_space<vmem>>, vector<1x16xf32>,
          %swap3A_487 = vector.shape_cast %swap3A_486 : vector<1x16xf32> to vector<16xf32>
          %swap3A_488 = vector.shape_cast %mul3A_483 : vector<16xf32> to vector<1x16xf32>
          tpu.vector_store %arg17[%swap3A_484, %swap3A_485], %swap3A_488 {strides = array<i32>} : memref<40x128xf32, #tpu.memory_space<vmem>>, vector<1x16xf32>,
          %get3A_489 = arith.index_cast %scan3A_434 : i32 to index
          %get3A_490 = arith.constant 64 : index
          %get3A_491 = tpu.vector_load %arg17[%get3A_489, %get3A_490] {strides = array<i32>} : memref<40x128xf32, #tpu.memory_space<vmem>>, vector<1x16xf32>,
          %get3A_492 = vector.shape_cast %get3A_491 : vector<1x16xf32> to vector<16xf32>
          %get3A_493 = arith.index_cast %scan3A_434 : i32 to index
          %get3A_494 = arith.constant 64 : index
          %get3A_495 = tpu.vector_load %arg19[%get3A_493, %get3A_494] {strides = array<i32>} : memref<40x128xf32, #tpu.memory_space<vmem>>, vector<1x16xf32>,
          %get3A_496 = vector.shape_cast %get3A_495 : vector<1x16xf32> to vector<16xf32>
          %mul3A_497 = arith.mulf %get3A_492, %get3A_496 : vector<16xf32>
          %swap3A_498 = arith.index_cast %scan3A_434 : i32 to index
          %swap3A_499 = arith.constant 64 : index
          %swap3A_500 = tpu.vector_load %arg17[%swap3A_498, %swap3A_499] {strides = array<i32>} : memref<40x128xf32, #tpu.memory_space<vmem>>, vector<1x16xf32>,
          %swap3A_501 = vector.shape_cast %swap3A_500 : vector<1x16xf32> to vector<16xf32>
          %swap3A_502 = vector.shape_cast %mul3A_497 : vector<16xf32> to vector<1x16xf32>
          tpu.vector_store %arg17[%swap3A_498, %swap3A_499], %swap3A_502 {strides = array<i32>} : memref<40x128xf32, #tpu.memory_space<vmem>>, vector<1x16xf32>,
          %get3A_503 = arith.index_cast %scan3A_434 : i32 to index
          %get3A_504 = arith.constant 80 : index
          %get3A_505 = tpu.vector_load %arg17[%get3A_503, %get3A_504] {strides = array<i32>} : memref<40x128xf32, #tpu.memory_space<vmem>>, vector<1x16xf32>,
          %get3A_506 = vector.shape_cast %get3A_505 : vector<1x16xf32> to vector<16xf32>
          %get3A_507 = arith.index_cast %scan3A_434 : i32 to index
          %get3A_508 = arith.constant 80 : index
          %get3A_509 = tpu.vector_load %arg19[%get3A_507, %get3A_508] {strides = array<i32>} : memref<40x128xf32, #tpu.memory_space<vmem>>, vector<1x16xf32>,
          %get3A_510 = vector.shape_cast %get3A_509 : vector<1x16xf32> to vector<16xf32>
          %mul3A_511 = arith.mulf %get3A_506, %get3A_510 : vector<16xf32>
          %swap3A_512 = arith.index_cast %scan3A_434 : i32 to index
          %swap3A_513 = arith.constant 80 : index
          %swap3A_514 = tpu.vector_load %arg17[%swap3A_512, %swap3A_513] {strides = array<i32>} : memref<40x128xf32, #tpu.memory_space<vmem>>, vector<1x16xf32>,
          %swap3A_515 = vector.shape_cast %swap3A_514 : vector<1x16xf32> to vector<16xf32>
          %swap3A_516 = vector.shape_cast %mul3A_511 : vector<16xf32> to vector<1x16xf32>
          tpu.vector_store %arg17[%swap3A_512, %swap3A_513], %swap3A_516 {strides = array<i32>} : memref<40x128xf32, #tpu.memory_space<vmem>>, vector<1x16xf32>,
          %get3A_517 = arith.index_cast %scan3A_434 : i32 to index
          %get3A_518 = arith.constant 96 : index
          %get3A_519 = tpu.vector_load %arg17[%get3A_517, %get3A_518] {strides = array<i32>} : memref<40x128xf32, #tpu.memory_space<vmem>>, vector<1x16xf32>,
          %get3A_520 = vector.shape_cast %get3A_519 : vector<1x16xf32> to vector<16xf32>
          %get3A_521 = arith.index_cast %scan3A_434 : i32 to index
          %get3A_522 = arith.constant 96 : index
          %get3A_523 = tpu.vector_load %arg19[%get3A_521, %get3A_522] {strides = array<i32>} : memref<40x128xf32, #tpu.memory_space<vmem>>, vector<1x16xf32>,
          %get3A_524 = vector.shape_cast %get3A_523 : vector<1x16xf32> to vector<16xf32>
          %mul3A_525 = arith.mulf %get3A_520, %get3A_524 : vector<16xf32>
          %swap3A_526 = arith.index_cast %scan3A_434 : i32 to index
          %swap3A_527 = arith.constant 96 : index
          %swap3A_528 = tpu.vector_load %arg17[%swap3A_526, %swap3A_527] {strides = array<i32>} : memref<40x128xf32, #tpu.memory_space<vmem>>, vector<1x16xf32>,
          %swap3A_529 = vector.shape_cast %swap3A_528 : vector<1x16xf32> to vector<16xf32>
          %swap3A_530 = vector.shape_cast %mul3A_525 : vector<16xf32> to vector<1x16xf32>
          tpu.vector_store %arg17[%swap3A_526, %swap3A_527], %swap3A_530 {strides = array<i32>} : memref<40x128xf32, #tpu.memory_space<vmem>>, vector<1x16xf32>,
          %get3A_531 = arith.index_cast %scan3A_434 : i32 to index
          %get3A_532 = arith.constant 112 : index
          %get3A_533 = tpu.vector_load %arg17[%get3A_531, %get3A_532] {strides = array<i32>} : memref<40x128xf32, #tpu.memory_space<vmem>>, vector<1x16xf32>,
          %get3A_534 = vector.shape_cast %get3A_533 : vector<1x16xf32> to vector<16xf32>
          %get3A_535 = arith.index_cast %scan3A_434 : i32 to index
          %get3A_536 = arith.constant 112 : index
          %get3A_537 = tpu.vector_load %arg19[%get3A_535, %get3A_536] {strides = array<i32>} : memref<40x128xf32, #tpu.memory_space<vmem>>, vector<1x16xf32>,
          %get3A_538 = vector.shape_cast %get3A_537 : vector<1x16xf32> to vector<16xf32>
          %mul3A_539 = arith.mulf %get3A_534, %get3A_538 : vector<16xf32>
          %swap3A_540 = arith.index_cast %scan3A_434 : i32 to index
          %swap3A_541 = arith.constant 112 : index
          %swap3A_542 = tpu.vector_load %arg17[%swap3A_540, %swap3A_541] {strides = array<i32>} : memref<40x128xf32, #tpu.memory_space<vmem>>, vector<1x16xf32>,
          %swap3A_543 = vector.shape_cast %swap3A_542 : vector<1x16xf32> to vector<16xf32>
          %swap3A_544 = vector.shape_cast %mul3A_539 : vector<16xf32> to vector<1x16xf32>
          tpu.vector_store %arg17[%swap3A_540, %swap3A_541], %swap3A_544 {strides = array<i32>} : memref<40x128xf32, #tpu.memory_space<vmem>>, vector<1x16xf32>,
        }
        %scan3A_410 = arith.constant 40 : i32
        %dma_wait3A_411 = arith.constant 0 : i32
        %dma_wait3A_412 = arith.constant 0 : i32
        %dma_wait3A_413 = arith.constant 0 : i32
        %dma_wait3A_414 = tpu.memref_slice %arg5[%add3A, %dma_wait3A_411, %dma_wait3A_412, %dma_wait3A_413] : memref<32x250x1x40xi32, #tpu.memory_space<hbm>> -> memref<1x1x1x40xi32, #tpu.memory_space<hbm>>
        %dma_wait3A_415 = tpu.memref_squeeze %dma_wait3A_414 : memref<1x1x1x40xi32, #tpu.memory_space<hbm>> -> memref<1x40xi32, #tpu.memory_space<hbm>>
        %dma_wait3A_416 = arith.constant 0 : i32
        %dma_wait3A_417 = arith.constant 0 : i32
        %dma_wait3A_418 = tpu.memref_slice %arg5[%add3A, %dma_wait3A_411, %dma_wait3A_416, %dma_wait3A_417] : memref<32x250x1x40xi32, #tpu.memory_space<hbm>> -> memref<1x1x1x40xi32, #tpu.memory_space<hbm>>
        %dma_wait3A_419 = tpu.memref_squeeze %dma_wait3A_418 : memref<1x1x1x40xi32, #tpu.memory_space<hbm>> -> memref<1x40xi32, #tpu.memory_space<hbm>>
        tpu.wait_dma2 semaphore(%arg28 : memref<!tpu.dma_semaphore, #tpu.memory_space<semaphore_mem>>) src(%dma_wait3A_419 : memref<1x40xi32, #tpu.memory_space<hbm>>) dst(%arg13 : memref<1x40xi32, #tpu.memory_space<vmem>>)
        %run_scoped3A = arith.constant 0 : i32
        "tpu.region"() ({
          %run_scoped3A_434 = tpu.sem_alloc : memref<!tpu.dma_semaphore, #tpu.memory_space<semaphore_mem>>
          %dma_start3A_435 = arith.constant 0 : i32
          %dma_start3A_436 = tpu.memref_slice %arg13[%run_scoped3A, %dma_start3A_435] : memref<1x40xi32, #tpu.memory_space<vmem>> -> memref<1x40xi32, #tpu.memory_space<vmem>>
          %dma_start3A_437 = tpu.memref_squeeze %dma_start3A_436 : memref<1x40xi32, #tpu.memory_space<vmem>> -> memref<40xi32, #tpu.memory_space<vmem>>
          %dma_start3A_438 = arith.constant 0 : i32
          %dma_start3A_439 = arith.constant 0 : i32
          %dma_start3A_440 = tpu.memref_slice %arg21[%dma_start3A_438, %dma_start3A_439] : memref<10000x128xf32, #tpu.memory_space<vmem_shared>> -> memref<10000x128xf32, #tpu.memory_space<vmem_shared>>
          tpu.enqueue_indirect_dma source(%arg17 : memref<40x128xf32, #tpu.memory_space<vmem>>) target(%dma_start3A_440 : memref<10000x128xf32, #tpu.memory_space<vmem_shared>>) offsets(%dma_start3A_437 : memref<40xi32, #tpu.memory_space<vmem>>) semaphore(%run_scoped3A_434 : memref<!tpu.dma_semaphore, #tpu.memory_space<semaphore_mem>>) {add = true}
          %dma_wait3A_441 = arith.constant 0 : i32
          %dma_wait3A_442 = tpu.memref_slice %arg13[%run_scoped3A, %dma_wait3A_441] : memref<1x40xi32, #tpu.memory_space<vmem>> -> memref<1x40xi32, #tpu.memory_space<vmem>>
          %dma_wait3A_443 = tpu.memref_squeeze %dma_wait3A_442 : memref<1x40xi32, #tpu.memory_space<vmem>> -> memref<40xi32, #tpu.memory_space<vmem>>
          %dma_wait3A_444 = arith.constant 0 : i32
          %dma_wait3A_445 = arith.constant 0 : i32
          %dma_wait3A_446 = tpu.memref_slice %arg21[%dma_wait3A_444, %dma_wait3A_445] : memref<10000x128xf32, #tpu.memory_space<vmem_shared>> -> memref<10000x128xf32, #tpu.memory_space<vmem_shared>>
          tpu.wait_indirect_dma semaphore(%run_scoped3A_434 : memref<!tpu.dma_semaphore, #tpu.memory_space<semaphore_mem>>) src(%arg17 : memref<40x128xf32, #tpu.memory_space<vmem>>) dst(%dma_wait3A_446 : memref<10000x128xf32, #tpu.memory_space<vmem_shared>>)
          tpu.yield
        }) : () -> ()
        %add3A_420 = arith.constant 4 : i32
        %add3A_421 = arith.addi %add3A_384, %add3A_420 : i32
        %lt3A_422 = arith.constant 250 : i32
        %lt3A_423 = arith.cmpi slt, %add3A_421, %lt3A_422 : i32
        %convert_element_type3A_424 = arith.extui %lt3A_423 : i1 to i32
        %cond3A_425 = arith.constant 0 : i32
        %cond3A_426 = arith.cmpi ne, %convert_element_type3A_424, %cond3A_425 : i32
        scf.if %cond3A_426 {
          %add3A_434 = arith.constant 4 : i32
          %add3A_435 = arith.addi %add3A_384, %add3A_434 : i32
          %dma_start3A_436 = arith.constant 0 : i32
          %dma_start3A_437 = arith.constant 0 : i32
          %dma_start3A_438 = tpu.memref_slice %arg4[%add3A, %add3A_435, %dma_start3A_436, %dma_start3A_437] : memref<32x250x1x40xi32, #tpu.memory_space<hbm>> -> memref<1x1x1x40xi32, #tpu.memory_space<hbm>>
          %dma_start3A_439 = tpu.memref_squeeze %dma_start3A_438 : memref<1x1x1x40xi32, #tpu.memory_space<hbm>> -> memref<1x40xi32, #tpu.memory_space<hbm>>
          %dma_start3A_440 = arith.constant 0 : i32
          %dma_start3A_441 = arith.constant 0 : i32
          %dma_start3A_442 = tpu.memref_slice %arg4[%add3A, %add3A_435, %dma_start3A_440, %dma_start3A_441] : memref<32x250x1x40xi32, #tpu.memory_space<hbm>> -> memref<1x1x1x40xi32, #tpu.memory_space<hbm>>
          %dma_start3A_443 = tpu.memref_squeeze %dma_start3A_442 : memref<1x1x1x40xi32, #tpu.memory_space<hbm>> -> memref<1x40xi32, #tpu.memory_space<hbm>>
          tpu.enqueue_dma source(%dma_start3A_443 : memref<1x40xi32, #tpu.memory_space<hbm>>) target(%arg9 : memref<1x40xi32, #tpu.memory_space<vmem>>) target_semaphore(%arg24 : memref<!tpu.dma_semaphore, #tpu.memory_space<semaphore_mem>>)
          %dma_start3A_444 = arith.constant 0 : i32
          %dma_start3A_445 = arith.constant 0 : i32
          %dma_start3A_446 = tpu.memref_slice %arg5[%add3A, %add3A_435, %dma_start3A_444, %dma_start3A_445] : memref<32x250x1x40xi32, #tpu.memory_space<hbm>> -> memref<1x1x1x40xi32, #tpu.memory_space<hbm>>
          %dma_start3A_447 = tpu.memref_squeeze %dma_start3A_446 : memref<1x1x1x40xi32, #tpu.memory_space<hbm>> -> memref<1x40xi32, #tpu.memory_space<hbm>>
          %dma_start3A_448 = arith.constant 0 : i32
          %dma_start3A_449 = arith.constant 0 : i32
          %dma_start3A_450 = tpu.memref_slice %arg5[%add3A, %add3A_435, %dma_start3A_448, %dma_start3A_449] : memref<32x250x1x40xi32, #tpu.memory_space<hbm>> -> memref<1x1x1x40xi32, #tpu.memory_space<hbm>>
          %dma_start3A_451 = tpu.memref_squeeze %dma_start3A_450 : memref<1x1x1x40xi32, #tpu.memory_space<hbm>> -> memref<1x40xi32, #tpu.memory_space<hbm>>
          tpu.enqueue_dma source(%dma_start3A_451 : memref<1x40xi32, #tpu.memory_space<hbm>>) target(%arg13 : memref<1x40xi32, #tpu.memory_space<vmem>>) target_semaphore(%arg28 : memref<!tpu.dma_semaphore, #tpu.memory_space<semaphore_mem>>)
        } else {
        }
        %add3A_427 = arith.constant 2 : i32
        %add3A_428 = arith.addi %add3A_384, %add3A_427 : i32
        %lt3A_429 = arith.constant 250 : i32
        %lt3A_430 = arith.cmpi slt, %add3A_428, %lt3A_429 : i32
        %convert_element_type3A_431 = arith.extui %lt3A_430 : i1 to i32
        %cond3A_432 = arith.constant 0 : i32
        %cond3A_433 = arith.cmpi ne, %convert_element_type3A_431, %cond3A_432 : i32
        scf.if %cond3A_433 {
          %add3A_434 = arith.constant 2 : i32
          %add3A_435 = arith.addi %add3A_384, %add3A_434 : i32
          %mul3A_436 = arith.constant 10000 : i32
          %mul3A_437 = arith.muli %add3A, %mul3A_436 : i32
          %mul3A_438 = arith.constant 40 : i32
          %mul3A_439 = arith.muli %add3A_435, %mul3A_438 : i32
          %add3A_440 = arith.addi %mul3A_437, %mul3A_439 : i32
          %dma_start3A_441 = arith.constant 0 : i32
          %dma_start3A_442 = tpu.memref_slice %arg3[%add3A_440, %dma_start3A_441] : memref<320000x128xf32, #tpu.memory_space<hbm>> -> memref<40x128xf32, #tpu.memory_space<hbm>>
          %dma_start3A_443 = arith.constant 0 : i32
          %dma_start3A_444 = tpu.memref_slice %arg3[%add3A_440, %dma_start3A_443] : memref<320000x128xf32, #tpu.memory_space<hbm>> -> memref<40x128xf32, #tpu.memory_space<hbm>>
          tpu.enqueue_dma source(%dma_start3A_444 : memref<40x128xf32, #tpu.memory_space<hbm>>) target(%arg19 : memref<40x128xf32, #tpu.memory_space<vmem>>) target_semaphore(%arg34 : memref<!tpu.dma_semaphore, #tpu.memory_space<semaphore_mem>>)
        } else {
        }
      } else {
      }
      %add3A_376 = arith.constant 3 : i32
      %add3A_377 = arith.addi %mul3A_354, %add3A_376 : i32
      %lt3A_378 = arith.constant 250 : i32
      %lt3A_379 = arith.cmpi slt, %add3A_377, %lt3A_378 : i32
      %convert_element_type3A_380 = arith.extui %lt3A_379 : i1 to i32
      %cond3A_381 = arith.constant 0 : i32
      %cond3A_382 = arith.cmpi ne, %convert_element_type3A_380, %cond3A_381 : i32
      scf.if %cond3A_382 {
        %add3A_383 = arith.constant 3 : i32
        %add3A_384 = arith.addi %mul3A_354, %add3A_383 : i32
        %add3A_385 = arith.constant 2 : i32
        %add3A_386 = arith.addi %add3A_384, %add3A_385 : i32
        %lt3A_387 = arith.constant 250 : i32
        %lt3A_388 = arith.cmpi slt, %add3A_386, %lt3A_387 : i32
        %convert_element_type3A_389 = arith.extui %lt3A_388 : i1 to i32
        %cond3A_390 = arith.constant 0 : i32
        %cond3A_391 = arith.cmpi ne, %convert_element_type3A_389, %cond3A_390 : i32
        scf.if %cond3A_391 {
          %dma_wait3A_434 = arith.constant 0 : i32
          %dma_wait3A_435 = arith.constant 0 : i32
          %dma_wait3A_436 = arith.constant 0 : i32
          %dma_wait3A_437 = tpu.memref_slice %arg4[%add3A, %dma_wait3A_434, %dma_wait3A_435, %dma_wait3A_436] : memref<32x250x1x40xi32, #tpu.memory_space<hbm>> -> memref<1x1x1x40xi32, #tpu.memory_space<hbm>>
          %dma_wait3A_438 = tpu.memref_squeeze %dma_wait3A_437 : memref<1x1x1x40xi32, #tpu.memory_space<hbm>> -> memref<1x40xi32, #tpu.memory_space<hbm>>
          %dma_wait3A_439 = arith.constant 0 : i32
          %dma_wait3A_440 = arith.constant 0 : i32
          %dma_wait3A_441 = tpu.memref_slice %arg4[%add3A, %dma_wait3A_434, %dma_wait3A_439, %dma_wait3A_440] : memref<32x250x1x40xi32, #tpu.memory_space<hbm>> -> memref<1x1x1x40xi32, #tpu.memory_space<hbm>>
          %dma_wait3A_442 = tpu.memref_squeeze %dma_wait3A_441 : memref<1x1x1x40xi32, #tpu.memory_space<hbm>> -> memref<1x40xi32, #tpu.memory_space<hbm>>
          tpu.wait_dma2 semaphore(%arg23 : memref<!tpu.dma_semaphore, #tpu.memory_space<semaphore_mem>>) src(%dma_wait3A_442 : memref<1x40xi32, #tpu.memory_space<hbm>>) dst(%arg8 : memref<1x40xi32, #tpu.memory_space<vmem>>)
          %dma_start3A_443 = arith.constant 0 : i32
          %dma_start3A_444 = arith.constant 0 : i32
          %dma_start3A_445 = tpu.memref_slice %arg8[%dma_start3A_443, %dma_start3A_444] : memref<1x40xi32, #tpu.memory_space<vmem>> -> memref<1x40xi32, #tpu.memory_space<vmem>>
          %dma_start3A_446 = tpu.memref_squeeze %dma_start3A_445 : memref<1x40xi32, #tpu.memory_space<vmem>> -> memref<40xi32, #tpu.memory_space<vmem>>
          %dma_start3A_447 = arith.constant 0 : i32
          %dma_start3A_448 = arith.constant 0 : i32
          %dma_start3A_449 = tpu.memref_slice %arg2[%dma_start3A_447, %dma_start3A_448] : memref<10000x128xf32, #tpu.memory_space<hbm>> -> memref<10000x128xf32, #tpu.memory_space<hbm>>
          tpu.enqueue_indirect_dma source(%dma_start3A_449 : memref<10000x128xf32, #tpu.memory_space<hbm>>) target(%arg16 : memref<40x128xf32, #tpu.memory_space<vmem>>) offsets(%dma_start3A_446 : memref<40xi32, #tpu.memory_space<vmem>>) semaphore(%arg31 : memref<!tpu.dma_semaphore, #tpu.memory_space<semaphore_mem>>)
        } else {
        }
        %dma_wait3A_392 = arith.constant 0 : i32
        %dma_wait3A_393 = arith.constant 0 : i32
        %dma_wait3A_394 = tpu.memref_slice %arg10[%dma_wait3A_392, %dma_wait3A_393] : memref<1x40xi32, #tpu.memory_space<vmem>> -> memref<1x40xi32, #tpu.memory_space<vmem>>
        %dma_wait3A_395 = tpu.memref_squeeze %dma_wait3A_394 : memref<1x40xi32, #tpu.memory_space<vmem>> -> memref<40xi32, #tpu.memory_space<vmem>>
        %dma_wait3A_396 = arith.constant 0 : i32
        %dma_wait3A_397 = arith.constant 0 : i32
        %dma_wait3A_398 = tpu.memref_slice %arg2[%dma_wait3A_396, %dma_wait3A_397] : memref<10000x128xf32, #tpu.memory_space<hbm>> -> memref<10000x128xf32, #tpu.memory_space<hbm>>
        tpu.wait_indirect_dma semaphore(%arg33 : memref<!tpu.dma_semaphore, #tpu.memory_space<semaphore_mem>>) src(%dma_wait3A_398 : memref<10000x128xf32, #tpu.memory_space<hbm>>) dst(%arg18 : memref<40x128xf32, #tpu.memory_space<vmem>>)
        %dma_wait3A_399 = arith.constant 0 : i32
        %dma_wait3A_400 = arith.constant 0 : i32
        %dma_wait3A_401 = tpu.memref_slice %arg3[%dma_wait3A_399, %dma_wait3A_400] : memref<320000x128xf32, #tpu.memory_space<hbm>> -> memref<40x128xf32, #tpu.memory_space<hbm>>
        %dma_wait3A_402 = arith.constant 0 : i32
        %dma_wait3A_403 = arith.constant 0 : i32
        %dma_wait3A_404 = tpu.memref_slice %arg3[%dma_wait3A_402, %dma_wait3A_403] : memref<320000x128xf32, #tpu.memory_space<hbm>> -> memref<40x128xf32, #tpu.memory_space<hbm>>
        tpu.wait_dma2 semaphore(%arg35 : memref<!tpu.dma_semaphore, #tpu.memory_space<semaphore_mem>>) src(%dma_wait3A_404 : memref<40x128xf32, #tpu.memory_space<hbm>>) dst(%arg20 : memref<40x128xf32, #tpu.memory_space<vmem>>)
        %scan3A_405 = arith.constant 0 : i32
        %scan3A_406 = arith.constant 0 : i32
        %scan3A_407 = arith.constant 40 : i32
        %scan3A_408 = arith.addi %scan3A_406, %scan3A_407 : i32
        %scan3A_409 = arith.constant 1 : i32
        scf.for %scan3A_434 = %scan3A_406 to %scan3A_408 step %scan3A_409  : i32 {
          %get3A = arith.index_cast %scan3A_434 : i32 to index
          %get3A_435 = arith.constant 0 : index
          %get3A_436 = tpu.vector_load %arg18[%get3A, %get3A_435] {strides = array<i32>} : memref<40x128xf32, #tpu.memory_space<vmem>>, vector<1x16xf32>,
          %get3A_437 = vector.shape_cast %get3A_436 : vector<1x16xf32> to vector<16xf32>
          %get3A_438 = arith.index_cast %scan3A_434 : i32 to index
          %get3A_439 = arith.constant 0 : index
          %get3A_440 = tpu.vector_load %arg20[%get3A_438, %get3A_439] {strides = array<i32>} : memref<40x128xf32, #tpu.memory_space<vmem>>, vector<1x16xf32>,
          %get3A_441 = vector.shape_cast %get3A_440 : vector<1x16xf32> to vector<16xf32>
          %mul3A_442 = arith.mulf %get3A_437, %get3A_441 : vector<16xf32>
          %swap3A = arith.index_cast %scan3A_434 : i32 to index
          %swap3A_443 = arith.constant 0 : index
          %swap3A_444 = tpu.vector_load %arg18[%swap3A, %swap3A_443] {strides = array<i32>} : memref<40x128xf32, #tpu.memory_space<vmem>>, vector<1x16xf32>,
          %swap3A_445 = vector.shape_cast %swap3A_444 : vector<1x16xf32> to vector<16xf32>
          %swap3A_446 = vector.shape_cast %mul3A_442 : vector<16xf32> to vector<1x16xf32>
          tpu.vector_store %arg18[%swap3A, %swap3A_443], %swap3A_446 {strides = array<i32>} : memref<40x128xf32, #tpu.memory_space<vmem>>, vector<1x16xf32>,
          %get3A_447 = arith.index_cast %scan3A_434 : i32 to index
          %get3A_448 = arith.constant 16 : index
          %get3A_449 = tpu.vector_load %arg18[%get3A_447, %get3A_448] {strides = array<i32>} : memref<40x128xf32, #tpu.memory_space<vmem>>, vector<1x16xf32>,
          %get3A_450 = vector.shape_cast %get3A_449 : vector<1x16xf32> to vector<16xf32>
          %get3A_451 = arith.index_cast %scan3A_434 : i32 to index
          %get3A_452 = arith.constant 16 : index
          %get3A_453 = tpu.vector_load %arg20[%get3A_451, %get3A_452] {strides = array<i32>} : memref<40x128xf32, #tpu.memory_space<vmem>>, vector<1x16xf32>,
          %get3A_454 = vector.shape_cast %get3A_453 : vector<1x16xf32> to vector<16xf32>
          %mul3A_455 = arith.mulf %get3A_450, %get3A_454 : vector<16xf32>
          %swap3A_456 = arith.index_cast %scan3A_434 : i32 to index
          %swap3A_457 = arith.constant 16 : index
          %swap3A_458 = tpu.vector_load %arg18[%swap3A_456, %swap3A_457] {strides = array<i32>} : memref<40x128xf32, #tpu.memory_space<vmem>>, vector<1x16xf32>,
          %swap3A_459 = vector.shape_cast %swap3A_458 : vector<1x16xf32> to vector<16xf32>
          %swap3A_460 = vector.shape_cast %mul3A_455 : vector<16xf32> to vector<1x16xf32>
          tpu.vector_store %arg18[%swap3A_456, %swap3A_457], %swap3A_460 {strides = array<i32>} : memref<40x128xf32, #tpu.memory_space<vmem>>, vector<1x16xf32>,
          %get3A_461 = arith.index_cast %scan3A_434 : i32 to index
          %get3A_462 = arith.constant 32 : index
          %get3A_463 = tpu.vector_load %arg18[%get3A_461, %get3A_462] {strides = array<i32>} : memref<40x128xf32, #tpu.memory_space<vmem>>, vector<1x16xf32>,
          %get3A_464 = vector.shape_cast %get3A_463 : vector<1x16xf32> to vector<16xf32>
          %get3A_465 = arith.index_cast %scan3A_434 : i32 to index
          %get3A_466 = arith.constant 32 : index
          %get3A_467 = tpu.vector_load %arg20[%get3A_465, %get3A_466] {strides = array<i32>} : memref<40x128xf32, #tpu.memory_space<vmem>>, vector<1x16xf32>,
          %get3A_468 = vector.shape_cast %get3A_467 : vector<1x16xf32> to vector<16xf32>
          %mul3A_469 = arith.mulf %get3A_464, %get3A_468 : vector<16xf32>
          %swap3A_470 = arith.index_cast %scan3A_434 : i32 to index
          %swap3A_471 = arith.constant 32 : index
          %swap3A_472 = tpu.vector_load %arg18[%swap3A_470, %swap3A_471] {strides = array<i32>} : memref<40x128xf32, #tpu.memory_space<vmem>>, vector<1x16xf32>,
          %swap3A_473 = vector.shape_cast %swap3A_472 : vector<1x16xf32> to vector<16xf32>
          %swap3A_474 = vector.shape_cast %mul3A_469 : vector<16xf32> to vector<1x16xf32>
          tpu.vector_store %arg18[%swap3A_470, %swap3A_471], %swap3A_474 {strides = array<i32>} : memref<40x128xf32, #tpu.memory_space<vmem>>, vector<1x16xf32>,
          %get3A_475 = arith.index_cast %scan3A_434 : i32 to index
          %get3A_476 = arith.constant 48 : index
          %get3A_477 = tpu.vector_load %arg18[%get3A_475, %get3A_476] {strides = array<i32>} : memref<40x128xf32, #tpu.memory_space<vmem>>, vector<1x16xf32>,
          %get3A_478 = vector.shape_cast %get3A_477 : vector<1x16xf32> to vector<16xf32>
          %get3A_479 = arith.index_cast %scan3A_434 : i32 to index
          %get3A_480 = arith.constant 48 : index
          %get3A_481 = tpu.vector_load %arg20[%get3A_479, %get3A_480] {strides = array<i32>} : memref<40x128xf32, #tpu.memory_space<vmem>>, vector<1x16xf32>,
          %get3A_482 = vector.shape_cast %get3A_481 : vector<1x16xf32> to vector<16xf32>
          %mul3A_483 = arith.mulf %get3A_478, %get3A_482 : vector<16xf32>
          %swap3A_484 = arith.index_cast %scan3A_434 : i32 to index
          %swap3A_485 = arith.constant 48 : index
          %swap3A_486 = tpu.vector_load %arg18[%swap3A_484, %swap3A_485] {strides = array<i32>} : memref<40x128xf32, #tpu.memory_space<vmem>>, vector<1x16xf32>,
          %swap3A_487 = vector.shape_cast %swap3A_486 : vector<1x16xf32> to vector<16xf32>
          %swap3A_488 = vector.shape_cast %mul3A_483 : vector<16xf32> to vector<1x16xf32>
          tpu.vector_store %arg18[%swap3A_484, %swap3A_485], %swap3A_488 {strides = array<i32>} : memref<40x128xf32, #tpu.memory_space<vmem>>, vector<1x16xf32>,
          %get3A_489 = arith.index_cast %scan3A_434 : i32 to index
          %get3A_490 = arith.constant 64 : index
          %get3A_491 = tpu.vector_load %arg18[%get3A_489, %get3A_490] {strides = array<i32>} : memref<40x128xf32, #tpu.memory_space<vmem>>, vector<1x16xf32>,
          %get3A_492 = vector.shape_cast %get3A_491 : vector<1x16xf32> to vector<16xf32>
          %get3A_493 = arith.index_cast %scan3A_434 : i32 to index
          %get3A_494 = arith.constant 64 : index
          %get3A_495 = tpu.vector_load %arg20[%get3A_493, %get3A_494] {strides = array<i32>} : memref<40x128xf32, #tpu.memory_space<vmem>>, vector<1x16xf32>,
          %get3A_496 = vector.shape_cast %get3A_495 : vector<1x16xf32> to vector<16xf32>
          %mul3A_497 = arith.mulf %get3A_492, %get3A_496 : vector<16xf32>
          %swap3A_498 = arith.index_cast %scan3A_434 : i32 to index
          %swap3A_499 = arith.constant 64 : index
          %swap3A_500 = tpu.vector_load %arg18[%swap3A_498, %swap3A_499] {strides = array<i32>} : memref<40x128xf32, #tpu.memory_space<vmem>>, vector<1x16xf32>,
          %swap3A_501 = vector.shape_cast %swap3A_500 : vector<1x16xf32> to vector<16xf32>
          %swap3A_502 = vector.shape_cast %mul3A_497 : vector<16xf32> to vector<1x16xf32>
          tpu.vector_store %arg18[%swap3A_498, %swap3A_499], %swap3A_502 {strides = array<i32>} : memref<40x128xf32, #tpu.memory_space<vmem>>, vector<1x16xf32>,
          %get3A_503 = arith.index_cast %scan3A_434 : i32 to index
          %get3A_504 = arith.constant 80 : index
          %get3A_505 = tpu.vector_load %arg18[%get3A_503, %get3A_504] {strides = array<i32>} : memref<40x128xf32, #tpu.memory_space<vmem>>, vector<1x16xf32>,
          %get3A_506 = vector.shape_cast %get3A_505 : vector<1x16xf32> to vector<16xf32>
          %get3A_507 = arith.index_cast %scan3A_434 : i32 to index
          %get3A_508 = arith.constant 80 : index
          %get3A_509 = tpu.vector_load %arg20[%get3A_507, %get3A_508] {strides = array<i32>} : memref<40x128xf32, #tpu.memory_space<vmem>>, vector<1x16xf32>,
          %get3A_510 = vector.shape_cast %get3A_509 : vector<1x16xf32> to vector<16xf32>
          %mul3A_511 = arith.mulf %get3A_506, %get3A_510 : vector<16xf32>
          %swap3A_512 = arith.index_cast %scan3A_434 : i32 to index
          %swap3A_513 = arith.constant 80 : index
          %swap3A_514 = tpu.vector_load %arg18[%swap3A_512, %swap3A_513] {strides = array<i32>} : memref<40x128xf32, #tpu.memory_space<vmem>>, vector<1x16xf32>,
          %swap3A_515 = vector.shape_cast %swap3A_514 : vector<1x16xf32> to vector<16xf32>
          %swap3A_516 = vector.shape_cast %mul3A_511 : vector<16xf32> to vector<1x16xf32>
          tpu.vector_store %arg18[%swap3A_512, %swap3A_513], %swap3A_516 {strides = array<i32>} : memref<40x128xf32, #tpu.memory_space<vmem>>, vector<1x16xf32>,
          %get3A_517 = arith.index_cast %scan3A_434 : i32 to index
          %get3A_518 = arith.constant 96 : index
          %get3A_519 = tpu.vector_load %arg18[%get3A_517, %get3A_518] {strides = array<i32>} : memref<40x128xf32, #tpu.memory_space<vmem>>, vector<1x16xf32>,
          %get3A_520 = vector.shape_cast %get3A_519 : vector<1x16xf32> to vector<16xf32>
          %get3A_521 = arith.index_cast %scan3A_434 : i32 to index
          %get3A_522 = arith.constant 96 : index
          %get3A_523 = tpu.vector_load %arg20[%get3A_521, %get3A_522] {strides = array<i32>} : memref<40x128xf32, #tpu.memory_space<vmem>>, vector<1x16xf32>,
          %get3A_524 = vector.shape_cast %get3A_523 : vector<1x16xf32> to vector<16xf32>
          %mul3A_525 = arith.mulf %get3A_520, %get3A_524 : vector<16xf32>
          %swap3A_526 = arith.index_cast %scan3A_434 : i32 to index
          %swap3A_527 = arith.constant 96 : index
          %swap3A_528 = tpu.vector_load %arg18[%swap3A_526, %swap3A_527] {strides = array<i32>} : memref<40x128xf32, #tpu.memory_space<vmem>>, vector<1x16xf32>,
          %swap3A_529 = vector.shape_cast %swap3A_528 : vector<1x16xf32> to vector<16xf32>
          %swap3A_530 = vector.shape_cast %mul3A_525 : vector<16xf32> to vector<1x16xf32>
          tpu.vector_store %arg18[%swap3A_526, %swap3A_527], %swap3A_530 {strides = array<i32>} : memref<40x128xf32, #tpu.memory_space<vmem>>, vector<1x16xf32>,
          %get3A_531 = arith.index_cast %scan3A_434 : i32 to index
          %get3A_532 = arith.constant 112 : index
          %get3A_533 = tpu.vector_load %arg18[%get3A_531, %get3A_532] {strides = array<i32>} : memref<40x128xf32, #tpu.memory_space<vmem>>, vector<1x16xf32>,
          %get3A_534 = vector.shape_cast %get3A_533 : vector<1x16xf32> to vector<16xf32>
          %get3A_535 = arith.index_cast %scan3A_434 : i32 to index
          %get3A_536 = arith.constant 112 : index
          %get3A_537 = tpu.vector_load %arg20[%get3A_535, %get3A_536] {strides = array<i32>} : memref<40x128xf32, #tpu.memory_space<vmem>>, vector<1x16xf32>,
          %get3A_538 = vector.shape_cast %get3A_537 : vector<1x16xf32> to vector<16xf32>
          %mul3A_539 = arith.mulf %get3A_534, %get3A_538 : vector<16xf32>
          %swap3A_540 = arith.index_cast %scan3A_434 : i32 to index
          %swap3A_541 = arith.constant 112 : index
          %swap3A_542 = tpu.vector_load %arg18[%swap3A_540, %swap3A_541] {strides = array<i32>} : memref<40x128xf32, #tpu.memory_space<vmem>>, vector<1x16xf32>,
          %swap3A_543 = vector.shape_cast %swap3A_542 : vector<1x16xf32> to vector<16xf32>
          %swap3A_544 = vector.shape_cast %mul3A_539 : vector<16xf32> to vector<1x16xf32>
          tpu.vector_store %arg18[%swap3A_540, %swap3A_541], %swap3A_544 {strides = array<i32>} : memref<40x128xf32, #tpu.memory_space<vmem>>, vector<1x16xf32>,
        }
        %scan3A_410 = arith.constant 40 : i32
        %dma_wait3A_411 = arith.constant 0 : i32
        %dma_wait3A_412 = arith.constant 0 : i32
        %dma_wait3A_413 = arith.constant 0 : i32
        %dma_wait3A_414 = tpu.memref_slice %arg5[%add3A, %dma_wait3A_411, %dma_wait3A_412, %dma_wait3A_413] : memref<32x250x1x40xi32, #tpu.memory_space<hbm>> -> memref<1x1x1x40xi32, #tpu.memory_space<hbm>>
        %dma_wait3A_415 = tpu.memref_squeeze %dma_wait3A_414 : memref<1x1x1x40xi32, #tpu.memory_space<hbm>> -> memref<1x40xi32, #tpu.memory_space<hbm>>
        %dma_wait3A_416 = arith.constant 0 : i32
        %dma_wait3A_417 = arith.constant 0 : i32
        %dma_wait3A_418 = tpu.memref_slice %arg5[%add3A, %dma_wait3A_411, %dma_wait3A_416, %dma_wait3A_417] : memref<32x250x1x40xi32, #tpu.memory_space<hbm>> -> memref<1x1x1x40xi32, #tpu.memory_space<hbm>>
        %dma_wait3A_419 = tpu.memref_squeeze %dma_wait3A_418 : memref<1x1x1x40xi32, #tpu.memory_space<hbm>> -> memref<1x40xi32, #tpu.memory_space<hbm>>
        tpu.wait_dma2 semaphore(%arg29 : memref<!tpu.dma_semaphore, #tpu.memory_space<semaphore_mem>>) src(%dma_wait3A_419 : memref<1x40xi32, #tpu.memory_space<hbm>>) dst(%arg14 : memref<1x40xi32, #tpu.memory_space<vmem>>)
        %run_scoped3A = arith.constant 0 : i32
        "tpu.region"() ({
          %run_scoped3A_434 = tpu.sem_alloc : memref<!tpu.dma_semaphore, #tpu.memory_space<semaphore_mem>>
          %dma_start3A_435 = arith.constant 0 : i32
          %dma_start3A_436 = tpu.memref_slice %arg14[%run_scoped3A, %dma_start3A_435] : memref<1x40xi32, #tpu.memory_space<vmem>> -> memref<1x40xi32, #tpu.memory_space<vmem>>
          %dma_start3A_437 = tpu.memref_squeeze %dma_start3A_436 : memref<1x40xi32, #tpu.memory_space<vmem>> -> memref<40xi32, #tpu.memory_space<vmem>>
          %dma_start3A_438 = arith.constant 0 : i32
          %dma_start3A_439 = arith.constant 0 : i32
          %dma_start3A_440 = tpu.memref_slice %arg21[%dma_start3A_438, %dma_start3A_439] : memref<10000x128xf32, #tpu.memory_space<vmem_shared>> -> memref<10000x128xf32, #tpu.memory_space<vmem_shared>>
          tpu.enqueue_indirect_dma source(%arg18 : memref<40x128xf32, #tpu.memory_space<vmem>>) target(%dma_start3A_440 : memref<10000x128xf32, #tpu.memory_space<vmem_shared>>) offsets(%dma_start3A_437 : memref<40xi32, #tpu.memory_space<vmem>>) semaphore(%run_scoped3A_434 : memref<!tpu.dma_semaphore, #tpu.memory_space<semaphore_mem>>) {add = true}
          %dma_wait3A_441 = arith.constant 0 : i32
          %dma_wait3A_442 = tpu.memref_slice %arg14[%run_scoped3A, %dma_wait3A_441] : memref<1x40xi32, #tpu.memory_space<vmem>> -> memref<1x40xi32, #tpu.memory_space<vmem>>
          %dma_wait3A_443 = tpu.memref_squeeze %dma_wait3A_442 : memref<1x40xi32, #tpu.memory_space<vmem>> -> memref<40xi32, #tpu.memory_space<vmem>>
          %dma_wait3A_444 = arith.constant 0 : i32
          %dma_wait3A_445 = arith.constant 0 : i32
          %dma_wait3A_446 = tpu.memref_slice %arg21[%dma_wait3A_444, %dma_wait3A_445] : memref<10000x128xf32, #tpu.memory_space<vmem_shared>> -> memref<10000x128xf32, #tpu.memory_space<vmem_shared>>
          tpu.wait_indirect_dma semaphore(%run_scoped3A_434 : memref<!tpu.dma_semaphore, #tpu.memory_space<semaphore_mem>>) src(%arg18 : memref<40x128xf32, #tpu.memory_space<vmem>>) dst(%dma_wait3A_446 : memref<10000x128xf32, #tpu.memory_space<vmem_shared>>)
          tpu.yield
        }) : () -> ()
        %add3A_420 = arith.constant 4 : i32
        %add3A_421 = arith.addi %add3A_384, %add3A_420 : i32
        %lt3A_422 = arith.constant 250 : i32
        %lt3A_423 = arith.cmpi slt, %add3A_421, %lt3A_422 : i32
        %convert_element_type3A_424 = arith.extui %lt3A_423 : i1 to i32
        %cond3A_425 = arith.constant 0 : i32
        %cond3A_426 = arith.cmpi ne, %convert_element_type3A_424, %cond3A_425 : i32
        scf.if %cond3A_426 {
          %add3A_434 = arith.constant 4 : i32
          %add3A_435 = arith.addi %add3A_384, %add3A_434 : i32
          %dma_start3A_436 = arith.constant 0 : i32
          %dma_start3A_437 = arith.constant 0 : i32
          %dma_start3A_438 = tpu.memref_slice %arg4[%add3A, %add3A_435, %dma_start3A_436, %dma_start3A_437] : memref<32x250x1x40xi32, #tpu.memory_space<hbm>> -> memref<1x1x1x40xi32, #tpu.memory_space<hbm>>
          %dma_start3A_439 = tpu.memref_squeeze %dma_start3A_438 : memref<1x1x1x40xi32, #tpu.memory_space<hbm>> -> memref<1x40xi32, #tpu.memory_space<hbm>>
          %dma_start3A_440 = arith.constant 0 : i32
          %dma_start3A_441 = arith.constant 0 : i32
          %dma_start3A_442 = tpu.memref_slice %arg4[%add3A, %add3A_435, %dma_start3A_440, %dma_start3A_441] : memref<32x250x1x40xi32, #tpu.memory_space<hbm>> -> memref<1x1x1x40xi32, #tpu.memory_space<hbm>>
          %dma_start3A_443 = tpu.memref_squeeze %dma_start3A_442 : memref<1x1x1x40xi32, #tpu.memory_space<hbm>> -> memref<1x40xi32, #tpu.memory_space<hbm>>
          tpu.enqueue_dma source(%dma_start3A_443 : memref<1x40xi32, #tpu.memory_space<hbm>>) target(%arg10 : memref<1x40xi32, #tpu.memory_space<vmem>>) target_semaphore(%arg25 : memref<!tpu.dma_semaphore, #tpu.memory_space<semaphore_mem>>)
          %dma_start3A_444 = arith.constant 0 : i32
          %dma_start3A_445 = arith.constant 0 : i32
          %dma_start3A_446 = tpu.memref_slice %arg5[%add3A, %add3A_435, %dma_start3A_444, %dma_start3A_445] : memref<32x250x1x40xi32, #tpu.memory_space<hbm>> -> memref<1x1x1x40xi32, #tpu.memory_space<hbm>>
          %dma_start3A_447 = tpu.memref_squeeze %dma_start3A_446 : memref<1x1x1x40xi32, #tpu.memory_space<hbm>> -> memref<1x40xi32, #tpu.memory_space<hbm>>
          %dma_start3A_448 = arith.constant 0 : i32
          %dma_start3A_449 = arith.constant 0 : i32
          %dma_start3A_450 = tpu.memref_slice %arg5[%add3A, %add3A_435, %dma_start3A_448, %dma_start3A_449] : memref<32x250x1x40xi32, #tpu.memory_space<hbm>> -> memref<1x1x1x40xi32, #tpu.memory_space<hbm>>
          %dma_start3A_451 = tpu.memref_squeeze %dma_start3A_450 : memref<1x1x1x40xi32, #tpu.memory_space<hbm>> -> memref<1x40xi32, #tpu.memory_space<hbm>>
          tpu.enqueue_dma source(%dma_start3A_451 : memref<1x40xi32, #tpu.memory_space<hbm>>) target(%arg14 : memref<1x40xi32, #tpu.memory_space<vmem>>) target_semaphore(%arg29 : memref<!tpu.dma_semaphore, #tpu.memory_space<semaphore_mem>>)
        } else {
        }
        %add3A_427 = arith.constant 2 : i32
        %add3A_428 = arith.addi %add3A_384, %add3A_427 : i32
        %lt3A_429 = arith.constant 250 : i32
        %lt3A_430 = arith.cmpi slt, %add3A_428, %lt3A_429 : i32
        %convert_element_type3A_431 = arith.extui %lt3A_430 : i1 to i32
        %cond3A_432 = arith.constant 0 : i32
        %cond3A_433 = arith.cmpi ne, %convert_element_type3A_431, %cond3A_432 : i32
        scf.if %cond3A_433 {
          %add3A_434 = arith.constant 2 : i32
          %add3A_435 = arith.addi %add3A_384, %add3A_434 : i32
          %mul3A_436 = arith.constant 10000 : i32
          %mul3A_437 = arith.muli %add3A, %mul3A_436 : i32
          %mul3A_438 = arith.constant 40 : i32
          %mul3A_439 = arith.muli %add3A_435, %mul3A_438 : i32
          %add3A_440 = arith.addi %mul3A_437, %mul3A_439 : i32
          %dma_start3A_441 = arith.constant 0 : i32
          %dma_start3A_442 = tpu.memref_slice %arg3[%add3A_440, %dma_start3A_441] : memref<320000x128xf32, #tpu.memory_space<hbm>> -> memref<40x128xf32, #tpu.memory_space<hbm>>
          %dma_start3A_443 = arith.constant 0 : i32
          %dma_start3A_444 = tpu.memref_slice %arg3[%add3A_440, %dma_start3A_443] : memref<320000x128xf32, #tpu.memory_space<hbm>> -> memref<40x128xf32, #tpu.memory_space<hbm>>
          tpu.enqueue_dma source(%dma_start3A_444 : memref<40x128xf32, #tpu.memory_space<hbm>>) target(%arg20 : memref<40x128xf32, #tpu.memory_space<vmem>>) target_semaphore(%arg35 : memref<!tpu.dma_semaphore, #tpu.memory_space<semaphore_mem>>)
        } else {
        }
      } else {
      }
    }
    %scan3A_238 = arith.constant 63 : i32
    %barrier3A_239 = arith.constant 0 : index
    tpu.barrier barrier_id(%barrier3A_239)
    %add3A_240 = arith.constant 0 : i32
    %add3A_241 = arith.addi %arg1, %add3A_240 : i32
    %lt3A_242 = arith.constant 250 : i32
    %lt3A_243 = arith.cmpi slt, %add3A_241, %lt3A_242 : i32
    %convert_element_type3A_244 = arith.extui %lt3A_243 : i1 to i32
    %cond3A_245 = arith.constant 0 : i32
    %cond3A_246 = arith.cmpi ne, %convert_element_type3A_244, %cond3A_245 : i32
    scf.if %cond3A_246 {
      %mul3A_352 = arith.constant 40 : i32
      %mul3A_353 = arith.muli %add3A_241, %mul3A_352 : i32
      "tpu.region"() ({
        %run_scoped3A = tpu.sem_alloc : memref<!tpu.dma_semaphore, #tpu.memory_space<semaphore_mem>>
        %dma_start3A_356 = arith.constant 0 : i32
        %dma_start3A_357 = tpu.memref_slice %arg21[%mul3A_353, %dma_start3A_356] : memref<10000x128xf32, #tpu.memory_space<vmem_shared>> -> memref<40x128xf32, #tpu.memory_space<vmem_shared>>
        %dma_start3A_358 = arith.constant 0 : i32
        %dma_start3A_359 = tpu.memref_slice %arg21[%mul3A_353, %dma_start3A_358] : memref<10000x128xf32, #tpu.memory_space<vmem_shared>> -> memref<40x128xf32, #tpu.memory_space<vmem_shared>>
        tpu.enqueue_dma source(%dma_start3A_359 : memref<40x128xf32, #tpu.memory_space<vmem_shared>>) target(%arg15 : memref<40x128xf32, #tpu.memory_space<vmem>>) target_semaphore(%run_scoped3A : memref<!tpu.dma_semaphore, #tpu.memory_space<semaphore_mem>>)
        %dma_wait3A_360 = arith.constant 0 : i32
        %dma_wait3A_361 = tpu.memref_slice %arg21[%mul3A_353, %dma_wait3A_360] : memref<10000x128xf32, #tpu.memory_space<vmem_shared>> -> memref<40x128xf32, #tpu.memory_space<vmem_shared>>
        %dma_wait3A_362 = arith.constant 0 : i32
        %dma_wait3A_363 = tpu.memref_slice %arg21[%mul3A_353, %dma_wait3A_362] : memref<10000x128xf32, #tpu.memory_space<vmem_shared>> -> memref<40x128xf32, #tpu.memory_space<vmem_shared>>
        tpu.wait_dma2 semaphore(%run_scoped3A : memref<!tpu.dma_semaphore, #tpu.memory_space<semaphore_mem>>) src(%dma_wait3A_363 : memref<40x128xf32, #tpu.memory_space<vmem_shared>>) dst(%arg15 : memref<40x128xf32, #tpu.memory_space<vmem>>)
        tpu.yield
      }) : () -> ()
      %mul3A_354 = arith.constant 40 : i32
      %mul3A_355 = arith.muli %add3A_241, %mul3A_354 : i32
      "tpu.region"() ({
        %run_scoped3A = tpu.sem_alloc : memref<!tpu.dma_semaphore, #tpu.memory_space<semaphore_mem>>
        %dma_start3A_356 = arith.constant 0 : i32
        %dma_start3A_357 = tpu.memref_slice %arg6[%arg0, %mul3A_355, %dma_start3A_356] : memref<2x10000x128xf32, #tpu.memory_space<hbm>> -> memref<1x40x128xf32, #tpu.memory_space<hbm>>
        %dma_start3A_358 = tpu.memref_squeeze %dma_start3A_357 : memref<1x40x128xf32, #tpu.memory_space<hbm>> -> memref<40x128xf32, #tpu.memory_space<hbm>>
        %dma_start3A_359 = arith.constant 0 : i32
        %dma_start3A_360 = tpu.memref_slice %arg6[%arg0, %mul3A_355, %dma_start3A_359] : memref<2x10000x128xf32, #tpu.memory_space<hbm>> -> memref<1x40x128xf32, #tpu.memory_space<hbm>>
        %dma_start3A_361 = tpu.memref_squeeze %dma_start3A_360 : memref<1x40x128xf32, #tpu.memory_space<hbm>> -> memref<40x128xf32, #tpu.memory_space<hbm>>
        tpu.enqueue_dma source(%arg15 : memref<40x128xf32, #tpu.memory_space<vmem>>) target(%dma_start3A_361 : memref<40x128xf32, #tpu.memory_space<hbm>>) target_semaphore(%run_scoped3A : memref<!tpu.dma_semaphore, #tpu.memory_space<semaphore_mem>>)
        %dma_wait3A_362 = arith.constant 0 : i32
        %dma_wait3A_363 = tpu.memref_slice %arg6[%arg0, %mul3A_355, %dma_wait3A_362] : memref<2x10000x128xf32, #tpu.memory_space<hbm>> -> memref<1x40x128xf32, #tpu.memory_space<hbm>>
        %dma_wait3A_364 = tpu.memref_squeeze %dma_wait3A_363 : memref<1x40x128xf32, #tpu.memory_space<hbm>> -> memref<40x128xf32, #tpu.memory_space<hbm>>
        %dma_wait3A_365 = arith.constant 0 : i32
        %dma_wait3A_366 = tpu.memref_slice %arg6[%arg0, %mul3A_355, %dma_wait3A_365] : memref<2x10000x128xf32, #tpu.memory_space<hbm>> -> memref<1x40x128xf32, #tpu.memory_space<hbm>>
        %dma_wait3A_367 = tpu.memref_squeeze %dma_wait3A_366 : memref<1x40x128xf32, #tpu.memory_space<hbm>> -> memref<40x128xf32, #tpu.memory_space<hbm>>
        tpu.wait_dma2 semaphore(%run_scoped3A : memref<!tpu.dma_semaphore, #tpu.memory_space<semaphore_mem>>) src(%arg15 : memref<40x128xf32, #tpu.memory_space<vmem>>) dst(%dma_wait3A_367 : memref<40x128xf32, #tpu.memory_space<hbm>>)
        tpu.yield
      }) : () -> ()
    } else {
    }
    %add3A_247 = arith.constant 16 : i32
    %add3A_248 = arith.addi %arg1, %add3A_247 : i32
    %lt3A_249 = arith.constant 250 : i32
    %lt3A_250 = arith.cmpi slt, %add3A_248, %lt3A_249 : i32
    %convert_element_type3A_251 = arith.extui %lt3A_250 : i1 to i32
    %cond3A_252 = arith.constant 0 : i32
    %cond3A_253 = arith.cmpi ne, %convert_element_type3A_251, %cond3A_252 : i32
    scf.if %cond3A_253 {
      %mul3A_352 = arith.constant 40 : i32
      %mul3A_353 = arith.muli %add3A_248, %mul3A_352 : i32
      "tpu.region"() ({
        %run_scoped3A = tpu.sem_alloc : memref<!tpu.dma_semaphore, #tpu.memory_space<semaphore_mem>>
        %dma_start3A_356 = arith.constant 0 : i32
        %dma_start3A_357 = tpu.memref_slice %arg21[%mul3A_353, %dma_start3A_356] : memref<10000x128xf32, #tpu.memory_space<vmem_shared>> -> memref<40x128xf32, #tpu.memory_space<vmem_shared>>
        %dma_start3A_358 = arith.constant 0 : i32
        %dma_start3A_359 = tpu.memref_slice %arg21[%mul3A_353, %dma_start3A_358] : memref<10000x128xf32, #tpu.memory_space<vmem_shared>> -> memref<40x128xf32, #tpu.memory_space<vmem_shared>>
        tpu.enqueue_dma source(%dma_start3A_359 : memref<40x128xf32, #tpu.memory_space<vmem_shared>>) target(%arg15 : memref<40x128xf32, #tpu.memory_space<vmem>>) target_semaphore(%run_scoped3A : memref<!tpu.dma_semaphore, #tpu.memory_space<semaphore_mem>>)
        %dma_wait3A_360 = arith.constant 0 : i32
        %dma_wait3A_361 = tpu.memref_slice %arg21[%mul3A_353, %dma_wait3A_360] : memref<10000x128xf32, #tpu.memory_space<vmem_shared>> -> memref<40x128xf32, #tpu.memory_space<vmem_shared>>
        %dma_wait3A_362 = arith.constant 0 : i32
        %dma_wait3A_363 = tpu.memref_slice %arg21[%mul3A_353, %dma_wait3A_362] : memref<10000x128xf32, #tpu.memory_space<vmem_shared>> -> memref<40x128xf32, #tpu.memory_space<vmem_shared>>
        tpu.wait_dma2 semaphore(%run_scoped3A : memref<!tpu.dma_semaphore, #tpu.memory_space<semaphore_mem>>) src(%dma_wait3A_363 : memref<40x128xf32, #tpu.memory_space<vmem_shared>>) dst(%arg15 : memref<40x128xf32, #tpu.memory_space<vmem>>)
        tpu.yield
      }) : () -> ()
      %mul3A_354 = arith.constant 40 : i32
      %mul3A_355 = arith.muli %add3A_248, %mul3A_354 : i32
      "tpu.region"() ({
        %run_scoped3A = tpu.sem_alloc : memref<!tpu.dma_semaphore, #tpu.memory_space<semaphore_mem>>
        %dma_start3A_356 = arith.constant 0 : i32
        %dma_start3A_357 = tpu.memref_slice %arg6[%arg0, %mul3A_355, %dma_start3A_356] : memref<2x10000x128xf32, #tpu.memory_space<hbm>> -> memref<1x40x128xf32, #tpu.memory_space<hbm>>
        %dma_start3A_358 = tpu.memref_squeeze %dma_start3A_357 : memref<1x40x128xf32, #tpu.memory_space<hbm>> -> memref<40x128xf32, #tpu.memory_space<hbm>>
        %dma_start3A_359 = arith.constant 0 : i32
        %dma_start3A_360 = tpu.memref_slice %arg6[%arg0, %mul3A_355, %dma_start3A_359] : memref<2x10000x128xf32, #tpu.memory_space<hbm>> -> memref<1x40x128xf32, #tpu.memory_space<hbm>>
        %dma_start3A_361 = tpu.memref_squeeze %dma_start3A_360 : memref<1x40x128xf32, #tpu.memory_space<hbm>> -> memref<40x128xf32, #tpu.memory_space<hbm>>
        tpu.enqueue_dma source(%arg15 : memref<40x128xf32, #tpu.memory_space<vmem>>) target(%dma_start3A_361 : memref<40x128xf32, #tpu.memory_space<hbm>>) target_semaphore(%run_scoped3A : memref<!tpu.dma_semaphore, #tpu.memory_space<semaphore_mem>>)
        %dma_wait3A_362 = arith.constant 0 : i32
        %dma_wait3A_363 = tpu.memref_slice %arg6[%arg0, %mul3A_355, %dma_wait3A_362] : memref<2x10000x128xf32, #tpu.memory_space<hbm>> -> memref<1x40x128xf32, #tpu.memory_space<hbm>>
        %dma_wait3A_364 = tpu.memref_squeeze %dma_wait3A_363 : memref<1x40x128xf32, #tpu.memory_space<hbm>> -> memref<40x128xf32, #tpu.memory_space<hbm>>
        %dma_wait3A_365 = arith.constant 0 : i32
        %dma_wait3A_366 = tpu.memref_slice %arg6[%arg0, %mul3A_355, %dma_wait3A_365] : memref<2x10000x128xf32, #tpu.memory_space<hbm>> -> memref<1x40x128xf32, #tpu.memory_space<hbm>>
        %dma_wait3A_367 = tpu.memref_squeeze %dma_wait3A_366 : memref<1x40x128xf32, #tpu.memory_space<hbm>> -> memref<40x128xf32, #tpu.memory_space<hbm>>
        tpu.wait_dma2 semaphore(%run_scoped3A : memref<!tpu.dma_semaphore, #tpu.memory_space<semaphore_mem>>) src(%arg15 : memref<40x128xf32, #tpu.memory_space<vmem>>) dst(%dma_wait3A_367 : memref<40x128xf32, #tpu.memory_space<hbm>>)
        tpu.yield
      }) : () -> ()
    } else {
    }
    %add3A_254 = arith.constant 32 : i32
    %add3A_255 = arith.addi %arg1, %add3A_254 : i32
    %lt3A_256 = arith.constant 250 : i32
    %lt3A_257 = arith.cmpi slt, %add3A_255, %lt3A_256 : i32
    %convert_element_type3A_258 = arith.extui %lt3A_257 : i1 to i32
    %cond3A_259 = arith.constant 0 : i32
    %cond3A_260 = arith.cmpi ne, %convert_element_type3A_258, %cond3A_259 : i32
    scf.if %cond3A_260 {
      %mul3A_352 = arith.constant 40 : i32
      %mul3A_353 = arith.muli %add3A_255, %mul3A_352 : i32
      "tpu.region"() ({
        %run_scoped3A = tpu.sem_alloc : memref<!tpu.dma_semaphore, #tpu.memory_space<semaphore_mem>>
        %dma_start3A_356 = arith.constant 0 : i32
        %dma_start3A_357 = tpu.memref_slice %arg21[%mul3A_353, %dma_start3A_356] : memref<10000x128xf32, #tpu.memory_space<vmem_shared>> -> memref<40x128xf32, #tpu.memory_space<vmem_shared>>
        %dma_start3A_358 = arith.constant 0 : i32
        %dma_start3A_359 = tpu.memref_slice %arg21[%mul3A_353, %dma_start3A_358] : memref<10000x128xf32, #tpu.memory_space<vmem_shared>> -> memref<40x128xf32, #tpu.memory_space<vmem_shared>>
        tpu.enqueue_dma source(%dma_start3A_359 : memref<40x128xf32, #tpu.memory_space<vmem_shared>>) target(%arg15 : memref<40x128xf32, #tpu.memory_space<vmem>>) target_semaphore(%run_scoped3A : memref<!tpu.dma_semaphore, #tpu.memory_space<semaphore_mem>>)
        %dma_wait3A_360 = arith.constant 0 : i32
        %dma_wait3A_361 = tpu.memref_slice %arg21[%mul3A_353, %dma_wait3A_360] : memref<10000x128xf32, #tpu.memory_space<vmem_shared>> -> memref<40x128xf32, #tpu.memory_space<vmem_shared>>
        %dma_wait3A_362 = arith.constant 0 : i32
        %dma_wait3A_363 = tpu.memref_slice %arg21[%mul3A_353, %dma_wait3A_362] : memref<10000x128xf32, #tpu.memory_space<vmem_shared>> -> memref<40x128xf32, #tpu.memory_space<vmem_shared>>
        tpu.wait_dma2 semaphore(%run_scoped3A : memref<!tpu.dma_semaphore, #tpu.memory_space<semaphore_mem>>) src(%dma_wait3A_363 : memref<40x128xf32, #tpu.memory_space<vmem_shared>>) dst(%arg15 : memref<40x128xf32, #tpu.memory_space<vmem>>)
        tpu.yield
      }) : () -> ()
      %mul3A_354 = arith.constant 40 : i32
      %mul3A_355 = arith.muli %add3A_255, %mul3A_354 : i32
      "tpu.region"() ({
        %run_scoped3A = tpu.sem_alloc : memref<!tpu.dma_semaphore, #tpu.memory_space<semaphore_mem>>
        %dma_start3A_356 = arith.constant 0 : i32
        %dma_start3A_357 = tpu.memref_slice %arg6[%arg0, %mul3A_355, %dma_start3A_356] : memref<2x10000x128xf32, #tpu.memory_space<hbm>> -> memref<1x40x128xf32, #tpu.memory_space<hbm>>
        %dma_start3A_358 = tpu.memref_squeeze %dma_start3A_357 : memref<1x40x128xf32, #tpu.memory_space<hbm>> -> memref<40x128xf32, #tpu.memory_space<hbm>>
        %dma_start3A_359 = arith.constant 0 : i32
        %dma_start3A_360 = tpu.memref_slice %arg6[%arg0, %mul3A_355, %dma_start3A_359] : memref<2x10000x128xf32, #tpu.memory_space<hbm>> -> memref<1x40x128xf32, #tpu.memory_space<hbm>>
        %dma_start3A_361 = tpu.memref_squeeze %dma_start3A_360 : memref<1x40x128xf32, #tpu.memory_space<hbm>> -> memref<40x128xf32, #tpu.memory_space<hbm>>
        tpu.enqueue_dma source(%arg15 : memref<40x128xf32, #tpu.memory_space<vmem>>) target(%dma_start3A_361 : memref<40x128xf32, #tpu.memory_space<hbm>>) target_semaphore(%run_scoped3A : memref<!tpu.dma_semaphore, #tpu.memory_space<semaphore_mem>>)
        %dma_wait3A_362 = arith.constant 0 : i32
        %dma_wait3A_363 = tpu.memref_slice %arg6[%arg0, %mul3A_355, %dma_wait3A_362] : memref<2x10000x128xf32, #tpu.memory_space<hbm>> -> memref<1x40x128xf32, #tpu.memory_space<hbm>>
        %dma_wait3A_364 = tpu.memref_squeeze %dma_wait3A_363 : memref<1x40x128xf32, #tpu.memory_space<hbm>> -> memref<40x128xf32, #tpu.memory_space<hbm>>
        %dma_wait3A_365 = arith.constant 0 : i32
        %dma_wait3A_366 = tpu.memref_slice %arg6[%arg0, %mul3A_355, %dma_wait3A_365] : memref<2x10000x128xf32, #tpu.memory_space<hbm>> -> memref<1x40x128xf32, #tpu.memory_space<hbm>>
        %dma_wait3A_367 = tpu.memref_squeeze %dma_wait3A_366 : memref<1x40x128xf32, #tpu.memory_space<hbm>> -> memref<40x128xf32, #tpu.memory_space<hbm>>
        tpu.wait_dma2 semaphore(%run_scoped3A : memref<!tpu.dma_semaphore, #tpu.memory_space<semaphore_mem>>) src(%arg15 : memref<40x128xf32, #tpu.memory_space<vmem>>) dst(%dma_wait3A_367 : memref<40x128xf32, #tpu.memory_space<hbm>>)
        tpu.yield
      }) : () -> ()
    } else {
    }
    %add3A_261 = arith.constant 48 : i32
    %add3A_262 = arith.addi %arg1, %add3A_261 : i32
    %lt3A_263 = arith.constant 250 : i32
    %lt3A_264 = arith.cmpi slt, %add3A_262, %lt3A_263 : i32
    %convert_element_type3A_265 = arith.extui %lt3A_264 : i1 to i32
    %cond3A_266 = arith.constant 0 : i32
    %cond3A_267 = arith.cmpi ne, %convert_element_type3A_265, %cond3A_266 : i32
    scf.if %cond3A_267 {
      %mul3A_352 = arith.constant 40 : i32
      %mul3A_353 = arith.muli %add3A_262, %mul3A_352 : i32
      "tpu.region"() ({
        %run_scoped3A = tpu.sem_alloc : memref<!tpu.dma_semaphore, #tpu.memory_space<semaphore_mem>>
        %dma_start3A_356 = arith.constant 0 : i32
        %dma_start3A_357 = tpu.memref_slice %arg21[%mul3A_353, %dma_start3A_356] : memref<10000x128xf32, #tpu.memory_space<vmem_shared>> -> memref<40x128xf32, #tpu.memory_space<vmem_shared>>
        %dma_start3A_358 = arith.constant 0 : i32
        %dma_start3A_359 = tpu.memref_slice %arg21[%mul3A_353, %dma_start3A_358] : memref<10000x128xf32, #tpu.memory_space<vmem_shared>> -> memref<40x128xf32, #tpu.memory_space<vmem_shared>>
        tpu.enqueue_dma source(%dma_start3A_359 : memref<40x128xf32, #tpu.memory_space<vmem_shared>>) target(%arg15 : memref<40x128xf32, #tpu.memory_space<vmem>>) target_semaphore(%run_scoped3A : memref<!tpu.dma_semaphore, #tpu.memory_space<semaphore_mem>>)
        %dma_wait3A_360 = arith.constant 0 : i32
        %dma_wait3A_361 = tpu.memref_slice %arg21[%mul3A_353, %dma_wait3A_360] : memref<10000x128xf32, #tpu.memory_space<vmem_shared>> -> memref<40x128xf32, #tpu.memory_space<vmem_shared>>
        %dma_wait3A_362 = arith.constant 0 : i32
        %dma_wait3A_363 = tpu.memref_slice %arg21[%mul3A_353, %dma_wait3A_362] : memref<10000x128xf32, #tpu.memory_space<vmem_shared>> -> memref<40x128xf32, #tpu.memory_space<vmem_shared>>
        tpu.wait_dma2 semaphore(%run_scoped3A : memref<!tpu.dma_semaphore, #tpu.memory_space<semaphore_mem>>) src(%dma_wait3A_363 : memref<40x128xf32, #tpu.memory_space<vmem_shared>>) dst(%arg15 : memref<40x128xf32, #tpu.memory_space<vmem>>)
        tpu.yield
      }) : () -> ()
      %mul3A_354 = arith.constant 40 : i32
      %mul3A_355 = arith.muli %add3A_262, %mul3A_354 : i32
      "tpu.region"() ({
        %run_scoped3A = tpu.sem_alloc : memref<!tpu.dma_semaphore, #tpu.memory_space<semaphore_mem>>
        %dma_start3A_356 = arith.constant 0 : i32
        %dma_start3A_357 = tpu.memref_slice %arg6[%arg0, %mul3A_355, %dma_start3A_356] : memref<2x10000x128xf32, #tpu.memory_space<hbm>> -> memref<1x40x128xf32, #tpu.memory_space<hbm>>
        %dma_start3A_358 = tpu.memref_squeeze %dma_start3A_357 : memref<1x40x128xf32, #tpu.memory_space<hbm>> -> memref<40x128xf32, #tpu.memory_space<hbm>>
        %dma_start3A_359 = arith.constant 0 : i32
        %dma_start3A_360 = tpu.memref_slice %arg6[%arg0, %mul3A_355, %dma_start3A_359] : memref<2x10000x128xf32, #tpu.memory_space<hbm>> -> memref<1x40x128xf32, #tpu.memory_space<hbm>>
        %dma_start3A_361 = tpu.memref_squeeze %dma_start3A_360 : memref<1x40x128xf32, #tpu.memory_space<hbm>> -> memref<40x128xf32, #tpu.memory_space<hbm>>
        tpu.enqueue_dma source(%arg15 : memref<40x128xf32, #tpu.memory_space<vmem>>) target(%dma_start3A_361 : memref<40x128xf32, #tpu.memory_space<hbm>>) target_semaphore(%run_scoped3A : memref<!tpu.dma_semaphore, #tpu.memory_space<semaphore_mem>>)
        %dma_wait3A_362 = arith.constant 0 : i32
        %dma_wait3A_363 = tpu.memref_slice %arg6[%arg0, %mul3A_355, %dma_wait3A_362] : memref<2x10000x128xf32, #tpu.memory_space<hbm>> -> memref<1x40x128xf32, #tpu.memory_space<hbm>>
        %dma_wait3A_364 = tpu.memref_squeeze %dma_wait3A_363 : memref<1x40x128xf32, #tpu.memory_space<hbm>> -> memref<40x128xf32, #tpu.memory_space<hbm>>
        %dma_wait3A_365 = arith.constant 0 : i32
        %dma_wait3A_366 = tpu.memref_slice %arg6[%arg0, %mul3A_355, %dma_wait3A_365] : memref<2x10000x128xf32, #tpu.memory_space<hbm>> -> memref<1x40x128xf32, #tpu.memory_space<hbm>>
        %dma_wait3A_367 = tpu.memref_squeeze %dma_wait3A_366 : memref<1x40x128xf32, #tpu.memory_space<hbm>> -> memref<40x128xf32, #tpu.memory_space<hbm>>
        tpu.wait_dma2 semaphore(%run_scoped3A : memref<!tpu.dma_semaphore, #tpu.memory_space<semaphore_mem>>) src(%arg15 : memref<40x128xf32, #tpu.memory_space<vmem>>) dst(%dma_wait3A_367 : memref<40x128xf32, #tpu.memory_space<hbm>>)
        tpu.yield
      }) : () -> ()
    } else {
    }
    %add3A_268 = arith.constant 64 : i32
    %add3A_269 = arith.addi %arg1, %add3A_268 : i32
    %lt3A_270 = arith.constant 250 : i32
    %lt3A_271 = arith.cmpi slt, %add3A_269, %lt3A_270 : i32
    %convert_element_type3A_272 = arith.extui %lt3A_271 : i1 to i32
    %cond3A_273 = arith.constant 0 : i32
    %cond3A_274 = arith.cmpi ne, %convert_element_type3A_272, %cond3A_273 : i32
    scf.if %cond3A_274 {
      %mul3A_352 = arith.constant 40 : i32
      %mul3A_353 = arith.muli %add3A_269, %mul3A_352 : i32
      "tpu.region"() ({
        %run_scoped3A = tpu.sem_alloc : memref<!tpu.dma_semaphore, #tpu.memory_space<semaphore_mem>>
        %dma_start3A_356 = arith.constant 0 : i32
        %dma_start3A_357 = tpu.memref_slice %arg21[%mul3A_353, %dma_start3A_356] : memref<10000x128xf32, #tpu.memory_space<vmem_shared>> -> memref<40x128xf32, #tpu.memory_space<vmem_shared>>
        %dma_start3A_358 = arith.constant 0 : i32
        %dma_start3A_359 = tpu.memref_slice %arg21[%mul3A_353, %dma_start3A_358] : memref<10000x128xf32, #tpu.memory_space<vmem_shared>> -> memref<40x128xf32, #tpu.memory_space<vmem_shared>>
        tpu.enqueue_dma source(%dma_start3A_359 : memref<40x128xf32, #tpu.memory_space<vmem_shared>>) target(%arg15 : memref<40x128xf32, #tpu.memory_space<vmem>>) target_semaphore(%run_scoped3A : memref<!tpu.dma_semaphore, #tpu.memory_space<semaphore_mem>>)
        %dma_wait3A_360 = arith.constant 0 : i32
        %dma_wait3A_361 = tpu.memref_slice %arg21[%mul3A_353, %dma_wait3A_360] : memref<10000x128xf32, #tpu.memory_space<vmem_shared>> -> memref<40x128xf32, #tpu.memory_space<vmem_shared>>
        %dma_wait3A_362 = arith.constant 0 : i32
        %dma_wait3A_363 = tpu.memref_slice %arg21[%mul3A_353, %dma_wait3A_362] : memref<10000x128xf32, #tpu.memory_space<vmem_shared>> -> memref<40x128xf32, #tpu.memory_space<vmem_shared>>
        tpu.wait_dma2 semaphore(%run_scoped3A : memref<!tpu.dma_semaphore, #tpu.memory_space<semaphore_mem>>) src(%dma_wait3A_363 : memref<40x128xf32, #tpu.memory_space<vmem_shared>>) dst(%arg15 : memref<40x128xf32, #tpu.memory_space<vmem>>)
        tpu.yield
      }) : () -> ()
      %mul3A_354 = arith.constant 40 : i32
      %mul3A_355 = arith.muli %add3A_269, %mul3A_354 : i32
      "tpu.region"() ({
        %run_scoped3A = tpu.sem_alloc : memref<!tpu.dma_semaphore, #tpu.memory_space<semaphore_mem>>
        %dma_start3A_356 = arith.constant 0 : i32
        %dma_start3A_357 = tpu.memref_slice %arg6[%arg0, %mul3A_355, %dma_start3A_356] : memref<2x10000x128xf32, #tpu.memory_space<hbm>> -> memref<1x40x128xf32, #tpu.memory_space<hbm>>
        %dma_start3A_358 = tpu.memref_squeeze %dma_start3A_357 : memref<1x40x128xf32, #tpu.memory_space<hbm>> -> memref<40x128xf32, #tpu.memory_space<hbm>>
        %dma_start3A_359 = arith.constant 0 : i32
        %dma_start3A_360 = tpu.memref_slice %arg6[%arg0, %mul3A_355, %dma_start3A_359] : memref<2x10000x128xf32, #tpu.memory_space<hbm>> -> memref<1x40x128xf32, #tpu.memory_space<hbm>>
        %dma_start3A_361 = tpu.memref_squeeze %dma_start3A_360 : memref<1x40x128xf32, #tpu.memory_space<hbm>> -> memref<40x128xf32, #tpu.memory_space<hbm>>
        tpu.enqueue_dma source(%arg15 : memref<40x128xf32, #tpu.memory_space<vmem>>) target(%dma_start3A_361 : memref<40x128xf32, #tpu.memory_space<hbm>>) target_semaphore(%run_scoped3A : memref<!tpu.dma_semaphore, #tpu.memory_space<semaphore_mem>>)
        %dma_wait3A_362 = arith.constant 0 : i32
        %dma_wait3A_363 = tpu.memref_slice %arg6[%arg0, %mul3A_355, %dma_wait3A_362] : memref<2x10000x128xf32, #tpu.memory_space<hbm>> -> memref<1x40x128xf32, #tpu.memory_space<hbm>>
        %dma_wait3A_364 = tpu.memref_squeeze %dma_wait3A_363 : memref<1x40x128xf32, #tpu.memory_space<hbm>> -> memref<40x128xf32, #tpu.memory_space<hbm>>
        %dma_wait3A_365 = arith.constant 0 : i32
        %dma_wait3A_366 = tpu.memref_slice %arg6[%arg0, %mul3A_355, %dma_wait3A_365] : memref<2x10000x128xf32, #tpu.memory_space<hbm>> -> memref<1x40x128xf32, #tpu.memory_space<hbm>>
        %dma_wait3A_367 = tpu.memref_squeeze %dma_wait3A_366 : memref<1x40x128xf32, #tpu.memory_space<hbm>> -> memref<40x128xf32, #tpu.memory_space<hbm>>
        tpu.wait_dma2 semaphore(%run_scoped3A : memref<!tpu.dma_semaphore, #tpu.memory_space<semaphore_mem>>) src(%arg15 : memref<40x128xf32, #tpu.memory_space<vmem>>) dst(%dma_wait3A_367 : memref<40x128xf32, #tpu.memory_space<hbm>>)
        tpu.yield
      }) : () -> ()
    } else {
    }
    %add3A_275 = arith.constant 80 : i32
    %add3A_276 = arith.addi %arg1, %add3A_275 : i32
    %lt3A_277 = arith.constant 250 : i32
    %lt3A_278 = arith.cmpi slt, %add3A_276, %lt3A_277 : i32
    %convert_element_type3A_279 = arith.extui %lt3A_278 : i1 to i32
    %cond3A_280 = arith.constant 0 : i32
    %cond3A_281 = arith.cmpi ne, %convert_element_type3A_279, %cond3A_280 : i32
    scf.if %cond3A_281 {
      %mul3A_352 = arith.constant 40 : i32
      %mul3A_353 = arith.muli %add3A_276, %mul3A_352 : i32
      "tpu.region"() ({
        %run_scoped3A = tpu.sem_alloc : memref<!tpu.dma_semaphore, #tpu.memory_space<semaphore_mem>>
        %dma_start3A_356 = arith.constant 0 : i32
        %dma_start3A_357 = tpu.memref_slice %arg21[%mul3A_353, %dma_start3A_356] : memref<10000x128xf32, #tpu.memory_space<vmem_shared>> -> memref<40x128xf32, #tpu.memory_space<vmem_shared>>
        %dma_start3A_358 = arith.constant 0 : i32
        %dma_start3A_359 = tpu.memref_slice %arg21[%mul3A_353, %dma_start3A_358] : memref<10000x128xf32, #tpu.memory_space<vmem_shared>> -> memref<40x128xf32, #tpu.memory_space<vmem_shared>>
        tpu.enqueue_dma source(%dma_start3A_359 : memref<40x128xf32, #tpu.memory_space<vmem_shared>>) target(%arg15 : memref<40x128xf32, #tpu.memory_space<vmem>>) target_semaphore(%run_scoped3A : memref<!tpu.dma_semaphore, #tpu.memory_space<semaphore_mem>>)
        %dma_wait3A_360 = arith.constant 0 : i32
        %dma_wait3A_361 = tpu.memref_slice %arg21[%mul3A_353, %dma_wait3A_360] : memref<10000x128xf32, #tpu.memory_space<vmem_shared>> -> memref<40x128xf32, #tpu.memory_space<vmem_shared>>
        %dma_wait3A_362 = arith.constant 0 : i32
        %dma_wait3A_363 = tpu.memref_slice %arg21[%mul3A_353, %dma_wait3A_362] : memref<10000x128xf32, #tpu.memory_space<vmem_shared>> -> memref<40x128xf32, #tpu.memory_space<vmem_shared>>
        tpu.wait_dma2 semaphore(%run_scoped3A : memref<!tpu.dma_semaphore, #tpu.memory_space<semaphore_mem>>) src(%dma_wait3A_363 : memref<40x128xf32, #tpu.memory_space<vmem_shared>>) dst(%arg15 : memref<40x128xf32, #tpu.memory_space<vmem>>)
        tpu.yield
      }) : () -> ()
      %mul3A_354 = arith.constant 40 : i32
      %mul3A_355 = arith.muli %add3A_276, %mul3A_354 : i32
      "tpu.region"() ({
        %run_scoped3A = tpu.sem_alloc : memref<!tpu.dma_semaphore, #tpu.memory_space<semaphore_mem>>
        %dma_start3A_356 = arith.constant 0 : i32
        %dma_start3A_357 = tpu.memref_slice %arg6[%arg0, %mul3A_355, %dma_start3A_356] : memref<2x10000x128xf32, #tpu.memory_space<hbm>> -> memref<1x40x128xf32, #tpu.memory_space<hbm>>
        %dma_start3A_358 = tpu.memref_squeeze %dma_start3A_357 : memref<1x40x128xf32, #tpu.memory_space<hbm>> -> memref<40x128xf32, #tpu.memory_space<hbm>>
        %dma_start3A_359 = arith.constant 0 : i32
        %dma_start3A_360 = tpu.memref_slice %arg6[%arg0, %mul3A_355, %dma_start3A_359] : memref<2x10000x128xf32, #tpu.memory_space<hbm>> -> memref<1x40x128xf32, #tpu.memory_space<hbm>>
        %dma_start3A_361 = tpu.memref_squeeze %dma_start3A_360 : memref<1x40x128xf32, #tpu.memory_space<hbm>> -> memref<40x128xf32, #tpu.memory_space<hbm>>
        tpu.enqueue_dma source(%arg15 : memref<40x128xf32, #tpu.memory_space<vmem>>) target(%dma_start3A_361 : memref<40x128xf32, #tpu.memory_space<hbm>>) target_semaphore(%run_scoped3A : memref<!tpu.dma_semaphore, #tpu.memory_space<semaphore_mem>>)
        %dma_wait3A_362 = arith.constant 0 : i32
        %dma_wait3A_363 = tpu.memref_slice %arg6[%arg0, %mul3A_355, %dma_wait3A_362] : memref<2x10000x128xf32, #tpu.memory_space<hbm>> -> memref<1x40x128xf32, #tpu.memory_space<hbm>>
        %dma_wait3A_364 = tpu.memref_squeeze %dma_wait3A_363 : memref<1x40x128xf32, #tpu.memory_space<hbm>> -> memref<40x128xf32, #tpu.memory_space<hbm>>
        %dma_wait3A_365 = arith.constant 0 : i32
        %dma_wait3A_366 = tpu.memref_slice %arg6[%arg0, %mul3A_355, %dma_wait3A_365] : memref<2x10000x128xf32, #tpu.memory_space<hbm>> -> memref<1x40x128xf32, #tpu.memory_space<hbm>>
        %dma_wait3A_367 = tpu.memref_squeeze %dma_wait3A_366 : memref<1x40x128xf32, #tpu.memory_space<hbm>> -> memref<40x128xf32, #tpu.memory_space<hbm>>
        tpu.wait_dma2 semaphore(%run_scoped3A : memref<!tpu.dma_semaphore, #tpu.memory_space<semaphore_mem>>) src(%arg15 : memref<40x128xf32, #tpu.memory_space<vmem>>) dst(%dma_wait3A_367 : memref<40x128xf32, #tpu.memory_space<hbm>>)
        tpu.yield
      }) : () -> ()
    } else {
    }
    %add3A_282 = arith.constant 96 : i32
    %add3A_283 = arith.addi %arg1, %add3A_282 : i32
    %lt3A_284 = arith.constant 250 : i32
    %lt3A_285 = arith.cmpi slt, %add3A_283, %lt3A_284 : i32
    %convert_element_type3A_286 = arith.extui %lt3A_285 : i1 to i32
    %cond3A_287 = arith.constant 0 : i32
    %cond3A_288 = arith.cmpi ne, %convert_element_type3A_286, %cond3A_287 : i32
    scf.if %cond3A_288 {
      %mul3A_352 = arith.constant 40 : i32
      %mul3A_353 = arith.muli %add3A_283, %mul3A_352 : i32
      "tpu.region"() ({
        %run_scoped3A = tpu.sem_alloc : memref<!tpu.dma_semaphore, #tpu.memory_space<semaphore_mem>>
        %dma_start3A_356 = arith.constant 0 : i32
        %dma_start3A_357 = tpu.memref_slice %arg21[%mul3A_353, %dma_start3A_356] : memref<10000x128xf32, #tpu.memory_space<vmem_shared>> -> memref<40x128xf32, #tpu.memory_space<vmem_shared>>
        %dma_start3A_358 = arith.constant 0 : i32
        %dma_start3A_359 = tpu.memref_slice %arg21[%mul3A_353, %dma_start3A_358] : memref<10000x128xf32, #tpu.memory_space<vmem_shared>> -> memref<40x128xf32, #tpu.memory_space<vmem_shared>>
        tpu.enqueue_dma source(%dma_start3A_359 : memref<40x128xf32, #tpu.memory_space<vmem_shared>>) target(%arg15 : memref<40x128xf32, #tpu.memory_space<vmem>>) target_semaphore(%run_scoped3A : memref<!tpu.dma_semaphore, #tpu.memory_space<semaphore_mem>>)
        %dma_wait3A_360 = arith.constant 0 : i32
        %dma_wait3A_361 = tpu.memref_slice %arg21[%mul3A_353, %dma_wait3A_360] : memref<10000x128xf32, #tpu.memory_space<vmem_shared>> -> memref<40x128xf32, #tpu.memory_space<vmem_shared>>
        %dma_wait3A_362 = arith.constant 0 : i32
        %dma_wait3A_363 = tpu.memref_slice %arg21[%mul3A_353, %dma_wait3A_362] : memref<10000x128xf32, #tpu.memory_space<vmem_shared>> -> memref<40x128xf32, #tpu.memory_space<vmem_shared>>
        tpu.wait_dma2 semaphore(%run_scoped3A : memref<!tpu.dma_semaphore, #tpu.memory_space<semaphore_mem>>) src(%dma_wait3A_363 : memref<40x128xf32, #tpu.memory_space<vmem_shared>>) dst(%arg15 : memref<40x128xf32, #tpu.memory_space<vmem>>)
        tpu.yield
      }) : () -> ()
      %mul3A_354 = arith.constant 40 : i32
      %mul3A_355 = arith.muli %add3A_283, %mul3A_354 : i32
      "tpu.region"() ({
        %run_scoped3A = tpu.sem_alloc : memref<!tpu.dma_semaphore, #tpu.memory_space<semaphore_mem>>
        %dma_start3A_356 = arith.constant 0 : i32
        %dma_start3A_357 = tpu.memref_slice %arg6[%arg0, %mul3A_355, %dma_start3A_356] : memref<2x10000x128xf32, #tpu.memory_space<hbm>> -> memref<1x40x128xf32, #tpu.memory_space<hbm>>
        %dma_start3A_358 = tpu.memref_squeeze %dma_start3A_357 : memref<1x40x128xf32, #tpu.memory_space<hbm>> -> memref<40x128xf32, #tpu.memory_space<hbm>>
        %dma_start3A_359 = arith.constant 0 : i32
        %dma_start3A_360 = tpu.memref_slice %arg6[%arg0, %mul3A_355, %dma_start3A_359] : memref<2x10000x128xf32, #tpu.memory_space<hbm>> -> memref<1x40x128xf32, #tpu.memory_space<hbm>>
        %dma_start3A_361 = tpu.memref_squeeze %dma_start3A_360 : memref<1x40x128xf32, #tpu.memory_space<hbm>> -> memref<40x128xf32, #tpu.memory_space<hbm>>
        tpu.enqueue_dma source(%arg15 : memref<40x128xf32, #tpu.memory_space<vmem>>) target(%dma_start3A_361 : memref<40x128xf32, #tpu.memory_space<hbm>>) target_semaphore(%run_scoped3A : memref<!tpu.dma_semaphore, #tpu.memory_space<semaphore_mem>>)
        %dma_wait3A_362 = arith.constant 0 : i32
        %dma_wait3A_363 = tpu.memref_slice %arg6[%arg0, %mul3A_355, %dma_wait3A_362] : memref<2x10000x128xf32, #tpu.memory_space<hbm>> -> memref<1x40x128xf32, #tpu.memory_space<hbm>>
        %dma_wait3A_364 = tpu.memref_squeeze %dma_wait3A_363 : memref<1x40x128xf32, #tpu.memory_space<hbm>> -> memref<40x128xf32, #tpu.memory_space<hbm>>
        %dma_wait3A_365 = arith.constant 0 : i32
        %dma_wait3A_366 = tpu.memref_slice %arg6[%arg0, %mul3A_355, %dma_wait3A_365] : memref<2x10000x128xf32, #tpu.memory_space<hbm>> -> memref<1x40x128xf32, #tpu.memory_space<hbm>>
        %dma_wait3A_367 = tpu.memref_squeeze %dma_wait3A_366 : memref<1x40x128xf32, #tpu.memory_space<hbm>> -> memref<40x128xf32, #tpu.memory_space<hbm>>
        tpu.wait_dma2 semaphore(%run_scoped3A : memref<!tpu.dma_semaphore, #tpu.memory_space<semaphore_mem>>) src(%arg15 : memref<40x128xf32, #tpu.memory_space<vmem>>) dst(%dma_wait3A_367 : memref<40x128xf32, #tpu.memory_space<hbm>>)
        tpu.yield
      }) : () -> ()
    } else {
    }
    %add3A_289 = arith.constant 112 : i32
    %add3A_290 = arith.addi %arg1, %add3A_289 : i32
    %lt3A_291 = arith.constant 250 : i32
    %lt3A_292 = arith.cmpi slt, %add3A_290, %lt3A_291 : i32
    %convert_element_type3A_293 = arith.extui %lt3A_292 : i1 to i32
    %cond3A_294 = arith.constant 0 : i32
    %cond3A_295 = arith.cmpi ne, %convert_element_type3A_293, %cond3A_294 : i32
    scf.if %cond3A_295 {
      %mul3A_352 = arith.constant 40 : i32
      %mul3A_353 = arith.muli %add3A_290, %mul3A_352 : i32
      "tpu.region"() ({
        %run_scoped3A = tpu.sem_alloc : memref<!tpu.dma_semaphore, #tpu.memory_space<semaphore_mem>>
        %dma_start3A_356 = arith.constant 0 : i32
        %dma_start3A_357 = tpu.memref_slice %arg21[%mul3A_353, %dma_start3A_356] : memref<10000x128xf32, #tpu.memory_space<vmem_shared>> -> memref<40x128xf32, #tpu.memory_space<vmem_shared>>
        %dma_start3A_358 = arith.constant 0 : i32
        %dma_start3A_359 = tpu.memref_slice %arg21[%mul3A_353, %dma_start3A_358] : memref<10000x128xf32, #tpu.memory_space<vmem_shared>> -> memref<40x128xf32, #tpu.memory_space<vmem_shared>>
        tpu.enqueue_dma source(%dma_start3A_359 : memref<40x128xf32, #tpu.memory_space<vmem_shared>>) target(%arg15 : memref<40x128xf32, #tpu.memory_space<vmem>>) target_semaphore(%run_scoped3A : memref<!tpu.dma_semaphore, #tpu.memory_space<semaphore_mem>>)
        %dma_wait3A_360 = arith.constant 0 : i32
        %dma_wait3A_361 = tpu.memref_slice %arg21[%mul3A_353, %dma_wait3A_360] : memref<10000x128xf32, #tpu.memory_space<vmem_shared>> -> memref<40x128xf32, #tpu.memory_space<vmem_shared>>
        %dma_wait3A_362 = arith.constant 0 : i32
        %dma_wait3A_363 = tpu.memref_slice %arg21[%mul3A_353, %dma_wait3A_362] : memref<10000x128xf32, #tpu.memory_space<vmem_shared>> -> memref<40x128xf32, #tpu.memory_space<vmem_shared>>
        tpu.wait_dma2 semaphore(%run_scoped3A : memref<!tpu.dma_semaphore, #tpu.memory_space<semaphore_mem>>) src(%dma_wait3A_363 : memref<40x128xf32, #tpu.memory_space<vmem_shared>>) dst(%arg15 : memref<40x128xf32, #tpu.memory_space<vmem>>)
        tpu.yield
      }) : () -> ()
      %mul3A_354 = arith.constant 40 : i32
      %mul3A_355 = arith.muli %add3A_290, %mul3A_354 : i32
      "tpu.region"() ({
        %run_scoped3A = tpu.sem_alloc : memref<!tpu.dma_semaphore, #tpu.memory_space<semaphore_mem>>
        %dma_start3A_356 = arith.constant 0 : i32
        %dma_start3A_357 = tpu.memref_slice %arg6[%arg0, %mul3A_355, %dma_start3A_356] : memref<2x10000x128xf32, #tpu.memory_space<hbm>> -> memref<1x40x128xf32, #tpu.memory_space<hbm>>
        %dma_start3A_358 = tpu.memref_squeeze %dma_start3A_357 : memref<1x40x128xf32, #tpu.memory_space<hbm>> -> memref<40x128xf32, #tpu.memory_space<hbm>>
        %dma_start3A_359 = arith.constant 0 : i32
        %dma_start3A_360 = tpu.memref_slice %arg6[%arg0, %mul3A_355, %dma_start3A_359] : memref<2x10000x128xf32, #tpu.memory_space<hbm>> -> memref<1x40x128xf32, #tpu.memory_space<hbm>>
        %dma_start3A_361 = tpu.memref_squeeze %dma_start3A_360 : memref<1x40x128xf32, #tpu.memory_space<hbm>> -> memref<40x128xf32, #tpu.memory_space<hbm>>
        tpu.enqueue_dma source(%arg15 : memref<40x128xf32, #tpu.memory_space<vmem>>) target(%dma_start3A_361 : memref<40x128xf32, #tpu.memory_space<hbm>>) target_semaphore(%run_scoped3A : memref<!tpu.dma_semaphore, #tpu.memory_space<semaphore_mem>>)
        %dma_wait3A_362 = arith.constant 0 : i32
        %dma_wait3A_363 = tpu.memref_slice %arg6[%arg0, %mul3A_355, %dma_wait3A_362] : memref<2x10000x128xf32, #tpu.memory_space<hbm>> -> memref<1x40x128xf32, #tpu.memory_space<hbm>>
        %dma_wait3A_364 = tpu.memref_squeeze %dma_wait3A_363 : memref<1x40x128xf32, #tpu.memory_space<hbm>> -> memref<40x128xf32, #tpu.memory_space<hbm>>
        %dma_wait3A_365 = arith.constant 0 : i32
        %dma_wait3A_366 = tpu.memref_slice %arg6[%arg0, %mul3A_355, %dma_wait3A_365] : memref<2x10000x128xf32, #tpu.memory_space<hbm>> -> memref<1x40x128xf32, #tpu.memory_space<hbm>>
        %dma_wait3A_367 = tpu.memref_squeeze %dma_wait3A_366 : memref<1x40x128xf32, #tpu.memory_space<hbm>> -> memref<40x128xf32, #tpu.memory_space<hbm>>
        tpu.wait_dma2 semaphore(%run_scoped3A : memref<!tpu.dma_semaphore, #tpu.memory_space<semaphore_mem>>) src(%arg15 : memref<40x128xf32, #tpu.memory_space<vmem>>) dst(%dma_wait3A_367 : memref<40x128xf32, #tpu.memory_space<hbm>>)
        tpu.yield
      }) : () -> ()
    } else {
    }
    %add3A_296 = arith.constant 128 : i32
    %add3A_297 = arith.addi %arg1, %add3A_296 : i32
    %lt3A_298 = arith.constant 250 : i32
    %lt3A_299 = arith.cmpi slt, %add3A_297, %lt3A_298 : i32
    %convert_element_type3A_300 = arith.extui %lt3A_299 : i1 to i32
    %cond3A_301 = arith.constant 0 : i32
    %cond3A_302 = arith.cmpi ne, %convert_element_type3A_300, %cond3A_301 : i32
    scf.if %cond3A_302 {
      %mul3A_352 = arith.constant 40 : i32
      %mul3A_353 = arith.muli %add3A_297, %mul3A_352 : i32
      "tpu.region"() ({
        %run_scoped3A = tpu.sem_alloc : memref<!tpu.dma_semaphore, #tpu.memory_space<semaphore_mem>>
        %dma_start3A_356 = arith.constant 0 : i32
        %dma_start3A_357 = tpu.memref_slice %arg21[%mul3A_353, %dma_start3A_356] : memref<10000x128xf32, #tpu.memory_space<vmem_shared>> -> memref<40x128xf32, #tpu.memory_space<vmem_shared>>
        %dma_start3A_358 = arith.constant 0 : i32
        %dma_start3A_359 = tpu.memref_slice %arg21[%mul3A_353, %dma_start3A_358] : memref<10000x128xf32, #tpu.memory_space<vmem_shared>> -> memref<40x128xf32, #tpu.memory_space<vmem_shared>>
        tpu.enqueue_dma source(%dma_start3A_359 : memref<40x128xf32, #tpu.memory_space<vmem_shared>>) target(%arg15 : memref<40x128xf32, #tpu.memory_space<vmem>>) target_semaphore(%run_scoped3A : memref<!tpu.dma_semaphore, #tpu.memory_space<semaphore_mem>>)
        %dma_wait3A_360 = arith.constant 0 : i32
        %dma_wait3A_361 = tpu.memref_slice %arg21[%mul3A_353, %dma_wait3A_360] : memref<10000x128xf32, #tpu.memory_space<vmem_shared>> -> memref<40x128xf32, #tpu.memory_space<vmem_shared>>
        %dma_wait3A_362 = arith.constant 0 : i32
        %dma_wait3A_363 = tpu.memref_slice %arg21[%mul3A_353, %dma_wait3A_362] : memref<10000x128xf32, #tpu.memory_space<vmem_shared>> -> memref<40x128xf32, #tpu.memory_space<vmem_shared>>
        tpu.wait_dma2 semaphore(%run_scoped3A : memref<!tpu.dma_semaphore, #tpu.memory_space<semaphore_mem>>) src(%dma_wait3A_363 : memref<40x128xf32, #tpu.memory_space<vmem_shared>>) dst(%arg15 : memref<40x128xf32, #tpu.memory_space<vmem>>)
        tpu.yield
      }) : () -> ()
      %mul3A_354 = arith.constant 40 : i32
      %mul3A_355 = arith.muli %add3A_297, %mul3A_354 : i32
      "tpu.region"() ({
        %run_scoped3A = tpu.sem_alloc : memref<!tpu.dma_semaphore, #tpu.memory_space<semaphore_mem>>
        %dma_start3A_356 = arith.constant 0 : i32
        %dma_start3A_357 = tpu.memref_slice %arg6[%arg0, %mul3A_355, %dma_start3A_356] : memref<2x10000x128xf32, #tpu.memory_space<hbm>> -> memref<1x40x128xf32, #tpu.memory_space<hbm>>
        %dma_start3A_358 = tpu.memref_squeeze %dma_start3A_357 : memref<1x40x128xf32, #tpu.memory_space<hbm>> -> memref<40x128xf32, #tpu.memory_space<hbm>>
        %dma_start3A_359 = arith.constant 0 : i32
        %dma_start3A_360 = tpu.memref_slice %arg6[%arg0, %mul3A_355, %dma_start3A_359] : memref<2x10000x128xf32, #tpu.memory_space<hbm>> -> memref<1x40x128xf32, #tpu.memory_space<hbm>>
        %dma_start3A_361 = tpu.memref_squeeze %dma_start3A_360 : memref<1x40x128xf32, #tpu.memory_space<hbm>> -> memref<40x128xf32, #tpu.memory_space<hbm>>
        tpu.enqueue_dma source(%arg15 : memref<40x128xf32, #tpu.memory_space<vmem>>) target(%dma_start3A_361 : memref<40x128xf32, #tpu.memory_space<hbm>>) target_semaphore(%run_scoped3A : memref<!tpu.dma_semaphore, #tpu.memory_space<semaphore_mem>>)
        %dma_wait3A_362 = arith.constant 0 : i32
        %dma_wait3A_363 = tpu.memref_slice %arg6[%arg0, %mul3A_355, %dma_wait3A_362] : memref<2x10000x128xf32, #tpu.memory_space<hbm>> -> memref<1x40x128xf32, #tpu.memory_space<hbm>>
        %dma_wait3A_364 = tpu.memref_squeeze %dma_wait3A_363 : memref<1x40x128xf32, #tpu.memory_space<hbm>> -> memref<40x128xf32, #tpu.memory_space<hbm>>
        %dma_wait3A_365 = arith.constant 0 : i32
        %dma_wait3A_366 = tpu.memref_slice %arg6[%arg0, %mul3A_355, %dma_wait3A_365] : memref<2x10000x128xf32, #tpu.memory_space<hbm>> -> memref<1x40x128xf32, #tpu.memory_space<hbm>>
        %dma_wait3A_367 = tpu.memref_squeeze %dma_wait3A_366 : memref<1x40x128xf32, #tpu.memory_space<hbm>> -> memref<40x128xf32, #tpu.memory_space<hbm>>
        tpu.wait_dma2 semaphore(%run_scoped3A : memref<!tpu.dma_semaphore, #tpu.memory_space<semaphore_mem>>) src(%arg15 : memref<40x128xf32, #tpu.memory_space<vmem>>) dst(%dma_wait3A_367 : memref<40x128xf32, #tpu.memory_space<hbm>>)
        tpu.yield
      }) : () -> ()
    } else {
    }
    %add3A_303 = arith.constant 144 : i32
    %add3A_304 = arith.addi %arg1, %add3A_303 : i32
    %lt3A_305 = arith.constant 250 : i32
    %lt3A_306 = arith.cmpi slt, %add3A_304, %lt3A_305 : i32
    %convert_element_type3A_307 = arith.extui %lt3A_306 : i1 to i32
    %cond3A_308 = arith.constant 0 : i32
    %cond3A_309 = arith.cmpi ne, %convert_element_type3A_307, %cond3A_308 : i32
    scf.if %cond3A_309 {
      %mul3A_352 = arith.constant 40 : i32
      %mul3A_353 = arith.muli %add3A_304, %mul3A_352 : i32
      "tpu.region"() ({
        %run_scoped3A = tpu.sem_alloc : memref<!tpu.dma_semaphore, #tpu.memory_space<semaphore_mem>>
        %dma_start3A_356 = arith.constant 0 : i32
        %dma_start3A_357 = tpu.memref_slice %arg21[%mul3A_353, %dma_start3A_356] : memref<10000x128xf32, #tpu.memory_space<vmem_shared>> -> memref<40x128xf32, #tpu.memory_space<vmem_shared>>
        %dma_start3A_358 = arith.constant 0 : i32
        %dma_start3A_359 = tpu.memref_slice %arg21[%mul3A_353, %dma_start3A_358] : memref<10000x128xf32, #tpu.memory_space<vmem_shared>> -> memref<40x128xf32, #tpu.memory_space<vmem_shared>>
        tpu.enqueue_dma source(%dma_start3A_359 : memref<40x128xf32, #tpu.memory_space<vmem_shared>>) target(%arg15 : memref<40x128xf32, #tpu.memory_space<vmem>>) target_semaphore(%run_scoped3A : memref<!tpu.dma_semaphore, #tpu.memory_space<semaphore_mem>>)
        %dma_wait3A_360 = arith.constant 0 : i32
        %dma_wait3A_361 = tpu.memref_slice %arg21[%mul3A_353, %dma_wait3A_360] : memref<10000x128xf32, #tpu.memory_space<vmem_shared>> -> memref<40x128xf32, #tpu.memory_space<vmem_shared>>
        %dma_wait3A_362 = arith.constant 0 : i32
        %dma_wait3A_363 = tpu.memref_slice %arg21[%mul3A_353, %dma_wait3A_362] : memref<10000x128xf32, #tpu.memory_space<vmem_shared>> -> memref<40x128xf32, #tpu.memory_space<vmem_shared>>
        tpu.wait_dma2 semaphore(%run_scoped3A : memref<!tpu.dma_semaphore, #tpu.memory_space<semaphore_mem>>) src(%dma_wait3A_363 : memref<40x128xf32, #tpu.memory_space<vmem_shared>>) dst(%arg15 : memref<40x128xf32, #tpu.memory_space<vmem>>)
        tpu.yield
      }) : () -> ()
      %mul3A_354 = arith.constant 40 : i32
      %mul3A_355 = arith.muli %add3A_304, %mul3A_354 : i32
      "tpu.region"() ({
        %run_scoped3A = tpu.sem_alloc : memref<!tpu.dma_semaphore, #tpu.memory_space<semaphore_mem>>
        %dma_start3A_356 = arith.constant 0 : i32
        %dma_start3A_357 = tpu.memref_slice %arg6[%arg0, %mul3A_355, %dma_start3A_356] : memref<2x10000x128xf32, #tpu.memory_space<hbm>> -> memref<1x40x128xf32, #tpu.memory_space<hbm>>
        %dma_start3A_358 = tpu.memref_squeeze %dma_start3A_357 : memref<1x40x128xf32, #tpu.memory_space<hbm>> -> memref<40x128xf32, #tpu.memory_space<hbm>>
        %dma_start3A_359 = arith.constant 0 : i32
        %dma_start3A_360 = tpu.memref_slice %arg6[%arg0, %mul3A_355, %dma_start3A_359] : memref<2x10000x128xf32, #tpu.memory_space<hbm>> -> memref<1x40x128xf32, #tpu.memory_space<hbm>>
        %dma_start3A_361 = tpu.memref_squeeze %dma_start3A_360 : memref<1x40x128xf32, #tpu.memory_space<hbm>> -> memref<40x128xf32, #tpu.memory_space<hbm>>
        tpu.enqueue_dma source(%arg15 : memref<40x128xf32, #tpu.memory_space<vmem>>) target(%dma_start3A_361 : memref<40x128xf32, #tpu.memory_space<hbm>>) target_semaphore(%run_scoped3A : memref<!tpu.dma_semaphore, #tpu.memory_space<semaphore_mem>>)
        %dma_wait3A_362 = arith.constant 0 : i32
        %dma_wait3A_363 = tpu.memref_slice %arg6[%arg0, %mul3A_355, %dma_wait3A_362] : memref<2x10000x128xf32, #tpu.memory_space<hbm>> -> memref<1x40x128xf32, #tpu.memory_space<hbm>>
        %dma_wait3A_364 = tpu.memref_squeeze %dma_wait3A_363 : memref<1x40x128xf32, #tpu.memory_space<hbm>> -> memref<40x128xf32, #tpu.memory_space<hbm>>
        %dma_wait3A_365 = arith.constant 0 : i32
        %dma_wait3A_366 = tpu.memref_slice %arg6[%arg0, %mul3A_355, %dma_wait3A_365] : memref<2x10000x128xf32, #tpu.memory_space<hbm>> -> memref<1x40x128xf32, #tpu.memory_space<hbm>>
        %dma_wait3A_367 = tpu.memref_squeeze %dma_wait3A_366 : memref<1x40x128xf32, #tpu.memory_space<hbm>> -> memref<40x128xf32, #tpu.memory_space<hbm>>
        tpu.wait_dma2 semaphore(%run_scoped3A : memref<!tpu.dma_semaphore, #tpu.memory_space<semaphore_mem>>) src(%arg15 : memref<40x128xf32, #tpu.memory_space<vmem>>) dst(%dma_wait3A_367 : memref<40x128xf32, #tpu.memory_space<hbm>>)
        tpu.yield
      }) : () -> ()
    } else {
    }
    %add3A_310 = arith.constant 160 : i32
    %add3A_311 = arith.addi %arg1, %add3A_310 : i32
    %lt3A_312 = arith.constant 250 : i32
    %lt3A_313 = arith.cmpi slt, %add3A_311, %lt3A_312 : i32
    %convert_element_type3A_314 = arith.extui %lt3A_313 : i1 to i32
    %cond3A_315 = arith.constant 0 : i32
    %cond3A_316 = arith.cmpi ne, %convert_element_type3A_314, %cond3A_315 : i32
    scf.if %cond3A_316 {
      %mul3A_352 = arith.constant 40 : i32
      %mul3A_353 = arith.muli %add3A_311, %mul3A_352 : i32
      "tpu.region"() ({
        %run_scoped3A = tpu.sem_alloc : memref<!tpu.dma_semaphore, #tpu.memory_space<semaphore_mem>>
        %dma_start3A_356 = arith.constant 0 : i32
        %dma_start3A_357 = tpu.memref_slice %arg21[%mul3A_353, %dma_start3A_356] : memref<10000x128xf32, #tpu.memory_space<vmem_shared>> -> memref<40x128xf32, #tpu.memory_space<vmem_shared>>
        %dma_start3A_358 = arith.constant 0 : i32
        %dma_start3A_359 = tpu.memref_slice %arg21[%mul3A_353, %dma_start3A_358] : memref<10000x128xf32, #tpu.memory_space<vmem_shared>> -> memref<40x128xf32, #tpu.memory_space<vmem_shared>>
        tpu.enqueue_dma source(%dma_start3A_359 : memref<40x128xf32, #tpu.memory_space<vmem_shared>>) target(%arg15 : memref<40x128xf32, #tpu.memory_space<vmem>>) target_semaphore(%run_scoped3A : memref<!tpu.dma_semaphore, #tpu.memory_space<semaphore_mem>>)
        %dma_wait3A_360 = arith.constant 0 : i32
        %dma_wait3A_361 = tpu.memref_slice %arg21[%mul3A_353, %dma_wait3A_360] : memref<10000x128xf32, #tpu.memory_space<vmem_shared>> -> memref<40x128xf32, #tpu.memory_space<vmem_shared>>
        %dma_wait3A_362 = arith.constant 0 : i32
        %dma_wait3A_363 = tpu.memref_slice %arg21[%mul3A_353, %dma_wait3A_362] : memref<10000x128xf32, #tpu.memory_space<vmem_shared>> -> memref<40x128xf32, #tpu.memory_space<vmem_shared>>
        tpu.wait_dma2 semaphore(%run_scoped3A : memref<!tpu.dma_semaphore, #tpu.memory_space<semaphore_mem>>) src(%dma_wait3A_363 : memref<40x128xf32, #tpu.memory_space<vmem_shared>>) dst(%arg15 : memref<40x128xf32, #tpu.memory_space<vmem>>)
        tpu.yield
      }) : () -> ()
      %mul3A_354 = arith.constant 40 : i32
      %mul3A_355 = arith.muli %add3A_311, %mul3A_354 : i32
      "tpu.region"() ({
        %run_scoped3A = tpu.sem_alloc : memref<!tpu.dma_semaphore, #tpu.memory_space<semaphore_mem>>
        %dma_start3A_356 = arith.constant 0 : i32
        %dma_start3A_357 = tpu.memref_slice %arg6[%arg0, %mul3A_355, %dma_start3A_356] : memref<2x10000x128xf32, #tpu.memory_space<hbm>> -> memref<1x40x128xf32, #tpu.memory_space<hbm>>
        %dma_start3A_358 = tpu.memref_squeeze %dma_start3A_357 : memref<1x40x128xf32, #tpu.memory_space<hbm>> -> memref<40x128xf32, #tpu.memory_space<hbm>>
        %dma_start3A_359 = arith.constant 0 : i32
        %dma_start3A_360 = tpu.memref_slice %arg6[%arg0, %mul3A_355, %dma_start3A_359] : memref<2x10000x128xf32, #tpu.memory_space<hbm>> -> memref<1x40x128xf32, #tpu.memory_space<hbm>>
        %dma_start3A_361 = tpu.memref_squeeze %dma_start3A_360 : memref<1x40x128xf32, #tpu.memory_space<hbm>> -> memref<40x128xf32, #tpu.memory_space<hbm>>
        tpu.enqueue_dma source(%arg15 : memref<40x128xf32, #tpu.memory_space<vmem>>) target(%dma_start3A_361 : memref<40x128xf32, #tpu.memory_space<hbm>>) target_semaphore(%run_scoped3A : memref<!tpu.dma_semaphore, #tpu.memory_space<semaphore_mem>>)
        %dma_wait3A_362 = arith.constant 0 : i32
        %dma_wait3A_363 = tpu.memref_slice %arg6[%arg0, %mul3A_355, %dma_wait3A_362] : memref<2x10000x128xf32, #tpu.memory_space<hbm>> -> memref<1x40x128xf32, #tpu.memory_space<hbm>>
        %dma_wait3A_364 = tpu.memref_squeeze %dma_wait3A_363 : memref<1x40x128xf32, #tpu.memory_space<hbm>> -> memref<40x128xf32, #tpu.memory_space<hbm>>
        %dma_wait3A_365 = arith.constant 0 : i32
        %dma_wait3A_366 = tpu.memref_slice %arg6[%arg0, %mul3A_355, %dma_wait3A_365] : memref<2x10000x128xf32, #tpu.memory_space<hbm>> -> memref<1x40x128xf32, #tpu.memory_space<hbm>>
        %dma_wait3A_367 = tpu.memref_squeeze %dma_wait3A_366 : memref<1x40x128xf32, #tpu.memory_space<hbm>> -> memref<40x128xf32, #tpu.memory_space<hbm>>
        tpu.wait_dma2 semaphore(%run_scoped3A : memref<!tpu.dma_semaphore, #tpu.memory_space<semaphore_mem>>) src(%arg15 : memref<40x128xf32, #tpu.memory_space<vmem>>) dst(%dma_wait3A_367 : memref<40x128xf32, #tpu.memory_space<hbm>>)
        tpu.yield
      }) : () -> ()
    } else {
    }
    %add3A_317 = arith.constant 176 : i32
    %add3A_318 = arith.addi %arg1, %add3A_317 : i32
    %lt3A_319 = arith.constant 250 : i32
    %lt3A_320 = arith.cmpi slt, %add3A_318, %lt3A_319 : i32
    %convert_element_type3A_321 = arith.extui %lt3A_320 : i1 to i32
    %cond3A_322 = arith.constant 0 : i32
    %cond3A_323 = arith.cmpi ne, %convert_element_type3A_321, %cond3A_322 : i32
    scf.if %cond3A_323 {
      %mul3A_352 = arith.constant 40 : i32
      %mul3A_353 = arith.muli %add3A_318, %mul3A_352 : i32
      "tpu.region"() ({
        %run_scoped3A = tpu.sem_alloc : memref<!tpu.dma_semaphore, #tpu.memory_space<semaphore_mem>>
        %dma_start3A_356 = arith.constant 0 : i32
        %dma_start3A_357 = tpu.memref_slice %arg21[%mul3A_353, %dma_start3A_356] : memref<10000x128xf32, #tpu.memory_space<vmem_shared>> -> memref<40x128xf32, #tpu.memory_space<vmem_shared>>
        %dma_start3A_358 = arith.constant 0 : i32
        %dma_start3A_359 = tpu.memref_slice %arg21[%mul3A_353, %dma_start3A_358] : memref<10000x128xf32, #tpu.memory_space<vmem_shared>> -> memref<40x128xf32, #tpu.memory_space<vmem_shared>>
        tpu.enqueue_dma source(%dma_start3A_359 : memref<40x128xf32, #tpu.memory_space<vmem_shared>>) target(%arg15 : memref<40x128xf32, #tpu.memory_space<vmem>>) target_semaphore(%run_scoped3A : memref<!tpu.dma_semaphore, #tpu.memory_space<semaphore_mem>>)
        %dma_wait3A_360 = arith.constant 0 : i32
        %dma_wait3A_361 = tpu.memref_slice %arg21[%mul3A_353, %dma_wait3A_360] : memref<10000x128xf32, #tpu.memory_space<vmem_shared>> -> memref<40x128xf32, #tpu.memory_space<vmem_shared>>
        %dma_wait3A_362 = arith.constant 0 : i32
        %dma_wait3A_363 = tpu.memref_slice %arg21[%mul3A_353, %dma_wait3A_362] : memref<10000x128xf32, #tpu.memory_space<vmem_shared>> -> memref<40x128xf32, #tpu.memory_space<vmem_shared>>
        tpu.wait_dma2 semaphore(%run_scoped3A : memref<!tpu.dma_semaphore, #tpu.memory_space<semaphore_mem>>) src(%dma_wait3A_363 : memref<40x128xf32, #tpu.memory_space<vmem_shared>>) dst(%arg15 : memref<40x128xf32, #tpu.memory_space<vmem>>)
        tpu.yield
      }) : () -> ()
      %mul3A_354 = arith.constant 40 : i32
      %mul3A_355 = arith.muli %add3A_318, %mul3A_354 : i32
      "tpu.region"() ({
        %run_scoped3A = tpu.sem_alloc : memref<!tpu.dma_semaphore, #tpu.memory_space<semaphore_mem>>
        %dma_start3A_356 = arith.constant 0 : i32
        %dma_start3A_357 = tpu.memref_slice %arg6[%arg0, %mul3A_355, %dma_start3A_356] : memref<2x10000x128xf32, #tpu.memory_space<hbm>> -> memref<1x40x128xf32, #tpu.memory_space<hbm>>
        %dma_start3A_358 = tpu.memref_squeeze %dma_start3A_357 : memref<1x40x128xf32, #tpu.memory_space<hbm>> -> memref<40x128xf32, #tpu.memory_space<hbm>>
        %dma_start3A_359 = arith.constant 0 : i32
        %dma_start3A_360 = tpu.memref_slice %arg6[%arg0, %mul3A_355, %dma_start3A_359] : memref<2x10000x128xf32, #tpu.memory_space<hbm>> -> memref<1x40x128xf32, #tpu.memory_space<hbm>>
        %dma_start3A_361 = tpu.memref_squeeze %dma_start3A_360 : memref<1x40x128xf32, #tpu.memory_space<hbm>> -> memref<40x128xf32, #tpu.memory_space<hbm>>
        tpu.enqueue_dma source(%arg15 : memref<40x128xf32, #tpu.memory_space<vmem>>) target(%dma_start3A_361 : memref<40x128xf32, #tpu.memory_space<hbm>>) target_semaphore(%run_scoped3A : memref<!tpu.dma_semaphore, #tpu.memory_space<semaphore_mem>>)
        %dma_wait3A_362 = arith.constant 0 : i32
        %dma_wait3A_363 = tpu.memref_slice %arg6[%arg0, %mul3A_355, %dma_wait3A_362] : memref<2x10000x128xf32, #tpu.memory_space<hbm>> -> memref<1x40x128xf32, #tpu.memory_space<hbm>>
        %dma_wait3A_364 = tpu.memref_squeeze %dma_wait3A_363 : memref<1x40x128xf32, #tpu.memory_space<hbm>> -> memref<40x128xf32, #tpu.memory_space<hbm>>
        %dma_wait3A_365 = arith.constant 0 : i32
        %dma_wait3A_366 = tpu.memref_slice %arg6[%arg0, %mul3A_355, %dma_wait3A_365] : memref<2x10000x128xf32, #tpu.memory_space<hbm>> -> memref<1x40x128xf32, #tpu.memory_space<hbm>>
        %dma_wait3A_367 = tpu.memref_squeeze %dma_wait3A_366 : memref<1x40x128xf32, #tpu.memory_space<hbm>> -> memref<40x128xf32, #tpu.memory_space<hbm>>
        tpu.wait_dma2 semaphore(%run_scoped3A : memref<!tpu.dma_semaphore, #tpu.memory_space<semaphore_mem>>) src(%arg15 : memref<40x128xf32, #tpu.memory_space<vmem>>) dst(%dma_wait3A_367 : memref<40x128xf32, #tpu.memory_space<hbm>>)
        tpu.yield
      }) : () -> ()
    } else {
    }
    %add3A_324 = arith.constant 192 : i32
    %add3A_325 = arith.addi %arg1, %add3A_324 : i32
    %lt3A_326 = arith.constant 250 : i32
    %lt3A_327 = arith.cmpi slt, %add3A_325, %lt3A_326 : i32
    %convert_element_type3A_328 = arith.extui %lt3A_327 : i1 to i32
    %cond3A_329 = arith.constant 0 : i32
    %cond3A_330 = arith.cmpi ne, %convert_element_type3A_328, %cond3A_329 : i32
    scf.if %cond3A_330 {
      %mul3A_352 = arith.constant 40 : i32
      %mul3A_353 = arith.muli %add3A_325, %mul3A_352 : i32
      "tpu.region"() ({
        %run_scoped3A = tpu.sem_alloc : memref<!tpu.dma_semaphore, #tpu.memory_space<semaphore_mem>>
        %dma_start3A_356 = arith.constant 0 : i32
        %dma_start3A_357 = tpu.memref_slice %arg21[%mul3A_353, %dma_start3A_356] : memref<10000x128xf32, #tpu.memory_space<vmem_shared>> -> memref<40x128xf32, #tpu.memory_space<vmem_shared>>
        %dma_start3A_358 = arith.constant 0 : i32
        %dma_start3A_359 = tpu.memref_slice %arg21[%mul3A_353, %dma_start3A_358] : memref<10000x128xf32, #tpu.memory_space<vmem_shared>> -> memref<40x128xf32, #tpu.memory_space<vmem_shared>>
        tpu.enqueue_dma source(%dma_start3A_359 : memref<40x128xf32, #tpu.memory_space<vmem_shared>>) target(%arg15 : memref<40x128xf32, #tpu.memory_space<vmem>>) target_semaphore(%run_scoped3A : memref<!tpu.dma_semaphore, #tpu.memory_space<semaphore_mem>>)
        %dma_wait3A_360 = arith.constant 0 : i32
        %dma_wait3A_361 = tpu.memref_slice %arg21[%mul3A_353, %dma_wait3A_360] : memref<10000x128xf32, #tpu.memory_space<vmem_shared>> -> memref<40x128xf32, #tpu.memory_space<vmem_shared>>
        %dma_wait3A_362 = arith.constant 0 : i32
        %dma_wait3A_363 = tpu.memref_slice %arg21[%mul3A_353, %dma_wait3A_362] : memref<10000x128xf32, #tpu.memory_space<vmem_shared>> -> memref<40x128xf32, #tpu.memory_space<vmem_shared>>
        tpu.wait_dma2 semaphore(%run_scoped3A : memref<!tpu.dma_semaphore, #tpu.memory_space<semaphore_mem>>) src(%dma_wait3A_363 : memref<40x128xf32, #tpu.memory_space<vmem_shared>>) dst(%arg15 : memref<40x128xf32, #tpu.memory_space<vmem>>)
        tpu.yield
      }) : () -> ()
      %mul3A_354 = arith.constant 40 : i32
      %mul3A_355 = arith.muli %add3A_325, %mul3A_354 : i32
      "tpu.region"() ({
        %run_scoped3A = tpu.sem_alloc : memref<!tpu.dma_semaphore, #tpu.memory_space<semaphore_mem>>
        %dma_start3A_356 = arith.constant 0 : i32
        %dma_start3A_357 = tpu.memref_slice %arg6[%arg0, %mul3A_355, %dma_start3A_356] : memref<2x10000x128xf32, #tpu.memory_space<hbm>> -> memref<1x40x128xf32, #tpu.memory_space<hbm>>
        %dma_start3A_358 = tpu.memref_squeeze %dma_start3A_357 : memref<1x40x128xf32, #tpu.memory_space<hbm>> -> memref<40x128xf32, #tpu.memory_space<hbm>>
        %dma_start3A_359 = arith.constant 0 : i32
        %dma_start3A_360 = tpu.memref_slice %arg6[%arg0, %mul3A_355, %dma_start3A_359] : memref<2x10000x128xf32, #tpu.memory_space<hbm>> -> memref<1x40x128xf32, #tpu.memory_space<hbm>>
        %dma_start3A_361 = tpu.memref_squeeze %dma_start3A_360 : memref<1x40x128xf32, #tpu.memory_space<hbm>> -> memref<40x128xf32, #tpu.memory_space<hbm>>
        tpu.enqueue_dma source(%arg15 : memref<40x128xf32, #tpu.memory_space<vmem>>) target(%dma_start3A_361 : memref<40x128xf32, #tpu.memory_space<hbm>>) target_semaphore(%run_scoped3A : memref<!tpu.dma_semaphore, #tpu.memory_space<semaphore_mem>>)
        %dma_wait3A_362 = arith.constant 0 : i32
        %dma_wait3A_363 = tpu.memref_slice %arg6[%arg0, %mul3A_355, %dma_wait3A_362] : memref<2x10000x128xf32, #tpu.memory_space<hbm>> -> memref<1x40x128xf32, #tpu.memory_space<hbm>>
        %dma_wait3A_364 = tpu.memref_squeeze %dma_wait3A_363 : memref<1x40x128xf32, #tpu.memory_space<hbm>> -> memref<40x128xf32, #tpu.memory_space<hbm>>
        %dma_wait3A_365 = arith.constant 0 : i32
        %dma_wait3A_366 = tpu.memref_slice %arg6[%arg0, %mul3A_355, %dma_wait3A_365] : memref<2x10000x128xf32, #tpu.memory_space<hbm>> -> memref<1x40x128xf32, #tpu.memory_space<hbm>>
        %dma_wait3A_367 = tpu.memref_squeeze %dma_wait3A_366 : memref<1x40x128xf32, #tpu.memory_space<hbm>> -> memref<40x128xf32, #tpu.memory_space<hbm>>
        tpu.wait_dma2 semaphore(%run_scoped3A : memref<!tpu.dma_semaphore, #tpu.memory_space<semaphore_mem>>) src(%arg15 : memref<40x128xf32, #tpu.memory_space<vmem>>) dst(%dma_wait3A_367 : memref<40x128xf32, #tpu.memory_space<hbm>>)
        tpu.yield
      }) : () -> ()
    } else {
    }
    %add3A_331 = arith.constant 208 : i32
    %add3A_332 = arith.addi %arg1, %add3A_331 : i32
    %lt3A_333 = arith.constant 250 : i32
    %lt3A_334 = arith.cmpi slt, %add3A_332, %lt3A_333 : i32
    %convert_element_type3A_335 = arith.extui %lt3A_334 : i1 to i32
    %cond3A_336 = arith.constant 0 : i32
    %cond3A_337 = arith.cmpi ne, %convert_element_type3A_335, %cond3A_336 : i32
    scf.if %cond3A_337 {
      %mul3A_352 = arith.constant 40 : i32
      %mul3A_353 = arith.muli %add3A_332, %mul3A_352 : i32
      "tpu.region"() ({
        %run_scoped3A = tpu.sem_alloc : memref<!tpu.dma_semaphore, #tpu.memory_space<semaphore_mem>>
        %dma_start3A_356 = arith.constant 0 : i32
        %dma_start3A_357 = tpu.memref_slice %arg21[%mul3A_353, %dma_start3A_356] : memref<10000x128xf32, #tpu.memory_space<vmem_shared>> -> memref<40x128xf32, #tpu.memory_space<vmem_shared>>
        %dma_start3A_358 = arith.constant 0 : i32
        %dma_start3A_359 = tpu.memref_slice %arg21[%mul3A_353, %dma_start3A_358] : memref<10000x128xf32, #tpu.memory_space<vmem_shared>> -> memref<40x128xf32, #tpu.memory_space<vmem_shared>>
        tpu.enqueue_dma source(%dma_start3A_359 : memref<40x128xf32, #tpu.memory_space<vmem_shared>>) target(%arg15 : memref<40x128xf32, #tpu.memory_space<vmem>>) target_semaphore(%run_scoped3A : memref<!tpu.dma_semaphore, #tpu.memory_space<semaphore_mem>>)
        %dma_wait3A_360 = arith.constant 0 : i32
        %dma_wait3A_361 = tpu.memref_slice %arg21[%mul3A_353, %dma_wait3A_360] : memref<10000x128xf32, #tpu.memory_space<vmem_shared>> -> memref<40x128xf32, #tpu.memory_space<vmem_shared>>
        %dma_wait3A_362 = arith.constant 0 : i32
        %dma_wait3A_363 = tpu.memref_slice %arg21[%mul3A_353, %dma_wait3A_362] : memref<10000x128xf32, #tpu.memory_space<vmem_shared>> -> memref<40x128xf32, #tpu.memory_space<vmem_shared>>
        tpu.wait_dma2 semaphore(%run_scoped3A : memref<!tpu.dma_semaphore, #tpu.memory_space<semaphore_mem>>) src(%dma_wait3A_363 : memref<40x128xf32, #tpu.memory_space<vmem_shared>>) dst(%arg15 : memref<40x128xf32, #tpu.memory_space<vmem>>)
        tpu.yield
      }) : () -> ()
      %mul3A_354 = arith.constant 40 : i32
      %mul3A_355 = arith.muli %add3A_332, %mul3A_354 : i32
      "tpu.region"() ({
        %run_scoped3A = tpu.sem_alloc : memref<!tpu.dma_semaphore, #tpu.memory_space<semaphore_mem>>
        %dma_start3A_356 = arith.constant 0 : i32
        %dma_start3A_357 = tpu.memref_slice %arg6[%arg0, %mul3A_355, %dma_start3A_356] : memref<2x10000x128xf32, #tpu.memory_space<hbm>> -> memref<1x40x128xf32, #tpu.memory_space<hbm>>
        %dma_start3A_358 = tpu.memref_squeeze %dma_start3A_357 : memref<1x40x128xf32, #tpu.memory_space<hbm>> -> memref<40x128xf32, #tpu.memory_space<hbm>>
        %dma_start3A_359 = arith.constant 0 : i32
        %dma_start3A_360 = tpu.memref_slice %arg6[%arg0, %mul3A_355, %dma_start3A_359] : memref<2x10000x128xf32, #tpu.memory_space<hbm>> -> memref<1x40x128xf32, #tpu.memory_space<hbm>>
        %dma_start3A_361 = tpu.memref_squeeze %dma_start3A_360 : memref<1x40x128xf32, #tpu.memory_space<hbm>> -> memref<40x128xf32, #tpu.memory_space<hbm>>
        tpu.enqueue_dma source(%arg15 : memref<40x128xf32, #tpu.memory_space<vmem>>) target(%dma_start3A_361 : memref<40x128xf32, #tpu.memory_space<hbm>>) target_semaphore(%run_scoped3A : memref<!tpu.dma_semaphore, #tpu.memory_space<semaphore_mem>>)
        %dma_wait3A_362 = arith.constant 0 : i32
        %dma_wait3A_363 = tpu.memref_slice %arg6[%arg0, %mul3A_355, %dma_wait3A_362] : memref<2x10000x128xf32, #tpu.memory_space<hbm>> -> memref<1x40x128xf32, #tpu.memory_space<hbm>>
        %dma_wait3A_364 = tpu.memref_squeeze %dma_wait3A_363 : memref<1x40x128xf32, #tpu.memory_space<hbm>> -> memref<40x128xf32, #tpu.memory_space<hbm>>
        %dma_wait3A_365 = arith.constant 0 : i32
        %dma_wait3A_366 = tpu.memref_slice %arg6[%arg0, %mul3A_355, %dma_wait3A_365] : memref<2x10000x128xf32, #tpu.memory_space<hbm>> -> memref<1x40x128xf32, #tpu.memory_space<hbm>>
        %dma_wait3A_367 = tpu.memref_squeeze %dma_wait3A_366 : memref<1x40x128xf32, #tpu.memory_space<hbm>> -> memref<40x128xf32, #tpu.memory_space<hbm>>
        tpu.wait_dma2 semaphore(%run_scoped3A : memref<!tpu.dma_semaphore, #tpu.memory_space<semaphore_mem>>) src(%arg15 : memref<40x128xf32, #tpu.memory_space<vmem>>) dst(%dma_wait3A_367 : memref<40x128xf32, #tpu.memory_space<hbm>>)
        tpu.yield
      }) : () -> ()
    } else {
    }
    %add3A_338 = arith.constant 224 : i32
    %add3A_339 = arith.addi %arg1, %add3A_338 : i32
    %lt3A_340 = arith.constant 250 : i32
    %lt3A_341 = arith.cmpi slt, %add3A_339, %lt3A_340 : i32
    %convert_element_type3A_342 = arith.extui %lt3A_341 : i1 to i32
    %cond3A_343 = arith.constant 0 : i32
    %cond3A_344 = arith.cmpi ne, %convert_element_type3A_342, %cond3A_343 : i32
    scf.if %cond3A_344 {
      %mul3A_352 = arith.constant 40 : i32
      %mul3A_353 = arith.muli %add3A_339, %mul3A_352 : i32
      "tpu.region"() ({
        %run_scoped3A = tpu.sem_alloc : memref<!tpu.dma_semaphore, #tpu.memory_space<semaphore_mem>>
        %dma_start3A_356 = arith.constant 0 : i32
        %dma_start3A_357 = tpu.memref_slice %arg21[%mul3A_353, %dma_start3A_356] : memref<10000x128xf32, #tpu.memory_space<vmem_shared>> -> memref<40x128xf32, #tpu.memory_space<vmem_shared>>
        %dma_start3A_358 = arith.constant 0 : i32
        %dma_start3A_359 = tpu.memref_slice %arg21[%mul3A_353, %dma_start3A_358] : memref<10000x128xf32, #tpu.memory_space<vmem_shared>> -> memref<40x128xf32, #tpu.memory_space<vmem_shared>>
        tpu.enqueue_dma source(%dma_start3A_359 : memref<40x128xf32, #tpu.memory_space<vmem_shared>>) target(%arg15 : memref<40x128xf32, #tpu.memory_space<vmem>>) target_semaphore(%run_scoped3A : memref<!tpu.dma_semaphore, #tpu.memory_space<semaphore_mem>>)
        %dma_wait3A_360 = arith.constant 0 : i32
        %dma_wait3A_361 = tpu.memref_slice %arg21[%mul3A_353, %dma_wait3A_360] : memref<10000x128xf32, #tpu.memory_space<vmem_shared>> -> memref<40x128xf32, #tpu.memory_space<vmem_shared>>
        %dma_wait3A_362 = arith.constant 0 : i32
        %dma_wait3A_363 = tpu.memref_slice %arg21[%mul3A_353, %dma_wait3A_362] : memref<10000x128xf32, #tpu.memory_space<vmem_shared>> -> memref<40x128xf32, #tpu.memory_space<vmem_shared>>
        tpu.wait_dma2 semaphore(%run_scoped3A : memref<!tpu.dma_semaphore, #tpu.memory_space<semaphore_mem>>) src(%dma_wait3A_363 : memref<40x128xf32, #tpu.memory_space<vmem_shared>>) dst(%arg15 : memref<40x128xf32, #tpu.memory_space<vmem>>)
        tpu.yield
      }) : () -> ()
      %mul3A_354 = arith.constant 40 : i32
      %mul3A_355 = arith.muli %add3A_339, %mul3A_354 : i32
      "tpu.region"() ({
        %run_scoped3A = tpu.sem_alloc : memref<!tpu.dma_semaphore, #tpu.memory_space<semaphore_mem>>
        %dma_start3A_356 = arith.constant 0 : i32
        %dma_start3A_357 = tpu.memref_slice %arg6[%arg0, %mul3A_355, %dma_start3A_356] : memref<2x10000x128xf32, #tpu.memory_space<hbm>> -> memref<1x40x128xf32, #tpu.memory_space<hbm>>
        %dma_start3A_358 = tpu.memref_squeeze %dma_start3A_357 : memref<1x40x128xf32, #tpu.memory_space<hbm>> -> memref<40x128xf32, #tpu.memory_space<hbm>>
        %dma_start3A_359 = arith.constant 0 : i32
        %dma_start3A_360 = tpu.memref_slice %arg6[%arg0, %mul3A_355, %dma_start3A_359] : memref<2x10000x128xf32, #tpu.memory_space<hbm>> -> memref<1x40x128xf32, #tpu.memory_space<hbm>>
        %dma_start3A_361 = tpu.memref_squeeze %dma_start3A_360 : memref<1x40x128xf32, #tpu.memory_space<hbm>> -> memref<40x128xf32, #tpu.memory_space<hbm>>
        tpu.enqueue_dma source(%arg15 : memref<40x128xf32, #tpu.memory_space<vmem>>) target(%dma_start3A_361 : memref<40x128xf32, #tpu.memory_space<hbm>>) target_semaphore(%run_scoped3A : memref<!tpu.dma_semaphore, #tpu.memory_space<semaphore_mem>>)
        %dma_wait3A_362 = arith.constant 0 : i32
        %dma_wait3A_363 = tpu.memref_slice %arg6[%arg0, %mul3A_355, %dma_wait3A_362] : memref<2x10000x128xf32, #tpu.memory_space<hbm>> -> memref<1x40x128xf32, #tpu.memory_space<hbm>>
        %dma_wait3A_364 = tpu.memref_squeeze %dma_wait3A_363 : memref<1x40x128xf32, #tpu.memory_space<hbm>> -> memref<40x128xf32, #tpu.memory_space<hbm>>
        %dma_wait3A_365 = arith.constant 0 : i32
        %dma_wait3A_366 = tpu.memref_slice %arg6[%arg0, %mul3A_355, %dma_wait3A_365] : memref<2x10000x128xf32, #tpu.memory_space<hbm>> -> memref<1x40x128xf32, #tpu.memory_space<hbm>>
        %dma_wait3A_367 = tpu.memref_squeeze %dma_wait3A_366 : memref<1x40x128xf32, #tpu.memory_space<hbm>> -> memref<40x128xf32, #tpu.memory_space<hbm>>
        tpu.wait_dma2 semaphore(%run_scoped3A : memref<!tpu.dma_semaphore, #tpu.memory_space<semaphore_mem>>) src(%arg15 : memref<40x128xf32, #tpu.memory_space<vmem>>) dst(%dma_wait3A_367 : memref<40x128xf32, #tpu.memory_space<hbm>>)
        tpu.yield
      }) : () -> ()
    } else {
    }
    %add3A_345 = arith.constant 240 : i32
    %add3A_346 = arith.addi %arg1, %add3A_345 : i32
    %lt3A_347 = arith.constant 250 : i32
    %lt3A_348 = arith.cmpi slt, %add3A_346, %lt3A_347 : i32
    %convert_element_type3A_349 = arith.extui %lt3A_348 : i1 to i32
    %cond3A_350 = arith.constant 0 : i32
    %cond3A_351 = arith.cmpi ne, %convert_element_type3A_349, %cond3A_350 : i32
    scf.if %cond3A_351 {
      %mul3A_352 = arith.constant 40 : i32
      %mul3A_353 = arith.muli %add3A_346, %mul3A_352 : i32
      "tpu.region"() ({
        %run_scoped3A = tpu.sem_alloc : memref<!tpu.dma_semaphore, #tpu.memory_space<semaphore_mem>>
        %dma_start3A_356 = arith.constant 0 : i32
        %dma_start3A_357 = tpu.memref_slice %arg21[%mul3A_353, %dma_start3A_356] : memref<10000x128xf32, #tpu.memory_space<vmem_shared>> -> memref<40x128xf32, #tpu.memory_space<vmem_shared>>
        %dma_start3A_358 = arith.constant 0 : i32
        %dma_start3A_359 = tpu.memref_slice %arg21[%mul3A_353, %dma_start3A_358] : memref<10000x128xf32, #tpu.memory_space<vmem_shared>> -> memref<40x128xf32, #tpu.memory_space<vmem_shared>>
        tpu.enqueue_dma source(%dma_start3A_359 : memref<40x128xf32, #tpu.memory_space<vmem_shared>>) target(%arg15 : memref<40x128xf32, #tpu.memory_space<vmem>>) target_semaphore(%run_scoped3A : memref<!tpu.dma_semaphore, #tpu.memory_space<semaphore_mem>>)
        %dma_wait3A_360 = arith.constant 0 : i32
        %dma_wait3A_361 = tpu.memref_slice %arg21[%mul3A_353, %dma_wait3A_360] : memref<10000x128xf32, #tpu.memory_space<vmem_shared>> -> memref<40x128xf32, #tpu.memory_space<vmem_shared>>
        %dma_wait3A_362 = arith.constant 0 : i32
        %dma_wait3A_363 = tpu.memref_slice %arg21[%mul3A_353, %dma_wait3A_362] : memref<10000x128xf32, #tpu.memory_space<vmem_shared>> -> memref<40x128xf32, #tpu.memory_space<vmem_shared>>
        tpu.wait_dma2 semaphore(%run_scoped3A : memref<!tpu.dma_semaphore, #tpu.memory_space<semaphore_mem>>) src(%dma_wait3A_363 : memref<40x128xf32, #tpu.memory_space<vmem_shared>>) dst(%arg15 : memref<40x128xf32, #tpu.memory_space<vmem>>)
        tpu.yield
      }) : () -> ()
      %mul3A_354 = arith.constant 40 : i32
      %mul3A_355 = arith.muli %add3A_346, %mul3A_354 : i32
      "tpu.region"() ({
        %run_scoped3A = tpu.sem_alloc : memref<!tpu.dma_semaphore, #tpu.memory_space<semaphore_mem>>
        %dma_start3A_356 = arith.constant 0 : i32
        %dma_start3A_357 = tpu.memref_slice %arg6[%arg0, %mul3A_355, %dma_start3A_356] : memref<2x10000x128xf32, #tpu.memory_space<hbm>> -> memref<1x40x128xf32, #tpu.memory_space<hbm>>
        %dma_start3A_358 = tpu.memref_squeeze %dma_start3A_357 : memref<1x40x128xf32, #tpu.memory_space<hbm>> -> memref<40x128xf32, #tpu.memory_space<hbm>>
        %dma_start3A_359 = arith.constant 0 : i32
        %dma_start3A_360 = tpu.memref_slice %arg6[%arg0, %mul3A_355, %dma_start3A_359] : memref<2x10000x128xf32, #tpu.memory_space<hbm>> -> memref<1x40x128xf32, #tpu.memory_space<hbm>>
        %dma_start3A_361 = tpu.memref_squeeze %dma_start3A_360 : memref<1x40x128xf32, #tpu.memory_space<hbm>> -> memref<40x128xf32, #tpu.memory_space<hbm>>
        tpu.enqueue_dma source(%arg15 : memref<40x128xf32, #tpu.memory_space<vmem>>) target(%dma_start3A_361 : memref<40x128xf32, #tpu.memory_space<hbm>>) target_semaphore(%run_scoped3A : memref<!tpu.dma_semaphore, #tpu.memory_space<semaphore_mem>>)
        %dma_wait3A_362 = arith.constant 0 : i32
        %dma_wait3A_363 = tpu.memref_slice %arg6[%arg0, %mul3A_355, %dma_wait3A_362] : memref<2x10000x128xf32, #tpu.memory_space<hbm>> -> memref<1x40x128xf32, #tpu.memory_space<hbm>>
        %dma_wait3A_364 = tpu.memref_squeeze %dma_wait3A_363 : memref<1x40x128xf32, #tpu.memory_space<hbm>> -> memref<40x128xf32, #tpu.memory_space<hbm>>
        %dma_wait3A_365 = arith.constant 0 : i32
        %dma_wait3A_366 = tpu.memref_slice %arg6[%arg0, %mul3A_355, %dma_wait3A_365] : memref<2x10000x128xf32, #tpu.memory_space<hbm>> -> memref<1x40x128xf32, #tpu.memory_space<hbm>>
        %dma_wait3A_367 = tpu.memref_squeeze %dma_wait3A_366 : memref<1x40x128xf32, #tpu.memory_space<hbm>> -> memref<40x128xf32, #tpu.memory_space<hbm>>
        tpu.wait_dma2 semaphore(%run_scoped3A : memref<!tpu.dma_semaphore, #tpu.memory_space<semaphore_mem>>) src(%arg15 : memref<40x128xf32, #tpu.memory_space<vmem>>) dst(%dma_wait3A_367 : memref<40x128xf32, #tpu.memory_space<hbm>>)
        tpu.yield
      }) : () -> ()
    } else {
    }
    return
  }
}

module attributes {stable_mosaic.version = 14 : i64} {
  func.func @_self_body(%arg0: i32, %arg1: memref<1000x128xf32, #tpu.memory_space<vmem>>, %arg2: memref<128x256xf32, #tpu.memory_space<vmem>>, %arg3: memref<1000x128xf32, #tpu.memory_space<vmem>>, %arg4: memref<1000x128xf32, #tpu.memory_space<vmem>>) attributes {dimension_semantics = [#tpu.dimension_semantics<arbitrary>], iteration_bounds = array<i64: 10>, scalar_prefetch = 0 : i64, scratch_operands = 0 : i64, tpu.core_type = #tpu.core_type<tc>, window_params = [{transform_indices = @transform_0, window_bounds = array<i64: 1000, 128>}, {pipeline_mode = #tpu.pipeline_mode<synchronous>, transform_indices = @transform_1, window_bounds = array<i64: 128, 256>}, {transform_indices = @transform_2, window_bounds = array<i64: 1000, 128>}, {transform_indices = @transform_3, window_bounds = array<i64: 1000, 128>}]} {
    %get3A = arith.constant 0 : index
    %get3A_0 = arith.constant 0 : index
    %get3A_1 = vector.load %arg1[%get3A, %get3A_0] : memref<1000x128xf32, #tpu.memory_space<vmem>>, vector<1000x128xf32>
    %get3A_2 = arith.constant 0 : index
    %get3A_3 = arith.constant 0 : index
    %get3A_4 = vector.load %arg2[%get3A_2, %get3A_3] : memref<128x256xf32, #tpu.memory_space<vmem>>, vector<128x256xf32>
    %dot_general3A = arith.constant dense<0.000000e+00> : vector<1000x256xf32>
    %dot_general3A_5 = tpu.matmul %get3A_1, %get3A_4, %dot_general3A {dimension_numbers = #tpu.dot_dimension_numbers<[1], [0], [0], [1], [0, 0, 1, 1], [], []>, transpose_lhs_hint = false} : vector<1000x128xf32>, vector<128x256xf32>, vector<1000x256xf32> -> vector<1000x256xf32>
    %slice3A = vector.extract_strided_slice %dot_general3A_5 {offsets = [0, 0], sizes = [1000, 128], strides = [1, 1]} : vector<1000x256xf32> to vector<1000x128xf32>
    %swap3A = arith.constant 0 : index
    %swap3A_6 = arith.constant 0 : index
    %swap3A_7 = vector.load %arg3[%swap3A, %swap3A_6] : memref<1000x128xf32, #tpu.memory_space<vmem>>, vector<1000x128xf32>
    tpu.vector_store %arg3[%swap3A, %swap3A_6], %slice3A {strides = array<i32>} : memref<1000x128xf32, #tpu.memory_space<vmem>>, vector<1000x128xf32>,
    %slice3A_8 = vector.extract_strided_slice %dot_general3A_5 {offsets = [0, 128], sizes = [1000, 128], strides = [1, 1]} : vector<1000x256xf32> to vector<1000x128xf32>
    %swap3A_9 = arith.constant 0 : index
    %swap3A_10 = arith.constant 0 : index
    %swap3A_11 = vector.load %arg4[%swap3A_9, %swap3A_10] : memref<1000x128xf32, #tpu.memory_space<vmem>>, vector<1000x128xf32>
    tpu.vector_store %arg4[%swap3A_9, %swap3A_10], %slice3A_8 {strides = array<i32>} : memref<1000x128xf32, #tpu.memory_space<vmem>>, vector<1000x128xf32>,
    return
  }
  func.func @transform_0(%arg0: i32) -> (i32, i32) {
    %c0_i32 = arith.constant 0 : i32
    %c0_i32_0 = arith.constant 0 : i32
    return %arg0, %c0_i32 : i32, i32
  }
  func.func @transform_1(%arg0: i32) -> (i32, i32) {
    %c0_i32 = arith.constant 0 : i32
    %c0_i32_0 = arith.constant 0 : i32
    %c0_i32_1 = arith.constant 0 : i32
    return %c0_i32, %c0_i32_0 : i32, i32
  }
  func.func @transform_2(%arg0: i32) -> (i32, i32) {
    %c0_i32 = arith.constant 0 : i32
    %c0_i32_0 = arith.constant 0 : i32
    return %arg0, %c0_i32 : i32, i32
  }
  func.func @transform_3(%arg0: i32) -> (i32, i32) {
    %c0_i32 = arith.constant 0 : i32
    %c0_i32_0 = arith.constant 0 : i32
    return %arg0, %c0_i32 : i32, i32
  }
}

module attributes {stable_mosaic.version = 14 : i64} {
  func.func @_mix_body(%arg0: i32, %arg1: memref<6400x16xf32, #tpu.memory_space<vmem>>, %arg2: memref<6400x16xf32, #tpu.memory_space<vmem>>, %arg3: memref<16x16xf32, #tpu.memory_space<vmem>>, %arg4: memref<16x16xf32, #tpu.memory_space<vmem>>, %arg5: memref<16x256xbf16, #tpu.memory_space<vmem>>, %arg6: memref<16x256xbf16, #tpu.memory_space<vmem>>, %arg7: memref<256x128xbf16, #tpu.memory_space<vmem>>, %arg8: memref<6400x128xf32, #tpu.memory_space<vmem>>) attributes {dimension_semantics = [#tpu.dimension_semantics<arbitrary>], iteration_bounds = array<i64: 50>, scalar_prefetch = 0 : i64, scratch_operands = 0 : i64, tpu.core_type = #tpu.core_type<tc>, window_params = [{transform_indices = @transform_0, window_bounds = array<i64: 6400, 16>}, {transform_indices = @transform_1, window_bounds = array<i64: 6400, 16>}, {pipeline_mode = #tpu.pipeline_mode<synchronous>, transform_indices = @transform_2, window_bounds = array<i64: 16, 16>}, {pipeline_mode = #tpu.pipeline_mode<synchronous>, transform_indices = @transform_3, window_bounds = array<i64: 16, 16>}, {pipeline_mode = #tpu.pipeline_mode<synchronous>, transform_indices = @transform_4, window_bounds = array<i64: 16, 256>}, {pipeline_mode = #tpu.pipeline_mode<synchronous>, transform_indices = @transform_5, window_bounds = array<i64: 16, 256>}, {pipeline_mode = #tpu.pipeline_mode<synchronous>, transform_indices = @transform_6, window_bounds = array<i64: 256, 128>}, {transform_indices = @transform_7, window_bounds = array<i64: 6400, 128>}]} {
    %get3A = arith.constant 0 : index
    %get3A_0 = arith.constant 0 : index
    %get3A_1 = vector.load %arg1[%get3A, %get3A_0] : memref<6400x16xf32, #tpu.memory_space<vmem>>, vector<6400x16xf32>
    %get3A_2 = arith.constant 0 : index
    %get3A_3 = arith.constant 0 : index
    %get3A_4 = vector.load %arg3[%get3A_2, %get3A_3] : memref<16x16xf32, #tpu.memory_space<vmem>>, vector<16x16xf32>
    %dot_general3A = arith.constant dense<0.000000e+00> : vector<6400x16xf32>
    %dot_general3A_5 = tpu.matmul %get3A_1, %get3A_4, %dot_general3A {dimension_numbers = #tpu.dot_dimension_numbers<[1], [0], [0], [1], [0, 0, 1, 1], [], []>, transpose_lhs_hint = false} : vector<6400x16xf32>, vector<16x16xf32>, vector<6400x16xf32> -> vector<6400x16xf32>
    %integer_pow3A = arith.mulf %dot_general3A_5, %dot_general3A_5 : vector<6400x16xf32>
    %integer_pow3A_6 = arith.mulf %dot_general3A_5, %integer_pow3A : vector<6400x16xf32>
    %mul3A = arith.constant 4.471500e-02 : f32
    %mul3A_7 = vector.broadcast %mul3A : f32 to vector<6400x16xf32>
    %mul3A_8 = arith.mulf %mul3A_7, %integer_pow3A_6 : vector<6400x16xf32>
    %add3A = arith.addf %dot_general3A_5, %mul3A_8 : vector<6400x16xf32>
    %mul3A_9 = arith.constant 0.797884583 : f32
    %mul3A_10 = vector.broadcast %mul3A_9 : f32 to vector<6400x16xf32>
    %mul3A_11 = arith.mulf %mul3A_10, %add3A : vector<6400x16xf32>
    %tanh3A = math.tanh %mul3A_11 : vector<6400x16xf32>
    %add3A_12 = arith.constant 1.000000e+00 : f32
    %add3A_13 = vector.broadcast %add3A_12 : f32 to vector<6400x16xf32>
    %add3A_14 = arith.addf %add3A_13, %tanh3A : vector<6400x16xf32>
    %mul3A_15 = arith.constant 5.000000e-01 : f32
    %mul3A_16 = vector.broadcast %mul3A_15 : f32 to vector<6400x16xf32>
    %mul3A_17 = arith.mulf %mul3A_16, %add3A_14 : vector<6400x16xf32>
    %mul3A_18 = arith.mulf %dot_general3A_5, %mul3A_17 : vector<6400x16xf32>
    %get3A_19 = arith.constant 0 : index
    %get3A_20 = arith.constant 0 : index
    %get3A_21 = vector.load %arg4[%get3A_19, %get3A_20] : memref<16x16xf32, #tpu.memory_space<vmem>>, vector<16x16xf32>
    %dot_general3A_22 = arith.constant dense<0.000000e+00> : vector<6400x16xf32>
    %dot_general3A_23 = tpu.matmul %mul3A_18, %get3A_21, %dot_general3A_22 {dimension_numbers = #tpu.dot_dimension_numbers<[1], [0], [0], [1], [0, 0, 1, 1], [], []>, transpose_lhs_hint = false} : vector<6400x16xf32>, vector<16x16xf32>, vector<6400x16xf32> -> vector<6400x16xf32>
    %integer_pow3A_24 = arith.mulf %dot_general3A_23, %dot_general3A_23 : vector<6400x16xf32>
    %integer_pow3A_25 = arith.mulf %dot_general3A_23, %integer_pow3A_24 : vector<6400x16xf32>
    %mul3A_26 = arith.constant 4.471500e-02 : f32
    %mul3A_27 = vector.broadcast %mul3A_26 : f32 to vector<6400x16xf32>
    %mul3A_28 = arith.mulf %mul3A_27, %integer_pow3A_25 : vector<6400x16xf32>
    %add3A_29 = arith.addf %dot_general3A_23, %mul3A_28 : vector<6400x16xf32>
    %mul3A_30 = arith.constant 0.797884583 : f32
    %mul3A_31 = vector.broadcast %mul3A_30 : f32 to vector<6400x16xf32>
    %mul3A_32 = arith.mulf %mul3A_31, %add3A_29 : vector<6400x16xf32>
    %tanh3A_33 = math.tanh %mul3A_32 : vector<6400x16xf32>
    %add3A_34 = arith.constant 1.000000e+00 : f32
    %add3A_35 = vector.broadcast %add3A_34 : f32 to vector<6400x16xf32>
    %add3A_36 = arith.addf %add3A_35, %tanh3A_33 : vector<6400x16xf32>
    %mul3A_37 = arith.constant 5.000000e-01 : f32
    %mul3A_38 = vector.broadcast %mul3A_37 : f32 to vector<6400x16xf32>
    %mul3A_39 = arith.mulf %mul3A_38, %add3A_36 : vector<6400x16xf32>
    %mul3A_40 = arith.mulf %dot_general3A_23, %mul3A_39 : vector<6400x16xf32>
    %convert_element_type3A = arith.truncf %mul3A_40 : vector<6400x16xf32> to vector<6400x16xbf16>
    %get3A_41 = arith.constant 0 : index
    %get3A_42 = arith.constant 0 : index
    %get3A_43 = vector.load %arg5[%get3A_41, %get3A_42] : memref<16x256xbf16, #tpu.memory_space<vmem>>, vector<16x256xbf16>
    %dot_general3A_44 = arith.constant dense<0.000000e+00> : vector<6400x256xf32>
    %dot_general3A_45 = tpu.matmul %convert_element_type3A, %get3A_43, %dot_general3A_44 {dimension_numbers = #tpu.dot_dimension_numbers<[1], [0], [0], [1], [0, 0, 1, 1], [], []>, transpose_lhs_hint = false} : vector<6400x16xbf16>, vector<16x256xbf16>, vector<6400x256xf32> -> vector<6400x256xf32>
    %get3A_46 = arith.constant 0 : index
    %get3A_47 = arith.constant 0 : index
    %get3A_48 = vector.load %arg2[%get3A_46, %get3A_47] : memref<6400x16xf32, #tpu.memory_space<vmem>>, vector<6400x16xf32>
    %convert_element_type3A_49 = arith.truncf %get3A_48 : vector<6400x16xf32> to vector<6400x16xbf16>
    %get3A_50 = arith.constant 0 : index
    %get3A_51 = arith.constant 0 : index
    %get3A_52 = vector.load %arg6[%get3A_50, %get3A_51] : memref<16x256xbf16, #tpu.memory_space<vmem>>, vector<16x256xbf16>
    %dot_general3A_53 = arith.constant dense<0.000000e+00> : vector<6400x256xf32>
    %dot_general3A_54 = tpu.matmul %convert_element_type3A_49, %get3A_52, %dot_general3A_53 {dimension_numbers = #tpu.dot_dimension_numbers<[1], [0], [0], [1], [0, 0, 1, 1], [], []>, transpose_lhs_hint = false} : vector<6400x16xbf16>, vector<16x256xbf16>, vector<6400x256xf32> -> vector<6400x256xf32>
    %mul3A_55 = arith.mulf %dot_general3A_45, %dot_general3A_54 : vector<6400x256xf32>
    %convert_element_type3A_56 = arith.truncf %mul3A_55 : vector<6400x256xf32> to vector<6400x256xbf16>
    %get3A_57 = arith.constant 0 : index
    %get3A_58 = arith.constant 0 : index
    %get3A_59 = vector.load %arg7[%get3A_57, %get3A_58] : memref<256x128xbf16, #tpu.memory_space<vmem>>, vector<256x128xbf16>
    %dot_general3A_60 = arith.constant dense<0.000000e+00> : vector<6400x128xf32>
    %dot_general3A_61 = tpu.matmul %convert_element_type3A_56, %get3A_59, %dot_general3A_60 {dimension_numbers = #tpu.dot_dimension_numbers<[1], [0], [0], [1], [0, 0, 1, 1], [], []>, transpose_lhs_hint = false} : vector<6400x256xbf16>, vector<256x128xbf16>, vector<6400x128xf32> -> vector<6400x128xf32>
    %swap3A = arith.constant 0 : index
    %swap3A_62 = arith.constant 0 : index
    %swap3A_63 = vector.load %arg8[%swap3A, %swap3A_62] : memref<6400x128xf32, #tpu.memory_space<vmem>>, vector<6400x128xf32>
    tpu.vector_store %arg8[%swap3A, %swap3A_62], %dot_general3A_61 {strides = array<i32>} : memref<6400x128xf32, #tpu.memory_space<vmem>>, vector<6400x128xf32>,
    return
  }
  func.func @transform_0(%arg0: i32) -> (i32, i32) {
    %c0_i32 = arith.constant 0 : i32
    %c0_i32_0 = arith.constant 0 : i32
    return %arg0, %c0_i32 : i32, i32
  }
  func.func @transform_1(%arg0: i32) -> (i32, i32) {
    %c0_i32 = arith.constant 0 : i32
    %c0_i32_0 = arith.constant 0 : i32
    return %arg0, %c0_i32 : i32, i32
  }
  func.func @transform_2(%arg0: i32) -> (i32, i32) {
    %c0_i32 = arith.constant 0 : i32
    %c0_i32_0 = arith.constant 0 : i32
    %c0_i32_1 = arith.constant 0 : i32
    return %c0_i32, %c0_i32_0 : i32, i32
  }
  func.func @transform_3(%arg0: i32) -> (i32, i32) {
    %c0_i32 = arith.constant 0 : i32
    %c0_i32_0 = arith.constant 0 : i32
    %c0_i32_1 = arith.constant 0 : i32
    return %c0_i32, %c0_i32_0 : i32, i32
  }
  func.func @transform_4(%arg0: i32) -> (i32, i32) {
    %c0_i32 = arith.constant 0 : i32
    %c0_i32_0 = arith.constant 0 : i32
    %c0_i32_1 = arith.constant 0 : i32
    return %c0_i32, %c0_i32_0 : i32, i32
  }
  func.func @transform_5(%arg0: i32) -> (i32, i32) {
    %c0_i32 = arith.constant 0 : i32
    %c0_i32_0 = arith.constant 0 : i32
    %c0_i32_1 = arith.constant 0 : i32
    return %c0_i32, %c0_i32_0 : i32, i32
  }
  func.func @transform_6(%arg0: i32) -> (i32, i32) {
    %c0_i32 = arith.constant 0 : i32
    %c0_i32_0 = arith.constant 0 : i32
    %c0_i32_1 = arith.constant 0 : i32
    return %c0_i32, %c0_i32_0 : i32, i32
  }
  func.func @transform_7(%arg0: i32) -> (i32, i32) {
    %c0_i32 = arith.constant 0 : i32
    %c0_i32_0 = arith.constant 0 : i32
    return %arg0, %c0_i32 : i32, i32
  }
}

module attributes {stable_mosaic.version = 14 : i64} {
  func.func @_post_body(%arg0: i32, %arg1: memref<1000x128xf32, #tpu.memory_space<vmem>>, %arg2: memref<1000x128xf32, #tpu.memory_space<vmem>>, %arg3: memref<1000x128xf32, #tpu.memory_space<vmem>>, %arg4: memref<128x128xf32, #tpu.memory_space<vmem>>, %arg5: memref<1000x128xf32, #tpu.memory_space<vmem>>) attributes {dimension_semantics = [#tpu.dimension_semantics<arbitrary>], iteration_bounds = array<i64: 10>, scalar_prefetch = 0 : i64, scratch_operands = 0 : i64, tpu.core_type = #tpu.core_type<tc>, window_params = [{transform_indices = @transform_0, window_bounds = array<i64: 1000, 128>}, {transform_indices = @transform_1, window_bounds = array<i64: 1000, 128>}, {transform_indices = @transform_2, window_bounds = array<i64: 1000, 128>}, {pipeline_mode = #tpu.pipeline_mode<synchronous>, transform_indices = @transform_3, window_bounds = array<i64: 128, 128>}, {transform_indices = @transform_4, window_bounds = array<i64: 1000, 128>}]} {
    %get3A = arith.constant 0 : index
    %get3A_0 = arith.constant 0 : index
    %get3A_1 = vector.load %arg2[%get3A, %get3A_0] : memref<1000x128xf32, #tpu.memory_space<vmem>>, vector<1000x128xf32>
    %get3A_2 = arith.constant 0 : index
    %get3A_3 = arith.constant 0 : index
    %get3A_4 = vector.load %arg3[%get3A_2, %get3A_3] : memref<1000x128xf32, #tpu.memory_space<vmem>>, vector<1000x128xf32>
    %add3A = arith.addf %get3A_1, %get3A_4 : vector<1000x128xf32>
    %get3A_5 = arith.constant 0 : index
    %get3A_6 = arith.constant 0 : index
    %get3A_7 = vector.load %arg1[%get3A_5, %get3A_6] : memref<1000x128xf32, #tpu.memory_space<vmem>>, vector<1000x128xf32>
    %mul3A = arith.constant 0.923879504 : f32
    %mul3A_8 = vector.broadcast %mul3A : f32 to vector<1000x128xf32>
    %mul3A_9 = arith.mulf %mul3A_8, %get3A_7 : vector<1000x128xf32>
    %get3A_10 = arith.constant 0 : index
    %get3A_11 = arith.constant 0 : index
    %get3A_12 = vector.load %arg4[%get3A_10, %get3A_11] : memref<128x128xf32, #tpu.memory_space<vmem>>, vector<128x128xf32>
    %dot_general3A = arith.constant dense<0.000000e+00> : vector<1000x128xf32>
    %dot_general3A_13 = tpu.matmul %add3A, %get3A_12, %dot_general3A {dimension_numbers = #tpu.dot_dimension_numbers<[1], [0], [0], [1], [0, 0, 1, 1], [], []>, transpose_lhs_hint = false} : vector<1000x128xf32>, vector<128x128xf32>, vector<1000x128xf32> -> vector<1000x128xf32>
    %add3A_14 = arith.addf %mul3A_9, %dot_general3A_13 : vector<1000x128xf32>
    %swap3A = arith.constant 0 : index
    %swap3A_15 = arith.constant 0 : index
    %swap3A_16 = vector.load %arg5[%swap3A, %swap3A_15] : memref<1000x128xf32, #tpu.memory_space<vmem>>, vector<1000x128xf32>
    tpu.vector_store %arg5[%swap3A, %swap3A_15], %add3A_14 {strides = array<i32>} : memref<1000x128xf32, #tpu.memory_space<vmem>>, vector<1000x128xf32>,
    return
  }
  func.func @transform_0(%arg0: i32) -> (i32, i32) {
    %c0_i32 = arith.constant 0 : i32
    %c0_i32_0 = arith.constant 0 : i32
    return %arg0, %c0_i32 : i32, i32
  }
  func.func @transform_1(%arg0: i32) -> (i32, i32) {
    %c0_i32 = arith.constant 0 : i32
    %c0_i32_0 = arith.constant 0 : i32
    return %arg0, %c0_i32 : i32, i32
  }
  func.func @transform_2(%arg0: i32) -> (i32, i32) {
    %c0_i32 = arith.constant 0 : i32
    %c0_i32_0 = arith.constant 0 : i32
    return %arg0, %c0_i32 : i32, i32
  }
  func.func @transform_3(%arg0: i32) -> (i32, i32) {
    %c0_i32 = arith.constant 0 : i32
    %c0_i32_0 = arith.constant 0 : i32
    %c0_i32_1 = arith.constant 0 : i32
    return %c0_i32, %c0_i32_0 : i32, i32
  }
  func.func @transform_4(%arg0: i32) -> (i32, i32) {
    %c0_i32 = arith.constant 0 : i32
    %c0_i32_0 = arith.constant 0 : i32
    return %arg0, %c0_i32 : i32, i32
  }
}

</mosaic_0001>

<sc_bundles>
// kernel: kernel.6.cloned.1.call-start
scs
__scs_entry_jumppad:
0x0: {  	(pc) =	sbr.rel $0x88, $3  }
0x1: {  	(tag) =	ssettag $0x0;
	lr =	simm.s32 $0x1  }
0x2: {  	[smem:$0x3F97] =	sst lr;
	_ =	strace $0xD0000000  }
0x3: {  	_ = 	snop  }
0x4: {  	_ = 	snop  }
0x5: {  	_ = 	snop  }
0x6: {  	_ = 	snop  }
0x7: {  	_ = 	snop  }
__scs_overlays_trampoline_lowered:
0x8: {  	[smem:$0x3FA6] =	sst s0  }
0x9: {  	[smem:$0x3FA7] =	sst s1  }
0xa: {  	[smem:$0x3FA8] =	sst s2  }
0xb: {  	[smem:$0x3FA9] =	sst s3  }
0xc: {  	[smem:$0x3FAA] =	sst s4  }
0xd: {  	[smem:$0x3FAB] =	sst s5  }
0xe: {  	[smem:$0x3FAC] =	sst s6  }
0xf: {  	[smem:$0x3FAD] =	sst s7  }
0x10: {  	[smem:$0x3FAE] =	sst s8  }
0x11: {  	[smem:$0x3FAF] =	sst s9;
	s0 =	simm.s32 @!p0 $0x0  }
0x12: {  	s1 =	sld [smem:$0x3F95];
	s0 =	simm.s32 @p0 $0x1  }
0x13: {  	[smem:$0x3FB0] =	sst s0;
	s0 =	simm.s32 @!p1 $0x0  }
0x14: {  	s2 =	sld [smem:$0x3F94];
	s0 =	simm.s32 @p1 $0x1  }
0x15: {  	[smem:$0x3FB1] =	sst s0;
	s0 =	simm.s32 @!p2 $0x0  }
0x16: {  	s3 =	sld [smem:$0x3FDB];
	s0 =	simm.s32 @p2 $0x1  }
0x17: {  	s4 =	simm.s32 $0x1BF5;
	[smem:$0x3FB3] =	sst s0  }
0x18: {  	s0 =	sld [smem:$0x3F96];
	_ =	swait.ge [sflag:s4], $0x0  }
0x19: {  	s7 =	sld [smem:$0x3F97]  }
0x1a: {  	s8 =	sadd.s32 $0xFFFFE003, lr  }
0x1b: {  	s9 =	sadd.s32 $0xFFFFFEF7, lr;
	s5 =	simm.s32 $0xFFFFFFFF;
	p2 =	slt.u32 s8, $0xFFFFF086  }
0x1c: {  	p1 =	slt.u32 s9, $0xF7A;
	s5 =	simm.s32 @!p2 $0x0  }
0x1d: {  	s5 =	simm.s32 @p1 $0x1;
	p0 =	seq.s32 s7, s2  }
0x1e: {  	s7 =	smul.u32 @!p0 $0xF7A, s2;
	p2 =	seq.s32 @!p0 s5, $0x0  }
0x1f: {  	s9 =	smul.u32 $0xF7A, s1;
	s8 =	simm.s32 @!p0 $0x1BF5;
	p2 =	por !p2, p0  }
0x20: {  	[sflag:s8] =	ssyncset.s32 @!p0 $0xFFFFF086;
	s6 =	sadd.s32 @!p0 s3, s7;
	s7 =	simm.s32 @!p0 $0x108  }
0x21: {  	s3 =	sadd.s32 s3, s9;
	s6 =	sadd.s32 @!p0 $0x88, s6;
	s7 =	simm.s32 @p2 $0x1082  }
0x22: {  	[simem:s7], [sflag:s8] =	dma.local @!p0 [hbm:s6], $0xF7A  }
0x23: {  	s9 =	sor.u32 $0xD0000000, s2;
	s6 =	simm.s32 $0x108;
	_ =	swait.ge @!p0 [sflag:s8], $0x0  }
0x24: {  	s3 =	sadd.s32 $0x88, s3;
	s6 =	simm.s32 @!p1 $0x1082;
	[sflag:s4] =	ssyncset.s32 $0xFFFFF086  }
0x25: {  	[simem:s6], [sflag:s4] =	dma.local [hbm:s3], $0xF7A  }
0x26: {  	[smem:$0x3F97] =	sst s1;
	(tag) =	ssettag s2;
	_ =	strace s9  }
0x27: {  	s1 =	sld [smem:$0x3FA7]  }
0x28: {  	s2 =	sld [smem:$0x3FA8]  }
0x29: {  	s4 =	sld [smem:$0x3FAA]  }
0x2a: {  	p0 =	seq.s32 s5, $0x0;
	s5 =	sld [smem:$0x3FAB]  }
0x2b: {  	s6 =	sld [smem:$0x3FAC]  }
0x2c: {  	s7 =	sld [smem:$0x3FAD]  }
0x2d: {  	s3 =	simm.s32 $0x108;
	s8 =	sld [smem:$0x3FAE]  }
0x2e: {  	s3 =	simm.s32 @!p0 $0x1082;
	s9 =	sld [smem:$0x3FAF]  }
0x2f: {  	lr =	sadd.s32 s0, s3;
	s0 =	sld [smem:$0x3FA6]  }
0x30: {  	s3 =	sld [smem:$0x3FA9]  }
0x31: {  	[smem:$0x3FB2] =	sst s10  }
0x32: {  	s10 =	sld [smem:$0x3FB0];
	_ =	sdelay $0x3  }
0x33: {  	p0 =	seq.s32 s10, $0x1;
	s10 =	sld [smem:$0x3FB2];
	_ =	sdelay $0x3  }
0x34: {  	[smem:$0x3FB2] =	sst s10  }
0x35: {  	s10 =	sld [smem:$0x3FB1];
	_ =	sdelay $0x3  }
0x36: {  	p1 =	seq.s32 s10, $0x1;
	s10 =	sld [smem:$0x3FB2];
	_ =	sdelay $0x3  }
0x37: {  	[smem:$0x3FB2] =	sst s10  }
0x38: {  	s10 =	sld [smem:$0x3FB3]  }
0x39: {  	_ = 	snop;
	(pc) =	sbr.ind lr, $3  }
0x3a: {  	_ = 	snop  }
0x3b: {  	_ = 	snop  }
0x3c: {  	p2 =	seq.s32 s10, $0x1;
	s10 =	sld [smem:$0x3FB2]  }
0x3d: {  	_ =	shalt  }
0x3e: {  	_ =	shalt  }
0x3f: {  	_ =	shalt  }
0x40: {  	_ =	shalt  }
0x41: {  	_ =	shalt  }
0x42: {  	_ =	shalt  }
0x43: {  	_ =	shalt  }
0x44: {  	_ =	shalt  }
0x45: {  	_ =	shalt  }
0x46: {  	_ =	shalt  }
0x47: {  	_ =	shalt  }
0x48: {  	_ =	shalt  }
0x49: {  	_ =	shalt  }
0x4a: {  	_ =	shalt  }
0x4b: {  	_ =	shalt  }
0x4c: {  	_ =	shalt  }
0x4d: {  	_ =	shalt  }
0x4e: {  	_ =	shalt  }
0x4f: {  	_ =	shalt  }
0x50: {  	_ =	shalt  }
0x51: {  	_ =	shalt  }
0x52: {  	_ =	shalt  }
0x53: {  	_ =	shalt  }
0x54: {  	_ =	shalt  }
0x55: {  	_ =	shalt  }
0x56: {  	_ =	shalt  }
0x57: {  	_ =	shalt  }
0x58: {  	_ =	shalt  }
0x59: {  	_ =	shalt  }
0x5a: {  	_ =	shalt  }
0x5b: {  	_ =	shalt  }
0x5c: {  	_ =	shalt  }
0x5d: {  	_ =	shalt  }
0x5e: {  	_ =	shalt  }
0x5f: {  	_ =	shalt  }
0x60: {  	_ =	shalt  }
0x61: {  	_ =	shalt  }
0x62: {  	_ =	shalt  }
0x63: {  	_ =	shalt  }
0x64: {  	_ =	shalt  }
0x65: {  	_ =	shalt  }
0x66: {  	_ =	shalt  }
0x67: {  	_ =	shalt  }
0x68: {  	_ =	shalt  }
0x69: {  	_ =	shalt  }
0x6a: {  	_ =	shalt  }
0x6b: {  	_ =	shalt  }
0x6c: {  	_ =	shalt  }
0x6d: {  	_ =	shalt  }
0x6e: {  	_ =	shalt  }
0x6f: {  	_ =	shalt  }
0x70: {  	_ =	shalt  }
0x71: {  	_ =	shalt  }
0x72: {  	_ =	shalt  }
0x73: {  	_ =	shalt  }
0x74: {  	_ =	shalt  }
0x75: {  	_ =	shalt  }
0x76: {  	_ =	shalt  }
0x77: {  	_ =	shalt  }
0x78: {  	_ =	shalt  }
0x79: {  	_ =	shalt  }
0x7a: {  	_ =	shalt  }
0x7b: {  	_ =	shalt  }
0x7c: {  	_ =	shalt  }
0x7d: {  	_ =	shalt  }
0x7e: {  	_ =	shalt  }
0x7f: {  	_ =	shalt  }
0x80: {  	_ =	shalt  }
0x81: {  	_ =	shalt  }
0x82: {  	_ =	shalt  }
0x83: {  	_ =	shalt  }
0x84: {  	_ =	shalt  }
0x85: {  	_ =	shalt  }
0x86: {  	_ =	shalt  }
0x87: {  	_ =	shalt  }
.Lfunc_end0:
.L_simem_size_0:
called_computation_lowered:
.L_overlay_start_0:
0x88: {  	s2 =	sld [smem:$0x3FD9]  }
0x89: {  	s3 =	sld [smem:$0x3FFE];
	_ =	sdelay $0x1  }
0x8a: {  	s1 =	srdreg.scid  }
0x8b: {  	s0 =	sand.u32 $0x1, s1  }
0x8c: {  	s16 =	sshll.u32 s0, $0xA;
	s2 =	sadd.s32 s3, s2  }
0x8d: {  	s2 =	sadd.s32 s2, s16  }
0x8e: {  	[smem:$0x3FBE] =	sst s2  }
0x8f: {  	_ = 	snop  }
0x90: {  	(tm) =	ssettm $0x1  }
0x91: {  	s17 =	sld [smem:$0x3FFB];
	_ =	sdelay $0x3  }
0x92: {  	_ =	strace s17  }
0x93: {  	s2 =	sld [smem:$0x3FFC];
	_ =	sdelay $0x3  }
0x94: {  	_ =	strace s2  }
0x95: {  	s2 =	sld [smem:$0x3FFD];
	_ =	sdelay $0x3  }
0x96: {  	_ =	strace s2  }
0x97: {  	_ =	strace $0x8FFFFFFF  }
0x98: {  	s18 =	sld [smem:$0x3FDB];
	_ =	sdelay $0x1  }
0x99: {  	s19 =	simm.s32 $_scs_section_size  }
0x9a: {  	s4 =	simm.s32 $_size__tile_overlayer_lowered;
	s5 =	simm.s32 $_tile_overlayer_lowered  }
0x9b: {  	s22 =	simm.s32 $0x1BFF;
	s21 =	sshll.u32 s5, $0x1;
	s2 =	sadd.s32 s19, s18  }
0x9c: {  	s6 =	simm.s32 $0x0;
	s20 =	sshll.u32 s4, $0x1;
	s4 =	sadd.s32 s21, s2  }
0x9d: {  	[timem:s6], [sflag:s22] =	dma.local [hbm:s4], s20  }
0x9e: {  	_ =	swait.ge [sflag:s22], s20  }
0x9f: {  	s3 =	ssub.s32 $0x0, s20;
	[sflag:s22] =	ssyncset.done $0x0  }
0xa0: {  	[sflag:s22] =	ssyncadd.s32 s3;
	_ =	sdelay $0x1  }
0xa1: {  	s23 =	simm.s32 $0x1B8B  }
0xa2: {  	_ =	swait.ge [sflag:s23], $0x1  }
0xa3: {  	[sflag:s23] =	ssyncset.done $0x0  }
0xa4: {  	s25 =	simm.s32 $0x1B8E;
	s24 =	sld [smem:$0x3FFE];
	[sflag:s23] =	ssyncadd.s32 $0xFFFFFFFF  }
0xa5: {  	s26 =	simm.s32 $execute0_lowered;
	[smem:$0x3FD2] =	sst s25  }
0xa6: {  	s4 =	sshll.u32 s26, $0x1;
	_ =	strace $0x80000046;
	[dreg:$0x1] =	wrdreg $0xFFFFFFFF  }
0xa7: {  	s28 =	simm.s32 $_size_execute0_lowered;
	s2 =	sadd.s32 s2, s4;
	[dreg:$0x0] =	wrdreg $0x0  }
0xa8: {  	s4 =	sshll.u32 s28, $0x1;
	[dreg:$0x2] =	wrdreg s2  }
0xa9: {  	[dreg:$0x3] =	wrdreg s4  }
0xaa: {  	[dreg:$0x4] =	wrdreg $0xC0  }
0xab: {  	_ =	task [dreg:s6], $0x5FFFF  }
0xac: {  	[dreg:$0x1] =	wrdreg $0xFFFFFFFF  }
0xad: {  	[dreg:$0x0] =	wrdreg $0x60  }
0xae: {  	[dreg:$0x2] =	wrdreg s24  }
0xaf: {  	[dreg:$0x3] =	wrdreg $0x7C000  }
0xb0: {  	[dreg:$0x4] =	wrdreg $0x9  }
0xb1: {  	_ =	task.clear_ibuf [dreg:s6], $0x5FFFF;
	_ =	strace $0x90000046  }
0xb2: {  	s29 =	simm.s32 $0x9;
	_ =	strace $0x80000048  }
0xb3: {  	_ =	swait.ge [sflag:s29], $0x1  }
0xb4: {  	[sflag:s29] =	ssyncadd.s32 $0xFFFFFFFF  }
0xb5: {  	_ =	strace $0x90000048  }
0xb6: {  	_ =	sfence  }
0xb7: {  	s30 =	sld [smem:$0x0];
	_ =	sdelay $0x2  }
0xb8: {  	s31 =	sshll.u32 s1, $0xD;
	s1 =	sshrl.u32 s1, $0x2  }
0xb9: {  	s3 =	sand.u32 $0x4000, s31;
	s1 =	sadd.s32 s1, s30  }
0xba: {  	s0 =	sor.u32 s3, s0;
	s1 =	sshll.u32 s1, $0x11  }
0xbb: {  	s0 =	sor.u32 s1, s0  }
0xbc: {  	s0 =	sadd.s32 $0x8F2B, s0  }
0xbd: {  	[sflag:s0] =	ssyncadd.remote.s32 $0x1  }
0xbe: {  	_ =	sfence.sel $0xFFFF  }
0xbf: {  	[dreg:$0x0] =	wrdreg $0xFFFFFFFF;
	(pc) =	sbr.abs _section_cstart, $3  }
0xc0: {  	[dreg:$0x1] =	wrdreg $0xFFFFFFFF  }
0xc1: {  	_ =	task.clear_ibuf [dreg:s6], $0x2FFFF;
	_ =	strace $0x9FFFFFFF  }
0xc2: {  	(tm) =	ssettm $0x7FFFFFFF  }
0xc3: {  	_ =	shalt  }
tec
execute0_lowered:
.L_overlay_start_1:
0x0: {  	(tag) =	ssettag $0x1  }
0x1: {  	s0 =	srdreg.scid;
	s6 =	stileid.u32  }
0x2: {  	s24 =	simm.s32 $0x0;
	s7 =	sand.u32 $0x1, s0;
	s3 =	smul.u32 $0x1400, s6  }
0x3: {  	[smem:$0x7FF] =	sst s24;
	s18 =	sor.u32 $0x10, s6;
	s17 =	smul.u32 $0x138800, s7  }
0x4: {  	s11 =	sor.u32 $0x20, s6;
	s12 =	sor.u32 $0x30, s6;
	s9 =	smul.u32 $0x1400, s18  }
0x5: {  	s13 =	sor.u32 $0x40, s6;
	s10 =	sor.u32 $0x50, s6;
	s14 =	smul.u32 $0x1400, s11  }
0x6: {  	s8 =	sor.u32 $0x60, s6;
	s5 =	sor.u32 $0x70, s6;
	s15 =	smul.u32 $0x1400, s12  }
0x7: {  	s4 =	sor.u32 $0x80, s6;
	s2 =	sor.u32 $0x90, s6;
	s16 =	smul.u32 $0x1400, s13  }
0x8: {  	s26 =	sor.u32 $0xA0, s6;
	[smem:$0x7E6] =	sst s5;
	s19 =	smul.u32 $0x1400, s10  }
0x9: {  	p0 =	sgt.u32 s6, $0x9;
	[smem:$0x7E7] =	sst s4;
	s20 =	smul.u32 $0x1400, s8  }
0xa: {  	s25 =	ssub.s32 $0x2, s7;
	[smem:$0x7E8] =	sst s2;
	s5 =	smul.u32 $0x1400, s5  }
0xb: {  	[smem:$0x7E9] =	sst s26;
	s26 =	smul.u32 $0x1400, s26;
	s1 =	sshrl.u32 s25, $0x1  }
0xc: {  	s7 =	sshll.u32 s7, $0x4;
	s11 =	smul.u32 $0x5000, s11;
	s0 =	ssub.s32 s25, s1  }
0xd: {  	s21 =	sadd.s32 s3, s17;
	s22 =	sadd.s32 s17, s9;
	s23 =	sadd.s32 s17, s14  }
0xe: {  	s9 =	smul.u32 $0x1400, s4;
	s24 =	sadd.s32 s17, s15;
	s25 =	sadd.s32 s17, s16  }
0xf: {  	s4 =	smul.u32 $0x1400, s2;
	s19 =	sadd.s32 s17, s19;
	s14 =	sor.u32 $0xC0, s6  }
0x10: {  	s20 =	sadd.s32 s17, s20;
	s15 =	sor.u32 $0xD0, s6;
	s30 =	smul.u32 $0x1400, s14  }
0x11: {  	s28 =	sadd.s32 s17, s5;
	s16 =	sor.u32 $0xE0, s6;
	s2 =	smul.u32 $0x1400, s15  }
0x12: {  	[smem:$0x7FA] =	sst s0;
	s0 =	sor.u32 $0xB0, s6;
	s1 =	smul.u32 $0x1400, s16  }
0x13: {  	s26 =	sadd.s32 s17, s26;
	[smem:$0x7EA] =	sst s0;
	s5 =	smul.u32 $0x1400, s0  }
0x14: {  	s29 =	sadd.s32 s17, s9;
	s31 =	sadd.s32 s17, s4;
	s9 =	sor.u32 $0xF0, s6  }
0x15: {  	s4 =	rddreg [dreg:$0x0];
	s0 =	smul.u32 $0x1400, s9;
	s30 =	sadd.s32 s17, s30  }
0x16: {  	s2 =	sadd.s32 s17, s2;
	s1 =	sadd.s32 s17, s1;
	s5 =	sadd.s32 s17, s5  }
0x17: {  	s0 =	sadd.s32 s17, s0;
	s17 =	smul.u32 $0x5000, s18;
	s18 =	sshrl.u32 s21, $0x3  }
0x18: {  	s21 =	sshrl.u32 s22, $0x3;
	s22 =	sshrl.u32 s23, $0x3;
	s23 =	sadd.s32 $0x2C00, s4  }
0x19: {  	s3 =	rddreg [dreg:$0x1];
	_ =	strace $0x80000047;
	s18 =	sadd.s32 s23, s18  }
0x1a: {  	s5 =	sshrl.u32 s5, $0x3;
	s21 =	sadd.s32 s23, s21;
	[dreg:$0x3] =	wrdreg s18  }
0x1b: {  	s2 =	sshrl.u32 s2, $0x3;
	s5 =	sadd.s32 s23, s5;
	[dreg:$0x4] =	wrdreg s21  }
0x1c: {  	s1 =	sshrl.u32 s1, $0x3;
	s2 =	sadd.s32 s23, s2;
	[dreg:$0xe] =	wrdreg s5  }
0x1d: {  	s19 =	sshrl.u32 s19, $0x3;
	s1 =	sadd.s32 s23, s1;
	[dreg:$0x10] =	wrdreg s2  }
0x1e: {  	s0 =	sshrl.u32 s0, $0x3;
	s21 =	sadd.s32 s23, s22;
	[dreg:$0x11] =	wrdreg s1  }
0x1f: {  	s22 =	sshrl.u32 s24, $0x3;
	s0 =	sadd.s32 s23, s0;
	[dreg:$0x5] =	wrdreg s21  }
0x20: {  	s24 =	sshrl.u32 s25, $0x3;
	s18 =	sadd.s32 s23, s22;
	[dreg:$0x12] =	wrdreg s0  }
0x21: {  	s25 =	sadd.s32 s23, s24;
	s21 =	sadd.s32 s23, s19;
	[dreg:$0x6] =	wrdreg s18  }
0x22: {  	s22 =	sshrl.u32 s20, $0x3;
	s24 =	sshrl.u32 s28, $0x3;
	[dreg:$0x7] =	wrdreg s25  }
0x23: {  	s20 =	sadd.s32 $0xA2C600, s4;
	s28 =	simm.s32 $0x6;
	[dreg:$0x8] =	wrdreg s21  }
0x24: {  	s25 =	sshrl.u32 s29, $0x3;
	s18 =	sadd.s32 s23, s22;
	s19 =	sadd.s32 s23, s24  }
0x25: {  	s22 =	sshrl.u32 s31, $0x3;
	s24 =	sshrl.u32 s26, $0x3;
	[dreg:$0x9] =	wrdreg s18  }
0x26: {  	s26 =	sshrl.u32 s30, $0x3;
	s29 =	simm.s32 $0xB;
	[dreg:$0xa] =	wrdreg s19  }
0x27: {  	s21 =	sadd.s32 s23, s25;
	s18 =	sadd.s32 s23, s22;
	s25 =	sadd.s32 s23, s24  }
0x28: {  	s5 =	sadd.s32 s23, s26;
	s19 =	sadd.s32 $0xA05400, s4;
	s26 =	smul.u32 $0x5000, s13  }
0x29: {  	s22 =	sadd.s32 $0x9C6C00, s4;
	s13 =	smul.u32 $0x5000, s8;
	s8 =	sld [smem:$0x7E8]  }
0x2a: {  	s23 =	sadd.s32 $0x9E6000, s4;
	s4 =	sor.u32 s6, s7;
	[dreg:$0xb] =	wrdreg s21  }
0x2b: {  	s7 =	sshrl.u32 s11, $0x2;
	s11 =	smul.u32 $0x5000, s10;
	[dreg:$0xc] =	wrdreg s18  }
0x2c: {  	s30 =	simm.s32 $0x7;
	[dreg:$0xf] =	wrdreg s5;
	s5 =	smul.u32 $0x5000, s6  }
0x2d: {  	[dreg:$0xd] =	wrdreg s25;
	s21 =	smul.u32 $0x5000, s12;
	s25 =	sshrl.u32 s17, $0x2  }
0x2e: {  	s24 =	sadd.s32 s25, s3;
	s17 =	sshrl.u32 s26, $0x2;
	s26 =	sld [smem:$0x7E7]  }
0x2f: {  	s25 =	sshrl.u32 s11, $0x2;
	s11 =	sld [smem:$0x7E9];
	s0 =	sshrl.u32 s5, $0x2  }
0x30: {  	s12 =	sshrl.u32 s21, $0x2;
	s21 =	sld [smem:$0x7E6];
	s1 =	smul.u32 $0x5000, s8  }
0x31: {  	s8 =	smul.u32 $0x5000, s16;
	[dreg:$0x14] =	wrdreg s24;
	s18 =	sadd.s32 s0, s3  }
0x32: {  	s0 =	sadd.s32 s7, s3;
	s7 =	sshrl.u32 s13, $0x2;
	s13 =	sld [smem:$0x7EA]  }
0x33: {  	s31 =	simm.s32 $0xC;
	[dreg:$0x15] =	wrdreg s0;
	s2 =	smul.u32 $0x5000, s26  }
0x34: {  	s0 =	sadd.s32 s12, s3;
	s26 =	smul.u32 $0x5000, s15;
	[dreg:$0x13] =	wrdreg s18  }
0x35: {  	s6 =	simm.s32 $0x9;
	[dreg:$0x16] =	wrdreg s0;
	s5 =	smul.u32 $0x5000, s21  }
0x36: {  	s0 =	sadd.s32 s17, s3;
	s17 =	sshrl.u32 s1, $0x2;
	s21 =	smul.u32 $0x5000, s14  }
0x37: {  	s1 =	smul.u32 $0x7D00, s4;
	[dreg:$0x17] =	wrdreg s0;
	s0 =	sadd.s32 s25, s3  }
0x38: {  	s12 =	sshrl.u32 s2, $0x2;
	s2 =	smul.u32 $0x5000, s13;
	s13 =	sshrl.u32 s8, $0x2  }
0x39: {  	[dreg:$0x18] =	wrdreg s0;
	s0 =	sadd.s32 s7, s3;
	s10 =	sshrl.u32 s5, $0x2  }
0x3a: {  	s5 =	smul.u32 $0x5000, s11;
	s11 =	sshrl.u32 s26, $0x2;
	s14 =	sshrl.u32 s1, $0x3  }
0x3b: {  	s26 =	smul.u32 $0x138800, s4;
	[dreg:$0x19] =	wrdreg s0;
	s0 =	sadd.s32 s10, s3  }
0x3c: {  	s7 =	sshrl.u32 s2, $0x2;
	s8 =	sadd.s32 s23, s14;
	[dreg:$0x1a] =	wrdreg s0  }
0x3d: {  	s16 =	sor.u32 $0x10, s14;
	s0 =	sadd.s32 s12, s3;
	[smem:$0x7F3] =	sst s8  }
0x3e: {  	s25 =	sshrl.u32 s5, $0x2;
	s5 =	sadd.s32 s23, s16;
	[dreg:$0x1b] =	wrdreg s0  }
0x3f: {  	s10 =	sshrl.u32 s21, $0x2;
	s0 =	sadd.s32 s17, s3;
	[smem:$0x7EF] =	sst s5  }
0x40: {  	s21 =	sadd.s32 $0x20, s14;
	s17 =	sadd.s32 s22, s16;
	[dreg:$0x1c] =	wrdreg s0  }
0x41: {  	s2 =	simm.s32 $0x1;
	s16 =	sadd.s32 $0x380, s1;
	[smem:$0x7EE] =	sst s17  }
0x42: {  	s12 =	smul.u32 $0x5000, s9;
	s9 =	sadd.s32 $0x30, s14;
	[smem:$0x7F9] =	sst s16  }
0x43: {  	s8 =	simm.s32 $0x5;
	s0 =	sadd.s32 s25, s3;
	s17 =	sld [smem:$0x7FA]  }
0x44: {  	s5 =	simm.s32 $0x1800;
	s25 =	sadd.s32 s22, s21;
	[dreg:$0x1d] =	wrdreg s0  }
0x45: {  	s15 =	sshrl.u32 s12, $0x2;
	s12 =	sadd.s32 s22, s9;
	[smem:$0x7F0] =	sst s25  }
0x46: {  	s0 =	sadd.s32 s7, s3;
	s7 =	sadd.s32 s22, s14;
	[smem:$0x7F4] =	sst s12  }
0x47: {  	s12 =	simm.s32 $0x400;
	[dreg:$0x1e] =	wrdreg s0;
	s0 =	sadd.s32 s10, s3  }
0x48: {  	[smem:$0x7F2] =	sst s7;
	s10 =	sshrl.u32 s26, $0x3;
	s7 =	simm.s32 $0xD  }
0x49: {  	[dreg:$0x1f] =	wrdreg s0;
	s0 =	sadd.s32 s11, s3;
	s11 =	smul.u32 $0x27100, s4  }
0x4a: {  	[smem:$0x7EB] =	sst s0;
	s0 =	sadd.s32 s13, s3;
	s13 =	sadd.s32 s20, s10  }
0x4b: {  	s10 =	simm.s32 $0xE;
	[smem:$0x7EC] =	sst s0;
	s0 =	sadd.s32 s15, s3  }
0x4c: {  	s14 =	sadd.s32 s20, s11;
	s15 =	sadd.s32 $0x300, s1;
	[smem:$0x7ED] =	sst s0  }
0x4d: {  	s0 =	sadd.s32 s23, s21;
	s21 =	smul.u32 $0x2710, s4;
	[smem:$0x7F6] =	sst s14  }
0x4e: {  	s14 =	sadd.s32 $0x280, s1;
	[smem:$0x7F8] =	sst s15;
	s4 =	simm.s32 $0x2  }
0x4f: {  	s15 =	simm.s32 $0x0;
	[smem:$0x7F1] =	sst s0;
	s0 =	sadd.s32 s23, s9  }
.Ltmp0:
0x50: {  	[smem:$0x7F5] =	sst s0;
	s0 =	sadd.s32 $0x280, s13;
	(pc) =	sbr.rel .LBB2_1-.Ltmp0, $4  }
0x51: {  	s9 =	simm.s32 $0xA;
	s25 =	sadd.s32 $0xA0, s21;
	[smem:$0x7F7] =	sst s0  }
0x52: {  	s13 =	sadd.s32 $0x200, s1;
	s26 =	sadd.s32 $0xC8, s21;
	[smem:$0x7FC] =	sst s25  }
0x53: {  	s0 =	smax.u32 s17, $0x1;
	[smem:$0x7FD] =	sst s26;
	s17 =	simm.s32 $0xF  }
0x54: {  	v0 =	vimm.f32 $0.0e+00;
	s25 =	simm.s32 $0x8;
	[smem:$0x7FB] =	sst s0;
	s0 =	simm.s32 $0x28  }
.LBB2_15:
0x55: {  	[bflag:$0x0] =	sbarrier.arrive $0xFFFF  }
0x56: {  	s18 =	rddreg [dreg:$0x13]  }
0x57: {  	[tilespmem:s12], [sflag:$0xF] =	stream.linear.gather [spmem:s18], $0x1400, $0x38;
	[tilespmem:$0x1B480] =	vst v63  }
0x58: {  	_ =	swait.ge [sflag:s17], $0x1400  }
0x59: {  	[sflag:s17] =	ssyncset.done $0x0  }
0x5a: {  	s1 =	simm.s32 $0x0;
	s11 =	rddreg [dreg:$0x3];
	[sflag:s17] =	ssyncadd.s32 $0xFFFFEC00  }
0x5b: {  	[hbm4b:s11+s1] =	stream.linear.scatter [tilespmem:s12], [sflag:$0xF], $0x1400, $0x38;
	[tilespmem:$0x1B480] =	vst v63  }
0x5c: {  	_ =	swait.ge [sflag:s17], $0x1400  }
0x5d: {  	[sflag:s17] =	ssyncset.done $0x0  }
0x5e: {  	s24 =	rddreg [dreg:$0x14];
	[sflag:s17] =	ssyncadd.s32 $0xFFFFEC00  }
0x5f: {  	[tilespmem:s12], [sflag:$0xF] =	stream.linear.gather [spmem:s24], $0x1400, $0x38;
	[tilespmem:$0x1B480] =	vst v63  }
0x60: {  	_ =	swait.ge [sflag:s17], $0x1400  }
0x61: {  	[sflag:s17] =	ssyncset.done $0x0  }
0x62: {  	s16 =	rddreg [dreg:$0x4];
	[sflag:s17] =	ssyncadd.s32 $0xFFFFEC00  }
0x63: {  	[hbm4b:s16+s1] =	stream.linear.scatter [tilespmem:s12], [sflag:$0xF], $0x1400, $0x38;
	[tilespmem:$0x1B480] =	vst v63  }
0x64: {  	_ =	swait.ge [sflag:s17], $0x1400  }
0x65: {  	[sflag:s17] =	ssyncset.done $0x0  }
0x66: {  	s26 =	rddreg [dreg:$0x15];
	[sflag:s17] =	ssyncadd.s32 $0xFFFFEC00  }
0x67: {  	[tilespmem:s12], [sflag:$0xF] =	stream.linear.gather [spmem:s26], $0x1400, $0x38;
	[tilespmem:$0x1B480] =	vst v63  }
0x68: {  	_ =	swait.ge [sflag:s17], $0x1400  }
0x69: {  	[sflag:s17] =	ssyncset.done $0x0  }
0x6a: {  	s15 =	rddreg [dreg:$0x5];
	[sflag:s17] =	ssyncadd.s32 $0xFFFFEC00  }
0x6b: {  	[hbm4b:s15+s1] =	stream.linear.scatter [tilespmem:s12], [sflag:$0xF], $0x1400, $0x38;
	[tilespmem:$0x1B480] =	vst v63  }
0x6c: {  	_ =	swait.ge [sflag:s17], $0x1400  }
0x6d: {  	[sflag:s17] =	ssyncset.done $0x0  }
0x6e: {  	s16 =	rddreg [dreg:$0x16];
	[sflag:s17] =	ssyncadd.s32 $0xFFFFEC00  }
0x6f: {  	[tilespmem:s12], [sflag:$0xF] =	stream.linear.gather [spmem:s16], $0x1400, $0x38;
	[tilespmem:$0x1B480] =	vst v63  }
0x70: {  	_ =	swait.ge [sflag:s17], $0x1400  }
0x71: {  	[sflag:s17] =	ssyncset.done $0x0  }
0x72: {  	s26 =	rddreg [dreg:$0x6];
	[sflag:s17] =	ssyncadd.s32 $0xFFFFEC00  }
0x73: {  	[hbm4b:s26+s1] =	stream.linear.scatter [tilespmem:s12], [sflag:$0xF], $0x1400, $0x38;
	[tilespmem:$0x1B480] =	vst v63  }
0x74: {  	_ =	swait.ge [sflag:s17], $0x1400  }
0x75: {  	[sflag:s17] =	ssyncset.done $0x0  }
0x76: {  	s15 =	rddreg [dreg:$0x17];
	[sflag:s17] =	ssyncadd.s32 $0xFFFFEC00  }
0x77: {  	[tilespmem:s12], [sflag:$0xF] =	stream.linear.gather [spmem:s15], $0x1400, $0x38;
	[tilespmem:$0x1B480] =	vst v63  }
0x78: {  	_ =	swait.ge [sflag:s17], $0x1400  }
0x79: {  	[sflag:s17] =	ssyncset.done $0x0  }
0x7a: {  	s16 =	rddreg [dreg:$0x7];
	[sflag:s17] =	ssyncadd.s32 $0xFFFFEC00  }
0x7b: {  	[hbm4b:s16+s1] =	stream.linear.scatter [tilespmem:s12], [sflag:$0xF], $0x1400, $0x38;
	[tilespmem:$0x1B480] =	vst v63  }
0x7c: {  	_ =	swait.ge [sflag:s17], $0x1400  }
0x7d: {  	[sflag:s17] =	ssyncset.done $0x0  }
0x7e: {  	s26 =	rddreg [dreg:$0x18];
	[sflag:s17] =	ssyncadd.s32 $0xFFFFEC00  }
0x7f: {  	[tilespmem:s12], [sflag:$0xF] =	stream.linear.gather [spmem:s26], $0x1400, $0x38;
	[tilespmem:$0x1B480] =	vst v63  }
0x80: {  	_ =	swait.ge [sflag:s17], $0x1400  }
0x81: {  	[sflag:s17] =	ssyncset.done $0x0  }
0x82: {  	s15 =	rddreg [dreg:$0x8];
	[sflag:s17] =	ssyncadd.s32 $0xFFFFEC00  }
0x83: {  	[hbm4b:s15+s1] =	stream.linear.scatter [tilespmem:s12], [sflag:$0xF], $0x1400, $0x38;
	[tilespmem:$0x1B480] =	vst v63  }
0x84: {  	_ =	swait.ge [sflag:s17], $0x1400  }
0x85: {  	[sflag:s17] =	ssyncset.done $0x0  }
0x86: {  	s16 =	rddreg [dreg:$0x19];
	[sflag:s17] =	ssyncadd.s32 $0xFFFFEC00  }
0x87: {  	[tilespmem:s12], [sflag:$0xF] =	stream.linear.gather [spmem:s16], $0x1400, $0x38;
	[tilespmem:$0x1B480] =	vst v63  }
0x88: {  	_ =	swait.ge [sflag:s17], $0x1400  }
0x89: {  	[sflag:s17] =	ssyncset.done $0x0  }
0x8a: {  	s26 =	rddreg [dreg:$0x9];
	[sflag:s17] =	ssyncadd.s32 $0xFFFFEC00  }
0x8b: {  	[hbm4b:s26+s1] =	stream.linear.scatter [tilespmem:s12], [sflag:$0xF], $0x1400, $0x38;
	[tilespmem:$0x1B480] =	vst v63  }
0x8c: {  	_ =	swait.ge [sflag:s17], $0x1400  }
0x8d: {  	[sflag:s17] =	ssyncset.done $0x0  }
0x8e: {  	s15 =	rddreg [dreg:$0x1a];
	[sflag:s17] =	ssyncadd.s32 $0xFFFFEC00  }
0x8f: {  	[tilespmem:s12], [sflag:$0xF] =	stream.linear.gather [spmem:s15], $0x1400, $0x38;
	[tilespmem:$0x1B480] =	vst v63  }
0x90: {  	_ =	swait.ge [sflag:s17], $0x1400  }
0x91: {  	[sflag:s17] =	ssyncset.done $0x0  }
0x92: {  	s16 =	rddreg [dreg:$0xa];
	[sflag:s17] =	ssyncadd.s32 $0xFFFFEC00  }
0x93: {  	[hbm4b:s16+s1] =	stream.linear.scatter [tilespmem:s12], [sflag:$0xF], $0x1400, $0x38;
	[tilespmem:$0x1B480] =	vst v63  }
0x94: {  	_ =	swait.ge [sflag:s17], $0x1400  }
0x95: {  	[sflag:s17] =	ssyncset.done $0x0  }
0x96: {  	s26 =	rddreg [dreg:$0x1b];
	[sflag:s17] =	ssyncadd.s32 $0xFFFFEC00  }
0x97: {  	[tilespmem:s12], [sflag:$0xF] =	stream.linear.gather [spmem:s26], $0x1400, $0x38;
	[tilespmem:$0x1B480] =	vst v63  }
0x98: {  	_ =	swait.ge [sflag:s17], $0x1400  }
0x99: {  	[sflag:s17] =	ssyncset.done $0x0  }
0x9a: {  	s15 =	rddreg [dreg:$0xb];
	[sflag:s17] =	ssyncadd.s32 $0xFFFFEC00  }
0x9b: {  	[hbm4b:s15+s1] =	stream.linear.scatter [tilespmem:s12], [sflag:$0xF], $0x1400, $0x38;
	[tilespmem:$0x1B480] =	vst v63  }
0x9c: {  	_ =	swait.ge [sflag:s17], $0x1400  }
0x9d: {  	[sflag:s17] =	ssyncset.done $0x0  }
0x9e: {  	s16 =	rddreg [dreg:$0x1c];
	[sflag:s17] =	ssyncadd.s32 $0xFFFFEC00  }
0x9f: {  	[tilespmem:s12], [sflag:$0xF] =	stream.linear.gather [spmem:s16], $0x1400, $0x38;
	[tilespmem:$0x1B480] =	vst v63  }
0xa0: {  	_ =	swait.ge [sflag:s17], $0x1400  }
0xa1: {  	[sflag:s17] =	ssyncset.done $0x0  }
0xa2: {  	s26 =	rddreg [dreg:$0xc];
	[sflag:s17] =	ssyncadd.s32 $0xFFFFEC00  }
0xa3: {  	[hbm4b:s26+s1] =	stream.linear.scatter [tilespmem:s12], [sflag:$0xF], $0x1400, $0x38;
	[tilespmem:$0x1B480] =	vst v63  }
0xa4: {  	_ =	swait.ge [sflag:s17], $0x1400  }
0xa5: {  	[sflag:s17] =	ssyncset.done $0x0  }
0xa6: {  	s15 =	rddreg [dreg:$0x1d];
	[sflag:s17] =	ssyncadd.s32 $0xFFFFEC00  }
0xa7: {  	[tilespmem:s12], [sflag:$0xF] =	stream.linear.gather [spmem:s15], $0x1400, $0x38;
	[tilespmem:$0x1B480] =	vst v63  }
0xa8: {  	_ =	swait.ge [sflag:s17], $0x1400  }
0xa9: {  	[sflag:s17] =	ssyncset.done $0x0  }
0xaa: {  	s16 =	rddreg [dreg:$0xd];
	[sflag:s17] =	ssyncadd.s32 $0xFFFFEC00  }
0xab: {  	[hbm4b:s16+s1] =	stream.linear.scatter [tilespmem:s12], [sflag:$0xF], $0x1400, $0x38;
	[tilespmem:$0x1B480] =	vst v63  }
0xac: {  	_ =	swait.ge [sflag:s17], $0x1400  }
0xad: {  	[sflag:s17] =	ssyncset.done $0x0  }
0xae: {  	s26 =	rddreg [dreg:$0x1e];
	[sflag:s17] =	ssyncadd.s32 $0xFFFFEC00  }
0xaf: {  	[tilespmem:s12], [sflag:$0xF] =	stream.linear.gather [spmem:s26], $0x1400, $0x38;
	[tilespmem:$0x1B480] =	vst v63  }
0xb0: {  	_ =	swait.ge [sflag:s17], $0x1400  }
0xb1: {  	[sflag:s17] =	ssyncset.done $0x0  }
0xb2: {  	s15 =	rddreg [dreg:$0xe];
	[sflag:s17] =	ssyncadd.s32 $0xFFFFEC00  }
0xb3: {  	[hbm4b:s15+s1] =	stream.linear.scatter [tilespmem:s12], [sflag:$0xF], $0x1400, $0x38;
	[tilespmem:$0x1B480] =	vst v63  }
0xb4: {  	_ =	swait.ge [sflag:s17], $0x1400  }
0xb5: {  	[sflag:s17] =	ssyncset.done $0x0  }
0xb6: {  	s16 =	rddreg [dreg:$0x1f];
	[sflag:s17] =	ssyncadd.s32 $0xFFFFEC00  }
0xb7: {  	[tilespmem:s12], [sflag:$0xF] =	stream.linear.gather [spmem:s16], $0x1400, $0x38;
	[tilespmem:$0x1B480] =	vst v63  }
0xb8: {  	_ =	swait.ge [sflag:s17], $0x1400  }
0xb9: {  	[sflag:s17] =	ssyncset.done $0x0  }
0xba: {  	s26 =	rddreg [dreg:$0xf];
	[sflag:s17] =	ssyncadd.s32 $0xFFFFEC00  }
0xbb: {  	[hbm4b:s26+s1] =	stream.linear.scatter [tilespmem:s12], [sflag:$0xF], $0x1400, $0x38;
	[tilespmem:$0x1B480] =	vst v63  }
0xbc: {  	_ =	swait.ge [sflag:s17], $0x1400  }
0xbd: {  	s15 =	sld [smem:$0x7EB]  }
0xbe: {  	[sflag:s17] =	ssyncset.done $0x0  }
0xbf: {  	[sflag:s17] =	ssyncadd.s32 $0xFFFFEC00  }
0xc0: {  	[tilespmem:s12], [sflag:$0xF] =	stream.linear.gather [spmem:s15], $0x1400, $0x38;
	[tilespmem:$0x1B480] =	vst v63  }
0xc1: {  	_ =	swait.ge [sflag:s17], $0x1400  }
0xc2: {  	[sflag:s17] =	ssyncset.done $0x0  }
0xc3: {  	s16 =	rddreg [dreg:$0x10];
	[sflag:s17] =	ssyncadd.s32 $0xFFFFEC00  }
0xc4: {  	[hbm4b:s16+s1] =	stream.linear.scatter [tilespmem:s12], [sflag:$0xF], $0x1400, $0x38;
	[tilespmem:$0x1B480] =	vst v63  }
0xc5: {  	_ =	swait.ge [sflag:s17], $0x1400  }
0xc6: {  	s26 =	sld [smem:$0x7EC]  }
0xc7: {  	[sflag:s17] =	ssyncset.done $0x0  }
0xc8: {  	[sflag:s17] =	ssyncadd.s32 $0xFFFFEC00  }
0xc9: {  	[tilespmem:s12], [sflag:$0xF] =	stream.linear.gather [spmem:s26], $0x1400, $0x38;
	[tilespmem:$0x1B480] =	vst v63  }
0xca: {  	_ =	swait.ge [sflag:s17], $0x1400  }
0xcb: {  	[sflag:s17] =	ssyncset.done $0x0  }
0xcc: {  	s15 =	rddreg [dreg:$0x11];
	[sflag:s17] =	ssyncadd.s32 $0xFFFFEC00  }
0xcd: {  	[hbm4b:s15+s1] =	stream.linear.scatter [tilespmem:s12], [sflag:$0xF], $0x1400, $0x38;
	[tilespmem:$0x1B480] =	vst v63  }
0xce: {  	_ =	swait.ge [sflag:s17], $0x1400  }
0xcf: {  	s11 =	sld [smem:$0x7ED]  }
0xd0: {  	[sflag:s17] =	ssyncset.done $0x0  }
0xd1: {  	s1 =	simm.s32 @!p0 $0x400;
	[sflag:s17] =	ssyncadd.s32 $0xFFFFEC00  }
0xd2: {  	[tilespmem:s1], [sflag:$0xF] =	stream.linear.gather @!p0 [spmem:s11], $0x1400, $0x38;
	[tilespmem:$0x1B480] =	vst v63  }
0xd3: {  	s11 =	simm.s32 @!p0 $0xF  }
0xd4: {  	_ =	swait.ge @!p0 [sflag:s11], $0x1400  }
0xd5: {  	[sflag:s11] =	ssyncset.done @!p0 $0x0  }
0xd6: {  	s15 =	simm.s32 @!p0 $0x0;
	s16 =	rddreg [dreg:$0x12];
	[sflag:s11] =	ssyncadd.s32 @!p0 $0xFFFFEC00  }
0xd7: {  	[hbm4b:s16+s15] =	stream.linear.scatter @!p0 [tilespmem:s1], [sflag:$0xF], $0x1400, $0x38;
	[tilespmem:$0x1B480] =	vst v63  }
0xd8: {  	_ =	swait.ge @!p0 [sflag:s11], $0x1400  }
0xd9: {  	s16 =	sld [smem:$0x7E5]  }
0xda: {  	s26 =	sld [smem:$0x7FB];
	_ =	sdelay $0x1  }
0xdb: {  	s15 =	sadd.s32 $0x1, s16  }
0xdc: {  	p1 =	sne.s32 s15, s26  }
.Ltmp1:
0xdd: {  	_ = 	snop;
	(pc) =	sbr.rel @!p1 .LBB2_16-.Ltmp1, $3  }
0xde: {  	_ =	sdelay $0x1  }
0xdf: {  	[sflag:s11] =	ssyncset.done @!p0 $0x0  }
0xe0: {  	[sflag:s11] =	ssyncadd.s32 @!p0 $0xFFFFEC00  }
.LBB2_1:
0xe1: {  	[smem:$0x7E5] =	sst s15;
	s1 =	simm.s32 $0x0;
	s11 =	simm.s32 $0x200  }
.LBB2_2:
0xe2: {  	p1 =	sne.s32 s11, $0x4E00;
	[tilespmem:s1+$0x470] =	vst v0  }
0xe3: {  	[tilespmem:s1+$0x400] =	vst v0  }
0xe4: {  	[tilespmem:s1+$0x410] =	vst v0  }
.Ltmp2:
0xe5: {  	[tilespmem:s1+$0x420] =	vst v0;
	(pc) =	sbr.rel @p1 .LBB2_2-.Ltmp2, $4  }
0xe6: {  	[tilespmem:s1+$0x430] =	vst v0  }
0xe7: {  	[tilespmem:s1+$0x440] =	vst v0  }
0xe8: {  	[tilespmem:s1+$0x450] =	vst v0  }
0xe9: {  	[tilespmem:s1+$0x460] =	vst v0;
	s1 =	sshra.s32 s11, $0x2;
	s11 =	sadd.s32 $0x200, s11  }
0xea: {  	[tilespmem:s1+$0x470] =	vst v0  }
0xeb: {  	[tilespmem:s1+$0x400] =	vst v0  }
0xec: {  	[tilespmem:s1+$0x410] =	vst v0  }
0xed: {  	[tilespmem:s1+$0x420] =	vst v0  }
0xee: {  	[tilespmem:s1+$0x430] =	vst v0  }
0xef: {  	[tilespmem:s1+$0x440] =	vst v0  }
0xf0: {  	[tilespmem:s1+$0x450] =	vst v0  }
0xf1: {  	[tilespmem:s1+$0x460] =	vst v0  }
0xf2: {  	[spmem:s18] =	stream.linear.scatter [tilespmem:s12], [sflag:$0xF], $0x1400, $0x38;
	[tilespmem:$0x1B480] =	vst v63  }
0xf3: {  	_ =	swait.ge [sflag:s17], $0x1400  }
0xf4: {  	[sflag:s17] =	ssyncset.done $0x0  }
0xf5: {  	[sflag:s17] =	ssyncadd.s32 $0xFFFFEC00  }
0xf6: {  	[spmem:s24] =	stream.linear.scatter [tilespmem:s12], [sflag:$0xF], $0x1400, $0x38;
	[tilespmem:$0x1B480] =	vst v63  }
0xf7: {  	_ =	swait.ge [sflag:s17], $0x1400  }
0xf8: {  	[sflag:s17] =	ssyncset.done $0x0  }
0xf9: {  	s15 =	rddreg [dreg:$0x15];
	[sflag:s17] =	ssyncadd.s32 $0xFFFFEC00  }
0xfa: {  	[spmem:s15] =	stream.linear.scatter [tilespmem:s12], [sflag:$0xF], $0x1400, $0x38;
	[tilespmem:$0x1B480] =	vst v63  }
0xfb: {  	_ =	swait.ge [sflag:s17], $0x1400  }
0xfc: {  	[sflag:s17] =	ssyncset.done $0x0  }
0xfd: {  	s16 =	rddreg [dreg:$0x16];
	[sflag:s17] =	ssyncadd.s32 $0xFFFFEC00  }
0xfe: {  	[spmem:s16] =	stream.linear.scatter [tilespmem:s12], [sflag:$0xF], $0x1400, $0x38;
	[tilespmem:$0x1B480] =	vst v63  }
0xff: {  	_ =	swait.ge [sflag:s17], $0x1400  }
0x100: {  	[sflag:s17] =	ssyncset.done $0x0  }
0x101: {  	s18 =	rddreg [dreg:$0x17];
	[sflag:s17] =	ssyncadd.s32 $0xFFFFEC00  }
0x102: {  	[spmem:s18] =	stream.linear.scatter [tilespmem:s12], [sflag:$0xF], $0x1400, $0x38;
	[tilespmem:$0x1B480] =	vst v63  }
0x103: {  	_ =	swait.ge [sflag:s17], $0x1400  }
0x104: {  	[sflag:s17] =	ssyncset.done $0x0  }
0x105: {  	s24 =	rddreg [dreg:$0x18];
	[sflag:s17] =	ssyncadd.s32 $0xFFFFEC00  }
0x106: {  	[spmem:s24] =	stream.linear.scatter [tilespmem:s12], [sflag:$0xF], $0x1400, $0x38;
	[tilespmem:$0x1B480] =	vst v63  }
0x107: {  	_ =	swait.ge [sflag:s17], $0x1400  }
0x108: {  	[sflag:s17] =	ssyncset.done $0x0  }
0x109: {  	s26 =	rddreg [dreg:$0x19];
	[sflag:s17] =	ssyncadd.s32 $0xFFFFEC00  }
0x10a: {  	[spmem:s26] =	stream.linear.scatter [tilespmem:s12], [sflag:$0xF], $0x1400, $0x38;
	[tilespmem:$0x1B480] =	vst v63  }
0x10b: {  	_ =	swait.ge [sflag:s17], $0x1400  }
0x10c: {  	[sflag:s17] =	ssyncset.done $0x0  }
0x10d: {  	s11 =	rddreg [dreg:$0x1a];
	[sflag:s17] =	ssyncadd.s32 $0xFFFFEC00  }
0x10e: {  	[spmem:s11] =	stream.linear.scatter [tilespmem:s12], [sflag:$0xF], $0x1400, $0x38;
	[tilespmem:$0x1B480] =	vst v63  }
0x10f: {  	_ =	swait.ge [sflag:s17], $0x1400  }
0x110: {  	[sflag:s17] =	ssyncset.done $0x0  }
0x111: {  	s15 =	rddreg [dreg:$0x1b];
	[sflag:s17] =	ssyncadd.s32 $0xFFFFEC00  }
0x112: {  	[spmem:s15] =	stream.linear.scatter [tilespmem:s12], [sflag:$0xF], $0x1400, $0x38;
	[tilespmem:$0x1B480] =	vst v63  }
0x113: {  	_ =	swait.ge [sflag:s17], $0x1400  }
0x114: {  	[sflag:s17] =	ssyncset.done $0x0  }
0x115: {  	s16 =	rddreg [dreg:$0x1c];
	[sflag:s17] =	ssyncadd.s32 $0xFFFFEC00  }
0x116: {  	[spmem:s16] =	stream.linear.scatter [tilespmem:s12], [sflag:$0xF], $0x1400, $0x38;
	[tilespmem:$0x1B480] =	vst v63  }
0x117: {  	_ =	swait.ge [sflag:s17], $0x1400  }
0x118: {  	[sflag:s17] =	ssyncset.done $0x0  }
0x119: {  	s18 =	rddreg [dreg:$0x1d];
	[sflag:s17] =	ssyncadd.s32 $0xFFFFEC00  }
0x11a: {  	[spmem:s18] =	stream.linear.scatter [tilespmem:s12], [sflag:$0xF], $0x1400, $0x38;
	[tilespmem:$0x1B480] =	vst v63  }
0x11b: {  	_ =	swait.ge [sflag:s17], $0x1400  }
0x11c: {  	[sflag:s17] =	ssyncset.done $0x0  }
0x11d: {  	s24 =	rddreg [dreg:$0x1e];
	[sflag:s17] =	ssyncadd.s32 $0xFFFFEC00  }
0x11e: {  	[spmem:s24] =	stream.linear.scatter [tilespmem:s12], [sflag:$0xF], $0x1400, $0x38;
	[tilespmem:$0x1B480] =	vst v63  }
0x11f: {  	_ =	swait.ge [sflag:s17], $0x1400  }
0x120: {  	[sflag:s17] =	ssyncset.done $0x0  }
0x121: {  	s26 =	rddreg [dreg:$0x1f];
	[sflag:s17] =	ssyncadd.s32 $0xFFFFEC00  }
0x122: {  	[spmem:s26] =	stream.linear.scatter [tilespmem:s12], [sflag:$0xF], $0x1400, $0x38;
	[tilespmem:$0x1B480] =	vst v63  }
0x123: {  	_ =	swait.ge [sflag:s17], $0x1400  }
0x124: {  	s11 =	sld [smem:$0x7EB]  }
0x125: {  	[sflag:s17] =	ssyncset.done $0x0  }
0x126: {  	[sflag:s17] =	ssyncadd.s32 $0xFFFFEC00  }
0x127: {  	[spmem:s11] =	stream.linear.scatter [tilespmem:s12], [sflag:$0xF], $0x1400, $0x38;
	[tilespmem:$0x1B480] =	vst v63  }
0x128: {  	_ =	swait.ge [sflag:s17], $0x1400  }
0x129: {  	s15 =	sld [smem:$0x7EC]  }
0x12a: {  	[sflag:s17] =	ssyncset.done $0x0  }
0x12b: {  	[sflag:s17] =	ssyncadd.s32 $0xFFFFEC00  }
0x12c: {  	[spmem:s15] =	stream.linear.scatter [tilespmem:s12], [sflag:$0xF], $0x1400, $0x38;
	[tilespmem:$0x1B480] =	vst v63  }
0x12d: {  	_ =	swait.ge [sflag:s17], $0x1400  }
0x12e: {  	s11 =	sld [smem:$0x7ED]  }
0x12f: {  	[sflag:s17] =	ssyncset.done $0x0  }
0x130: {  	s1 =	simm.s32 @!p0 $0x400;
	[sflag:s17] =	ssyncadd.s32 $0xFFFFEC00  }
0x131: {  	[spmem:s11] =	stream.linear.scatter @!p0 [tilespmem:s1], [sflag:$0xF], $0x1400, $0x38;
	[tilespmem:$0x1B480] =	vst v63  }
0x132: {  	s1 =	simm.s32 @!p0 $0xF  }
0x133: {  	_ =	swait.ge @!p0 [sflag:s1], $0x1400  }
0x134: {  	[sflag:s1] =	ssyncset.done @!p0 $0x0  }
0x135: {  	[sflag:s1] =	ssyncadd.s32 @!p0 $0xFFFFEC00  }
0x136: {  	[bflag:$0x0] =	sbarrier.arrive $0xFFFF  }
0x137: {  	s16 =	sld [smem:$0x7F2];
	_ =	sdelay $0x1  }
0x138: {  	s1 =	simm.s32 $0x0;
	s18 =	sld [smem:$0x7F3]  }
0x139: {  	[tilespmem:s1], [sflag:$0x1] =	stream.linear.gather [hbm4b:s16+s1], $0x80, $0x38;
	[tilespmem:$0x1B480] =	vst v63  }
0x13a: {  	s15 =	simm.s32 $0x200;
	s24 =	sld [smem:$0x7EE]  }
0x13b: {  	[tilespmem:s15], [sflag:$0x5] =	stream.linear.gather [hbm4b:s18+s1], $0x80, $0x38;
	[tilespmem:$0x1B480] =	vst v63  }
0x13c: {  	s26 =	sld [smem:$0x7EF];
	s15 =	simm.s32 $0x80  }
0x13d: {  	[tilespmem:s15], [sflag:$0x2] =	stream.linear.gather [hbm4b:s24+s1], $0x80, $0x38;
	[tilespmem:$0x1B480] =	vst v63  }
0x13e: {  	s16 =	simm.s32 $0x280  }
0x13f: {  	[tilespmem:s16], [sflag:$0x6] =	stream.linear.gather [hbm4b:s26+s1], $0x80, $0x38;
	[tilespmem:$0x1B480] =	vst v63  }
0x140: {  	s16 =	sld [smem:$0x7F0];
	_ =	sdelay $0x1  }
0x141: {  	s18 =	simm.s32 $0x100;
	s24 =	sld [smem:$0x7F1]  }
0x142: {  	[tilespmem:s18], [sflag:$0x3] =	stream.linear.gather [hbm4b:s16+s1], $0x80, $0x38;
	[tilespmem:$0x1B480] =	vst v63  }
0x143: {  	s26 =	simm.s32 $0x300;
	s16 =	sld [smem:$0x7F4]  }
0x144: {  	[tilespmem:s26], [sflag:$0x7] =	stream.linear.gather [hbm4b:s24+s1], $0x80, $0x38;
	[tilespmem:$0x1B480] =	vst v63  }
0x145: {  	s18 =	simm.s32 $0x180;
	s24 =	sld [smem:$0x7F5]  }
0x146: {  	[tilespmem:s18], [sflag:$0x4] =	stream.linear.gather [hbm4b:s16+s1], $0x80, $0x38;
	[tilespmem:$0x1B480] =	vst v63  }
0x147: {  	s26 =	simm.s32 $0x380;
	s16 =	sld [smem:$0x7F6]  }
0x148: {  	[tilespmem:s26], [sflag:$0x8] =	stream.linear.gather [hbm4b:s24+s1], $0x80, $0x38;
	[tilespmem:$0x1B480] =	vst v63  }
0x149: {  	s18 =	simm.s32 $0x5400;
	s24 =	sld [smem:$0x7F7]  }
0x14a: {  	[tilespmem:s18], [sflag:$0xD] =	stream.linear.gather [hbm4b:s16+s1], $0x1400, $0x38;
	[tilespmem:$0x1B480] =	vst v63  }
0x14b: {  	s26 =	simm.s32 $0x6800  }
0x14c: {  	[tilespmem:s26], [sflag:$0xE] =	stream.linear.gather [hbm4b:s24+s1], $0x1400, $0x38;
	[tilespmem:$0x1B480] =	vst v63  }
0x14d: {  	_ =	swait.ge [sflag:s2], $0x80  }
0x14e: {  	[sflag:s2] =	ssyncset.done $0x0  }
0x14f: {  	[sflag:s2] =	ssyncadd.s32 $0xFFFFFF80  }
0x150: {  	[tilespmem:s12], [sflag:$0x9] =	stream.indirect.gather [hbm4b:s19+s0], $0x80, s1, s0, $0xb8;
	[tilespmem:$0x1B480] =	vst v63  }
.Ltmp3:
0x151: {  	_ = 	snop;
	(pc) =	sbr.rel .LBB2_4-.Ltmp3, $4  }
0x152: {  	_ =	swait.ge [sflag:s4], $0x80  }
0x153: {  	[sflag:s4] =	ssyncset.done $0x0  }
0x154: {  	[sflag:s4] =	ssyncadd.s32 $0xFFFFFF80  }
0x155: {  	[tilespmem:s5], [sflag:$0xA] =	stream.indirect.gather [hbm4b:s19+s0], $0x80, s15, s0, $0xb8;
	[tilespmem:$0x1B480] =	vst v63  }
.LBB2_14:
0x156: {  	s1 =	sadd.s32 $0x1, s1  }
0x157: {  	p1 =	sne.s32 s1, $0x3F  }
.Ltmp4:
0x158: {  	_ = 	snop;
	(pc) =	sbr.rel @!p1 .LBB2_15-.Ltmp4, $1  }
0x159: {  	_ =	sdelay $0x3  }
.LBB2_4:
0x15a: {  	s15 =	sshll.u32 s1, $0x2  }
0x15b: {  	s18 =	sor.u32 $0x2, s15  }
0x15c: {  	p1 =	sgt.u32 s18, $0xF9  }
0x15d: {  	s11 =	simm.s32 @!p1 $0x3  }
0x15e: {  	_ =	swait.ge @!p1 [sflag:s11], $0x80  }
0x15f: {  	s16 =	simm.s32 @!p1 $0x100;
	[sflag:s11] =	ssyncset.done @!p1 $0x0  }
0x160: {  	s24 =	simm.s32 @!p1 $0x2C00;
	[sflag:s11] =	ssyncadd.s32 @!p1 $0xFFFFFF80;
	s11 =	simm.s32 @!p1 $0x28  }
0x161: {  	[tilespmem:s24], [sflag:$0xB] =	stream.indirect.gather @!p1 [hbm4b:s19+s11], $0x80, s16, s11, $0xb8;
	[tilespmem:$0x1B480] =	vst v63  }
0x162: {  	_ =	swait.ge [sflag:s6], $0x1400  }
0x163: {  	[sflag:s6] =	ssyncset.done $0x0  }
0x164: {  	[sflag:s6] =	ssyncadd.s32 $0xFFFFEC00  }
0x165: {  	_ =	swait.ge [sflag:s7], $0x1400  }
0x166: {  	[sflag:s7] =	ssyncset.done $0x0  }
0x167: {  	s16 =	simm.s32 $0x0;
	[sflag:s7] =	ssyncadd.s32 $0xFFFFEC00  }
0x168: {  	v8 =	vld [tilespmem:s16+$0x5400]  }
0x169: {  	v12 =	vld [tilespmem:s16+$0x5410]  }
0x16a: {  	v6 =	vld [tilespmem:s16+$0x5420]  }
0x16b: {  	v5 =	vld [tilespmem:s16+$0x5430]  }
0x16c: {  	v4 =	vld [tilespmem:s16+$0x5440]  }
0x16d: {  	v3 =	vld [tilespmem:s16+$0x5450]  }
0x16e: {  	v2 =	vld [tilespmem:s16+$0x5460]  }
0x16f: {  	v1 =	vld [tilespmem:s16+$0x5470]  }
0x170: {  	v13 =	vld [tilespmem:s16+$0x400]  }
0x171: {  	v14 =	vld [tilespmem:s16+$0x410]  }
0x172: {  	v11 =	vld [tilespmem:s16+$0x420]  }
0x173: {  	v10 =	vld [tilespmem:s16+$0x430]  }
0x174: {  	v9 =	vld [tilespmem:s16+$0x440]  }
0x175: {  	v7 =	vld [tilespmem:s16+$0x450];
	v13 =	vmul.f32 v8, v13  }
0x176: {  	s11 =	simm.s32 $0x200;
	v12 =	vmul.f32 v12, v14;
	v8 =	vld [tilespmem:s16+$0x460]  }
.LBB2_5:
0x177: {  	s24 =	sshra.s32 s11, $0x2;
	p2 =	sne.s32 s11, $0x4E00;
	[tilespmem:s16+$0x400] =	vst v13;
	v6 =	vmul.f32 v6, v11;
	v11 =	vld [tilespmem:s16+$0x470]  }
0x178: {  	v13 =	vld [tilespmem:s24+$0x5400];
	[tilespmem:s16+$0x410] =	vst v12;
	v5 =	vmul.f32 v5, v10  }
0x179: {  	v12 =	vld [tilespmem:s24+$0x5410];
	[tilespmem:s16+$0x420] =	vst v6;
	v4 =	vmul.f32 v4, v9  }
0x17a: {  	v6 =	vld [tilespmem:s24+$0x5420];
	[tilespmem:s16+$0x430] =	vst v5;
	v3 =	vmul.f32 v3, v7  }
0x17b: {  	v5 =	vld [tilespmem:s24+$0x5430];
	[tilespmem:s16+$0x440] =	vst v4;
	v2 =	vmul.f32 v2, v8  }
0x17c: {  	v4 =	vld [tilespmem:s24+$0x5440];
	[tilespmem:s16+$0x450] =	vst v3;
	v1 =	vmul.f32 v1, v11  }
0x17d: {  	v3 =	vld [tilespmem:s24+$0x5450];
	[tilespmem:s16+$0x460] =	vst v2  }
0x17e: {  	v2 =	vld [tilespmem:s24+$0x5460];
	[tilespmem:s16+$0x470] =	vst v1;
	s16 =	smov.u32 s24  }
0x17f: {  	v1 =	vld [tilespmem:s16+$0x5470]  }
0x180: {  	v7 =	vld [tilespmem:s16+$0x400]  }
0x181: {  	v8 =	vld [tilespmem:s16+$0x410]  }
.Ltmp5:
0x182: {  	v11 =	vld [tilespmem:s16+$0x420];
	(pc) =	sbr.rel @p2 .LBB2_5-.Ltmp5, $4  }
0x183: {  	v10 =	vld [tilespmem:s16+$0x430]  }
0x184: {  	v9 =	vld [tilespmem:s16+$0x440]  }
0x185: {  	v13 =	vmul.f32 v13, v7;
	v7 =	vld [tilespmem:s16+$0x450]  }
0x186: {  	s11 =	sadd.s32 $0x200, s11;
	v12 =	vmul.f32 v12, v8;
	v8 =	vld [tilespmem:s16+$0x460]  }
0x187: {  	[tilespmem:s16+$0x400] =	vst v13;
	v6 =	vmul.f32 v6, v11;
	v11 =	vld [tilespmem:s16+$0x470]  }
0x188: {  	[tilespmem:s16+$0x410] =	vst v12;
	v5 =	vmul.f32 v5, v10  }
0x189: {  	[tilespmem:s16+$0x420] =	vst v6;
	v4 =	vmul.f32 v4, v9  }
0x18a: {  	[tilespmem:s16+$0x430] =	vst v5;
	v3 =	vmul.f32 v3, v7  }
0x18b: {  	[tilespmem:s16+$0x440] =	vst v4;
	v2 =	vmul.f32 v2, v8  }
0x18c: {  	[tilespmem:s16+$0x450] =	vst v3;
	v1 =	vmul.f32 v1, v11  }
0x18d: {  	[tilespmem:s16+$0x460] =	vst v2  }
0x18e: {  	[tilespmem:s16+$0x470] =	vst v1  }
0x18f: {  	_ =	swait.ge [sflag:s8], $0x80  }
0x190: {  	p2 =	seq.s32 s1, $0x3E;
	[sflag:s8] =	ssyncset.done $0x0  }
0x191: {  	s11 =	simm.s32 $0x200;
	s16 =	sshll.u32 @!p2 s1, $0x9;
	[sflag:s8] =	ssyncadd.s32 $0xFFFFFF80  }
0x192: {  	[spmem:s3] =	stream.indirect.scatter.add.f32 [tilespmem:s12], [sflag:$0xF], $0x80, s11, s0, $0xb8;
	[tilespmem:$0x1B480] =	vst v63  }
0x193: {  	s11 =	sadd.s32 @!p2 s16, s13;
	_ =	swait.ge [sflag:s17], $0x1400  }
0x194: {  	s11 =	sshrl.u32 @!p2 s11, $0x3;
	[sflag:s17] =	ssyncset.done $0x0  }
0x195: {  	s26 =	simm.s32 @!p2 $0x0;
	s24 =	sadd.s32 @!p2 s22, s11;
	[sflag:s17] =	ssyncadd.s32 $0xFFFFEC00  }
0x196: {  	[tilespmem:s26], [sflag:$0x1] =	stream.linear.gather @!p2 [hbm4b:s24+s26], $0x80, $0x38;
	[tilespmem:$0x1B480] =	vst v63  }
0x197: {  	s18 =	smul.u32 @!p1 $0x28, s18;
	s11 =	sadd.s32 @!p2 s23, s11;
	s24 =	simm.s32 @!p2 $0x200  }
0x198: {  	[tilespmem:s24], [sflag:$0x5] =	stream.linear.gather @!p2 [hbm4b:s11+s26], $0x80, $0x38;
	[tilespmem:$0x1B480] =	vst v63  }
0x199: {  	s15 =	sor.u32 $0x3, s15;
	s11 =	sadd.s32 @!p1 s21, s18  }
0x19a: {  	p3 =	sgt.u32 s15, $0xF9;
	s11 =	sshll.u32 @!p1 s11, $0x4  }
0x19b: {  	s18 =	simm.s32 @!p1 $0x0;
	s24 =	simm.s32 @!p1 $0x5400;
	s11 =	sadd.s32 @!p1 s20, s11  }
0x19c: {  	[tilespmem:s24], [sflag:$0xD] =	stream.linear.gather @!p1 [hbm4b:s11+s18], $0x1400, $0x38;
	[tilespmem:$0x1B480] =	vst v63  }
0x19d: {  	s11 =	simm.s32 @!p3 $0x4  }
0x19e: {  	_ =	swait.ge @!p3 [sflag:s11], $0x80  }
0x19f: {  	s18 =	simm.s32 @!p3 $0x180;
	[sflag:s11] =	ssyncset.done @!p3 $0x0  }
0x1a0: {  	s24 =	simm.s32 @!p3 $0x4000;
	[sflag:s11] =	ssyncadd.s32 @!p3 $0xFFFFFF80;
	s11 =	simm.s32 @!p3 $0x28  }
0x1a1: {  	[tilespmem:s24], [sflag:$0xC] =	stream.indirect.gather @!p3 [hbm4b:s19+s11], $0x80, s18, s11, $0xb8;
	[tilespmem:$0x1B480] =	vst v63  }
0x1a2: {  	_ =	swait.ge [sflag:s9], $0x1400  }
0x1a3: {  	[sflag:s9] =	ssyncset.done $0x0  }
0x1a4: {  	[sflag:s9] =	ssyncadd.s32 $0xFFFFEC00  }
0x1a5: {  	_ =	swait.ge [sflag:s10], $0x1400  }
0x1a6: {  	[sflag:s10] =	ssyncset.done $0x0  }
0x1a7: {  	s18 =	simm.s32 $0x0;
	[sflag:s10] =	ssyncadd.s32 $0xFFFFEC00  }
0x1a8: {  	v8 =	vld [tilespmem:s18+$0x6800]  }
0x1a9: {  	v12 =	vld [tilespmem:s18+$0x6810]  }
0x1aa: {  	v6 =	vld [tilespmem:s18+$0x6820]  }
0x1ab: {  	v5 =	vld [tilespmem:s18+$0x6830]  }
0x1ac: {  	v4 =	vld [tilespmem:s18+$0x6840]  }
0x1ad: {  	v3 =	vld [tilespmem:s18+$0x6850]  }
0x1ae: {  	v2 =	vld [tilespmem:s18+$0x6860]  }
0x1af: {  	v1 =	vld [tilespmem:s18+$0x6870]  }
0x1b0: {  	v13 =	vld [tilespmem:s18+$0x1800]  }
0x1b1: {  	v14 =	vld [tilespmem:s18+$0x1810]  }
0x1b2: {  	v11 =	vld [tilespmem:s18+$0x1820]  }
0x1b3: {  	v10 =	vld [tilespmem:s18+$0x1830]  }
0x1b4: {  	v9 =	vld [tilespmem:s18+$0x1840]  }
0x1b5: {  	v7 =	vld [tilespmem:s18+$0x1850];
	v13 =	vmul.f32 v8, v13  }
0x1b6: {  	s11 =	simm.s32 $0x200;
	v12 =	vmul.f32 v12, v14;
	v8 =	vld [tilespmem:s18+$0x1860]  }
.LBB2_7:
0x1b7: {  	s24 =	sshra.s32 s11, $0x2;
	p4 =	sne.s32 s11, $0x4E00;
	[tilespmem:s18+$0x1800] =	vst v13;
	v6 =	vmul.f32 v6, v11;
	v11 =	vld [tilespmem:s18+$0x1870]  }
0x1b8: {  	v13 =	vld [tilespmem:s24+$0x6800];
	[tilespmem:s18+$0x1810] =	vst v12;
	v5 =	vmul.f32 v5, v10  }
0x1b9: {  	v12 =	vld [tilespmem:s24+$0x6810];
	[tilespmem:s18+$0x1820] =	vst v6;
	v4 =	vmul.f32 v4, v9  }
0x1ba: {  	v6 =	vld [tilespmem:s24+$0x6820];
	[tilespmem:s18+$0x1830] =	vst v5;
	v3 =	vmul.f32 v3, v7  }
0x1bb: {  	v5 =	vld [tilespmem:s24+$0x6830];
	[tilespmem:s18+$0x1840] =	vst v4;
	v2 =	vmul.f32 v2, v8  }
0x1bc: {  	v4 =	vld [tilespmem:s24+$0x6840];
	[tilespmem:s18+$0x1850] =	vst v3;
	v1 =	vmul.f32 v1, v11  }
0x1bd: {  	v3 =	vld [tilespmem:s24+$0x6850];
	[tilespmem:s18+$0x1860] =	vst v2  }
0x1be: {  	v2 =	vld [tilespmem:s24+$0x6860];
	[tilespmem:s18+$0x1870] =	vst v1;
	s18 =	smov.u32 s24  }
0x1bf: {  	v1 =	vld [tilespmem:s18+$0x6870]  }
0x1c0: {  	v7 =	vld [tilespmem:s18+$0x1800]  }
0x1c1: {  	v8 =	vld [tilespmem:s18+$0x1810]  }
.Ltmp6:
0x1c2: {  	v11 =	vld [tilespmem:s18+$0x1820];
	(pc) =	sbr.rel @p4 .LBB2_7-.Ltmp6, $4  }
0x1c3: {  	v10 =	vld [tilespmem:s18+$0x1830]  }
0x1c4: {  	v9 =	vld [tilespmem:s18+$0x1840]  }
0x1c5: {  	v13 =	vmul.f32 v13, v7;
	v7 =	vld [tilespmem:s18+$0x1850]  }
0x1c6: {  	s11 =	sadd.s32 $0x200, s11;
	v12 =	vmul.f32 v12, v8;
	v8 =	vld [tilespmem:s18+$0x1860]  }
0x1c7: {  	[tilespmem:s18+$0x1800] =	vst v13;
	v6 =	vmul.f32 v6, v11;
	v63 =	vld [tilespmem:s18+$0x1870]  }
0x1c8: {  	[tilespmem:s18+$0x1810] =	vst v12;
	v5 =	vmul.f32 v5, v10  }
0x1c9: {  	[tilespmem:s18+$0x1820] =	vst v6;
	v4 =	vmul.f32 v4, v9  }
0x1ca: {  	[tilespmem:s18+$0x1830] =	vst v5;
	v3 =	vmul.f32 v3, v7  }
0x1cb: {  	[tilespmem:s18+$0x1840] =	vst v4;
	v2 =	vmul.f32 v2, v8  }
0x1cc: {  	[tilespmem:s18+$0x1850] =	vst v3;
	v1 =	vmul.f32 v1, v63  }
0x1cd: {  	[tilespmem:s18+$0x1860] =	vst v2  }
0x1ce: {  	[tilespmem:s18+$0x1870] =	vst v1  }
0x1cf: {  	_ =	swait.ge [sflag:s28], $0x80  }
0x1d0: {  	[sflag:s28] =	ssyncset.done $0x0  }
0x1d1: {  	s11 =	simm.s32 $0x280;
	[sflag:s28] =	ssyncadd.s32 $0xFFFFFF80  }
0x1d2: {  	[spmem:s3] =	stream.indirect.scatter.add.f32 [tilespmem:s5], [sflag:$0xF], $0x80, s11, s0, $0xb8;
	[tilespmem:$0x1B480] =	vst v63  }
0x1d3: {  	s11 =	sadd.s32 @!p2 s16, s14;
	_ =	swait.ge [sflag:s17], $0x1400  }
0x1d4: {  	s24 =	simm.s32 @!p2 $0x80;
	s11 =	sshrl.u32 @!p2 s11, $0x3;
	[sflag:s17] =	ssyncset.done $0x0  }
0x1d5: {  	s18 =	simm.s32 @!p2 $0x0;
	s16 =	sadd.s32 @!p2 s22, s11;
	[sflag:s17] =	ssyncadd.s32 $0xFFFFEC00  }
0x1d6: {  	[tilespmem:s24], [sflag:$0x2] =	stream.linear.gather @!p2 [hbm4b:s16+s18], $0x80, $0x38;
	[tilespmem:$0x1B480] =	vst v63  }
0x1d7: {  	s15 =	smul.u32 @!p3 $0x28, s15;
	s11 =	sadd.s32 @!p2 s23, s11;
	s16 =	simm.s32 @!p2 $0x280  }
0x1d8: {  	[tilespmem:s16], [sflag:$0x6] =	stream.linear.gather @!p2 [hbm4b:s11+s18], $0x80, $0x38;
	[tilespmem:$0x1B480] =	vst v63  }
.Ltmp7:
0x1d9: {  	_ = 	snop;
	(pc) =	sbr.rel @p1 .LBB2_14-.Ltmp7, $4  }
0x1da: {  	s11 =	sadd.s32 @!p3 s21, s15  }
0x1db: {  	s11 =	sshll.u32 @!p3 s11, $0x4  }
0x1dc: {  	s15 =	simm.s32 @!p3 $0x0;
	s16 =	simm.s32 @!p3 $0x6800;
	s11 =	sadd.s32 @!p3 s20, s11  }
0x1dd: {  	[tilespmem:s16], [sflag:$0xE] =	stream.linear.gather @!p3 [hbm4b:s11+s15], $0x1400, $0x38;
	[tilespmem:$0x1B480] =	vst v63  }
0x1de: {  	_ =	swait.ge [sflag:s2], $0x80  }
0x1df: {  	[sflag:s2] =	ssyncset.done $0x0  }
0x1e0: {  	s11 =	simm.s32 $0x0;
	[sflag:s2] =	ssyncadd.s32 $0xFFFFFF80  }
0x1e1: {  	[tilespmem:s12], [sflag:$0x9] =	stream.indirect.gather [hbm4b:s19+s0], $0x80, s11, s0, $0xb8;
	[tilespmem:$0x1B480] =	vst v63  }
0x1e2: {  	_ =	swait.ge [sflag:s29], $0x1400  }
0x1e3: {  	[sflag:s29] =	ssyncset.done $0x0  }
0x1e4: {  	[sflag:s29] =	ssyncadd.s32 $0xFFFFEC00  }
0x1e5: {  	_ =	swait.ge [sflag:s7], $0x1400  }
0x1e6: {  	[sflag:s7] =	ssyncset.done $0x0  }
0x1e7: {  	s15 =	simm.s32 $0x0;
	[sflag:s7] =	ssyncadd.s32 $0xFFFFEC00  }
0x1e8: {  	v8 =	vld [tilespmem:s15+$0x5400]  }
0x1e9: {  	v12 =	vld [tilespmem:s15+$0x5410]  }
0x1ea: {  	v6 =	vld [tilespmem:s15+$0x5420]  }
0x1eb: {  	v5 =	vld [tilespmem:s15+$0x5430]  }
0x1ec: {  	v4 =	vld [tilespmem:s15+$0x5440]  }
0x1ed: {  	v3 =	vld [tilespmem:s15+$0x5450]  }
0x1ee: {  	v2 =	vld [tilespmem:s15+$0x5460]  }
0x1ef: {  	v1 =	vld [tilespmem:s15+$0x5470]  }
0x1f0: {  	v13 =	vld [tilespmem:s15+$0x2C00]  }
0x1f1: {  	v14 =	vld [tilespmem:s15+$0x2C10]  }
0x1f2: {  	v11 =	vld [tilespmem:s15+$0x2C20]  }
0x1f3: {  	v10 =	vld [tilespmem:s15+$0x2C30]  }
0x1f4: {  	v9 =	vld [tilespmem:s15+$0x2C40]  }
0x1f5: {  	v7 =	vld [tilespmem:s15+$0x2C50];
	v13 =	vmul.f32 v8, v13  }
0x1f6: {  	s11 =	simm.s32 $0x200;
	v12 =	vmul.f32 v12, v14;
	v8 =	vld [tilespmem:s15+$0x2C60]  }
.LBB2_10:
0x1f7: {  	s16 =	sshra.s32 s11, $0x2;
	p1 =	sne.s32 s11, $0x4E00;
	[tilespmem:s15+$0x2C00] =	vst v13;
	v6 =	vmul.f32 v6, v11;
	v11 =	vld [tilespmem:s15+$0x2C70]  }
0x1f8: {  	v13 =	vld [tilespmem:s16+$0x5400];
	[tilespmem:s15+$0x2C10] =	vst v12;
	v5 =	vmul.f32 v5, v10  }
0x1f9: {  	v12 =	vld [tilespmem:s16+$0x5410];
	[tilespmem:s15+$0x2C20] =	vst v6;
	v4 =	vmul.f32 v4, v9  }
0x1fa: {  	v6 =	vld [tilespmem:s16+$0x5420];
	[tilespmem:s15+$0x2C30] =	vst v5;
	v3 =	vmul.f32 v3, v7  }
0x1fb: {  	v5 =	vld [tilespmem:s16+$0x5430];
	[tilespmem:s15+$0x2C40] =	vst v4;
	v2 =	vmul.f32 v2, v8  }
0x1fc: {  	v4 =	vld [tilespmem:s16+$0x5440];
	[tilespmem:s15+$0x2C50] =	vst v3;
	v1 =	vmul.f32 v1, v11  }
0x1fd: {  	v3 =	vld [tilespmem:s16+$0x5450];
	[tilespmem:s15+$0x2C60] =	vst v2  }
0x1fe: {  	v2 =	vld [tilespmem:s16+$0x5460];
	[tilespmem:s15+$0x2C70] =	vst v1;
	s15 =	smov.u32 s16  }
0x1ff: {  	v1 =	vld [tilespmem:s15+$0x5470]  }
0x200: {  	v7 =	vld [tilespmem:s15+$0x2C00]  }
0x201: {  	v8 =	vld [tilespmem:s15+$0x2C10]  }
.Ltmp8:
0x202: {  	v11 =	vld [tilespmem:s15+$0x2C20];
	(pc) =	sbr.rel @p1 .LBB2_10-.Ltmp8, $4  }
0x203: {  	v10 =	vld [tilespmem:s15+$0x2C30]  }
0x204: {  	v9 =	vld [tilespmem:s15+$0x2C40]  }
0x205: {  	v13 =	vmul.f32 v13, v7;
	v7 =	vld [tilespmem:s15+$0x2C50]  }
0x206: {  	s11 =	sadd.s32 $0x200, s11;
	v12 =	vmul.f32 v12, v8;
	v8 =	vld [tilespmem:s15+$0x2C60]  }
0x207: {  	[tilespmem:s15+$0x2C00] =	vst v13;
	v6 =	vmul.f32 v6, v11;
	v11 =	vld [tilespmem:s15+$0x2C70]  }
0x208: {  	[tilespmem:s15+$0x2C10] =	vst v12;
	v5 =	vmul.f32 v5, v10  }
0x209: {  	[tilespmem:s15+$0x2C20] =	vst v6;
	v4 =	vmul.f32 v4, v9  }
0x20a: {  	[tilespmem:s15+$0x2C30] =	vst v5;
	v3 =	vmul.f32 v3, v7  }
0x20b: {  	[tilespmem:s15+$0x2C40] =	vst v4;
	v2 =	vmul.f32 v2, v8  }
0x20c: {  	[tilespmem:s15+$0x2C50] =	vst v3;
	v1 =	vmul.f32 v1, v11  }
0x20d: {  	[tilespmem:s15+$0x2C60] =	vst v2  }
0x20e: {  	[tilespmem:s15+$0x2C70] =	vst v1  }
0x20f: {  	_ =	swait.ge [sflag:s30], $0x80  }
0x210: {  	[sflag:s30] =	ssyncset.done $0x0  }
0x211: {  	s11 =	simm.s32 $0x300;
	s16 =	simm.s32 $0x2C00;
	[sflag:s30] =	ssyncadd.s32 $0xFFFFFF80  }
0x212: {  	[spmem:s3] =	stream.indirect.scatter.add.f32 [tilespmem:s16], [sflag:$0xF], $0x80, s11, s0, $0xb8;
	[tilespmem:$0x1B480] =	vst v63  }
0x213: {  	_ =	swait.ge [sflag:s17], $0x1400  }
0x214: {  	s11 =	sld [smem:$0x7F8]  }
0x215: {  	p1 =	sgt.u32 s1, $0x3C  }
0x216: {  	s15 =	sshll.u32 @!p1 s1, $0x9  }
0x217: {  	s11 =	sadd.s32 @!p1 s15, s11  }
0x218: {  	s18 =	simm.s32 @!p1 $0x0;
	[sflag:s17] =	ssyncset.done $0x0;
	s11 =	sshrl.u32 @!p1 s11, $0x3  }
0x219: {  	s24 =	simm.s32 @!p1 $0x100;
	[sflag:s17] =	ssyncadd.s32 $0xFFFFEC00;
	s16 =	sadd.s32 @!p1 s22, s11  }
0x21a: {  	[tilespmem:s24], [sflag:$0x3] =	stream.linear.gather @!p1 [hbm4b:s16+s18], $0x80, $0x38;
	[tilespmem:$0x1B480] =	vst v63  }
0x21b: {  	s11 =	sadd.s32 @!p1 s23, s11;
	s24 =	simm.s32 @!p1 $0x300  }
0x21c: {  	[tilespmem:s24], [sflag:$0x7] =	stream.linear.gather @!p1 [hbm4b:s11+s18], $0x80, $0x38;
	[tilespmem:$0x1B480] =	vst v63  }
0x21d: {  	s18 =	sld [smem:$0x7FC]  }
0x21e: {  	s16 =	smul.u32 $0xA0, s1;
	_ =	sdelay $0x1  }
0x21f: {  	s11 =	sadd.s32 s16, s18  }
0x220: {  	s11 =	sshll.u32 s11, $0x4  }
0x221: {  	s26 =	simm.s32 $0x5400;
	s24 =	simm.s32 $0x0;
	s11 =	sadd.s32 s20, s11  }
0x222: {  	[tilespmem:s26], [sflag:$0xD] =	stream.linear.gather [hbm4b:s11+s24], $0x1400, $0x38;
	[tilespmem:$0x1B480] =	vst v63  }
0x223: {  	_ =	swait.ge [sflag:s4], $0x80  }
0x224: {  	[sflag:s4] =	ssyncset.done $0x0  }
0x225: {  	s26 =	simm.s32 $0x80;
	[sflag:s4] =	ssyncadd.s32 $0xFFFFFF80  }
0x226: {  	[tilespmem:s5], [sflag:$0xA] =	stream.indirect.gather [hbm4b:s19+s0], $0x80, s26, s0, $0xb8;
	[tilespmem:$0x1B480] =	vst v63  }
0x227: {  	_ =	swait.ge [sflag:s31], $0x1400  }
0x228: {  	[sflag:s31] =	ssyncset.done $0x0  }
0x229: {  	[sflag:s31] =	ssyncadd.s32 $0xFFFFEC00  }
0x22a: {  	_ =	swait.ge [sflag:s10], $0x1400  }
0x22b: {  	[sflag:s10] =	ssyncset.done $0x0  }
0x22c: {  	s18 =	simm.s32 $0x0;
	[sflag:s10] =	ssyncadd.s32 $0xFFFFEC00  }
0x22d: {  	v8 =	vld [tilespmem:s18+$0x6800]  }
0x22e: {  	v12 =	vld [tilespmem:s18+$0x6810]  }
0x22f: {  	v6 =	vld [tilespmem:s18+$0x6820]  }
0x230: {  	v5 =	vld [tilespmem:s18+$0x6830]  }
0x231: {  	v4 =	vld [tilespmem:s18+$0x6840]  }
0x232: {  	v3 =	vld [tilespmem:s18+$0x6850]  }
0x233: {  	v2 =	vld [tilespmem:s18+$0x6860]  }
0x234: {  	v1 =	vld [tilespmem:s18+$0x6870]  }
0x235: {  	v13 =	vld [tilespmem:s18+$0x4000]  }
0x236: {  	v14 =	vld [tilespmem:s18+$0x4010]  }
0x237: {  	v11 =	vld [tilespmem:s18+$0x4020]  }
0x238: {  	v10 =	vld [tilespmem:s18+$0x4030]  }
0x239: {  	v9 =	vld [tilespmem:s18+$0x4040]  }
0x23a: {  	v7 =	vld [tilespmem:s18+$0x4050];
	v13 =	vmul.f32 v8, v13  }
0x23b: {  	s11 =	simm.s32 $0x200;
	v12 =	vmul.f32 v12, v14;
	v8 =	vld [tilespmem:s18+$0x4060]  }
.LBB2_12:
0x23c: {  	s24 =	sshra.s32 s11, $0x2;
	p2 =	sne.s32 s11, $0x4E00;
	[tilespmem:s18+$0x4000] =	vst v13;
	v6 =	vmul.f32 v6, v11;
	v11 =	vld [tilespmem:s18+$0x4070]  }
0x23d: {  	v13 =	vld [tilespmem:s24+$0x6800];
	[tilespmem:s18+$0x4010] =	vst v12;
	v5 =	vmul.f32 v5, v10  }
0x23e: {  	v12 =	vld [tilespmem:s24+$0x6810];
	[tilespmem:s18+$0x4020] =	vst v6;
	v4 =	vmul.f32 v4, v9  }
0x23f: {  	v6 =	vld [tilespmem:s24+$0x6820];
	[tilespmem:s18+$0x4030] =	vst v5;
	v3 =	vmul.f32 v3, v7  }
0x240: {  	v5 =	vld [tilespmem:s24+$0x6830];
	[tilespmem:s18+$0x4040] =	vst v4;
	v2 =	vmul.f32 v2, v8  }
0x241: {  	v4 =	vld [tilespmem:s24+$0x6840];
	[tilespmem:s18+$0x4050] =	vst v3;
	v1 =	vmul.f32 v1, v11  }
0x242: {  	v3 =	vld [tilespmem:s24+$0x6850];
	[tilespmem:s18+$0x4060] =	vst v2  }
0x243: {  	v2 =	vld [tilespmem:s24+$0x6860];
	[tilespmem:s18+$0x4070] =	vst v1;
	s18 =	smov.u32 s24  }
0x244: {  	v1 =	vld [tilespmem:s18+$0x6870]  }
0x245: {  	v7 =	vld [tilespmem:s18+$0x4000]  }
0x246: {  	v8 =	vld [tilespmem:s18+$0x4010]  }
.Ltmp9:
0x247: {  	v11 =	vld [tilespmem:s18+$0x4020];
	(pc) =	sbr.rel @p2 .LBB2_12-.Ltmp9, $4  }
0x248: {  	v10 =	vld [tilespmem:s18+$0x4030]  }
0x249: {  	v9 =	vld [tilespmem:s18+$0x4040]  }
0x24a: {  	v13 =	vmul.f32 v13, v7;
	v7 =	vld [tilespmem:s18+$0x4050]  }
0x24b: {  	s11 =	sadd.s32 $0x200, s11;
	v12 =	vmul.f32 v12, v8;
	v8 =	vld [tilespmem:s18+$0x4060]  }
0x24c: {  	[tilespmem:s18+$0x4000] =	vst v13;
	v6 =	vmul.f32 v6, v11;
	v63 =	vld [tilespmem:s18+$0x4070]  }
0x24d: {  	[tilespmem:s18+$0x4010] =	vst v12;
	v5 =	vmul.f32 v5, v10  }
0x24e: {  	[tilespmem:s18+$0x4020] =	vst v6;
	v4 =	vmul.f32 v4, v9  }
0x24f: {  	[tilespmem:s18+$0x4030] =	vst v5;
	v3 =	vmul.f32 v3, v7  }
0x250: {  	[tilespmem:s18+$0x4040] =	vst v4;
	v2 =	vmul.f32 v2, v8  }
0x251: {  	[tilespmem:s18+$0x4050] =	vst v3;
	v1 =	vmul.f32 v1, v63  }
0x252: {  	[tilespmem:s18+$0x4060] =	vst v2  }
0x253: {  	[tilespmem:s18+$0x4070] =	vst v1  }
0x254: {  	_ =	swait.ge [sflag:s25], $0x80  }
0x255: {  	[sflag:s25] =	ssyncset.done $0x0  }
0x256: {  	s11 =	simm.s32 $0x380;
	s26 =	simm.s32 $0x4000;
	[sflag:s25] =	ssyncadd.s32 $0xFFFFFF80  }
0x257: {  	[spmem:s3] =	stream.indirect.scatter.add.f32 [tilespmem:s26], [sflag:$0xF], $0x80, s11, s0, $0xb8;
	[tilespmem:$0x1B480] =	vst v63  }
0x258: {  	_ =	swait.ge [sflag:s17], $0x1400  }
0x259: {  	s11 =	sld [smem:$0x7F9];
	_ =	sdelay $0x2  }
0x25a: {  	s11 =	sadd.s32 @!p1 s15, s11  }
0x25b: {  	s24 =	simm.s32 @!p1 $0x180;
	[sflag:s17] =	ssyncset.done $0x0;
	s11 =	sshrl.u32 @!p1 s11, $0x3  }
0x25c: {  	s18 =	simm.s32 @!p1 $0x0;
	[sflag:s17] =	ssyncadd.s32 $0xFFFFEC00;
	s15 =	sadd.s32 @!p1 s22, s11  }
0x25d: {  	[tilespmem:s24], [sflag:$0x4] =	stream.linear.gather @!p1 [hbm4b:s15+s18], $0x80, $0x38;
	[tilespmem:$0x1B480] =	vst v63  }
0x25e: {  	s11 =	sadd.s32 @!p1 s23, s11;
	s15 =	simm.s32 @!p1 $0x380  }
0x25f: {  	[tilespmem:s15], [sflag:$0x8] =	stream.linear.gather @!p1 [hbm4b:s11+s18], $0x80, $0x38;
	[tilespmem:$0x1B480] =	vst v63  }
0x260: {  	s18 =	sld [smem:$0x7FD];
	_ =	sdelay $0x1  }
.Ltmp10:
0x261: {  	_ = 	snop;
	(pc) =	sbr.rel .LBB2_14-.Ltmp10, $4  }
0x262: {  	s11 =	sadd.s32 s16, s18  }
0x263: {  	s11 =	sshll.u32 s11, $0x4  }
0x264: {  	s26 =	simm.s32 $0x6800;
	s24 =	simm.s32 $0x0;
	s11 =	sadd.s32 s20, s11  }
0x265: {  	[tilespmem:s26], [sflag:$0xE] =	stream.linear.gather [hbm4b:s11+s24], $0x1400, $0x38;
	[tilespmem:$0x1B480] =	vst v63  }
.LBB2_16:
0x266: {  	_ =	sfence.sel $0x180000  }
0x267: {  	[bflag:$0x0] =	sbarrier.arrive $0xFFFF  }
0x268: {  	_ =	strace $0x90000047  }
0x269: {  	s0 =	stileid.u32;
	[bflag:$0x2] =	sbarrier.arrive $0xFFFF  }
0x26a: {  	p0 =	sne.s32 s0, $0x0;
	s0 =	rddreg [dreg:$0x2]  }
0x26b: {  	s0 =	sadd.s32 @!p0 $0x100000, s0  }
0x26c: {  	[sflag:s0] =	ssyncadd.tile.s32 @!p0 $0x1;
	_ =	shalt  }
.Lfunc_end2:
_tile_overlayer_lowered:
.L_overlay_start_2:
0x26d: {  	(tag) =	ssettag $0x2  }
0x26e: {  	s0 =	rddreg [dreg:$0x0];
	s2 =	stileid.u32  }
0x26f: {  	s1 =	rddreg [dreg:$0x1];
	p0 =	sne.s32 s2, $0x0  }
0x270: {  	s3 =	rddreg [dreg:$0x2];
	[bflag:$0x3] =	sbarrier.arrive $0xFFFF;
	s2 =	simm.s32 @!p0 $0x1C0F  }
0x271: {  	[timem:s3], [sflag:s2] =	dma.local @!p0 [hbm:s0], s1  }
0x272: {  	s0 =	simm.s32 @!p0 $0xF  }
0x273: {  	_ =	swait.ge @!p0 [sflag:s0], s1  }
0x274: {  	s1 =	ssub.s32 @!p0 $0x0, s1;
	[sflag:s0] =	ssyncset.done @!p0 $0x0  }
0x275: {  	[sflag:s0] =	ssyncadd.s32 @!p0 s1  }
0x276: {  	[bflag:$0x3] =	sbarrier.arrive $0xFFFF  }
0x277: {  	_ =	shalt  }

</sc_bundles>
